<compile_context>
chip_gen: v7x
topology: tpu7x:2x2x1
jax: 0.10.2.dev20260603
libtpu: 0.0.44.dev20260713+nightly
codegen_flags: <defaults>
</compile_context>

<pallas_src>
import functools
import math

import jax
import jax.numpy as jnp
from jax import lax
from jax.experimental import pallas as pl
from jax.experimental.pallas import tpu as pltpu
from jax.experimental.pallas import tpu_sc as plsc

D = 256
DW = D // 2


_BN = 5000


def _mm_body(x_ref, wlo_ref, whi_ref, y_ref):
    x = x_ref[...]
    for k in range(3):
        lo = jnp.dot(x, wlo_ref[k], preferred_element_type=jnp.float32)
        hi = jnp.dot(x, whi_ref[k], preferred_element_type=jnp.float32)
        lo16 = lax.bitcast_convert_type(
            lo.astype(jnp.bfloat16), jnp.uint16).astype(jnp.int32)
        hi16 = lax.bitcast_convert_type(
            hi.astype(jnp.bfloat16), jnp.uint16).astype(jnp.int32)
        y_ref[k] = lo16 | (hi16 << 16)


def _compute_y_packed(inp, wlo, whi):
    n = inp.shape[0]
    return pl.pallas_call(
        _mm_body,
        grid=(n // _BN,),
        in_specs=[
            pl.BlockSpec((_BN, D), lambda i: (i, 0)),
            pl.BlockSpec((3, D, DW), lambda i: (0, 0, 0)),
            pl.BlockSpec((3, D, DW), lambda i: (0, 0, 0)),
        ],
        out_specs=pl.BlockSpec((3, _BN, DW), lambda i: (0, i, 0)),
        out_shape=jax.ShapeDtypeStruct((3, n, DW), jnp.int32),
    )(inp, wlo, whi)



_R = 80
_LANES = 16


def _gather_sum_call(ypacked, idx0, idx1, idx2, n):
    info = plsc.get_sparse_core_info()
    nw = info.num_cores * info.num_subcores
    chunks = n // _R
    max_c = (chunks + nw - 1) // nw
    rem = chunks - (max_c - 1) * nw
    ipw = max_c * _R

    mesh = plsc.VectorSubcoreMesh(core_axis_name="c", subcore_axis_name="s")

    @functools.partial(
        pl.kernel,
        out_type=jax.ShapeDtypeStruct((n, D), jnp.float32),
        mesh=mesh,
        scratch_types=[
            pltpu.VMEM((3 * ipw,), jnp.int32),
            pltpu.VMEM((2, 3 * _R, DW), jnp.int32),
            pltpu.VMEM((2, _R, D), jnp.float32),
            pltpu.SemaphoreType.DMA,
            pltpu.SemaphoreType.DMA,
            pltpu.SemaphoreType.DMA,
            pltpu.SemaphoreType.DMA,
        ],
    )
    def gather_sum(y_hbm, i0_hbm, i1_hbm, i2_hbm, out_hbm, idx_v, rows_v,
                   out_v, sg0, sg1, so0, so1):
        wid = lax.axis_index("s") * info.num_cores + lax.axis_index("c")
        nc = jnp.where(wid < rem, max_c, max_c - 1)
        c0 = (max_c - 1) * wid + jnp.minimum(wid, rem)

        base = jnp.minimum(c0 * _R, n - ipw)
        shift = c0 * _R - base
        for k, ref in enumerate((i0_hbm, i1_hbm, i2_hbm)):
            pltpu.sync_copy(ref.at[pl.ds(base, ipw)],
                            idx_v.at[pl.ds(k * ipw, ipw)])

        def start_gather(j, buf, sem):
            for k in range(3):
                pltpu.async_copy(
                    y_hbm.at[idx_v.at[pl.ds(k * ipw + shift + j * _R, _R)]],
                    rows_v.at[buf].at[pl.ds(k * _R, _R)], sem)

        def wait_gather(buf, sem):
            for k in range(3):
                pltpu.make_async_copy(
                    y_hbm.at[idx_v.at[pl.ds(0, _R)]],
                    rows_v.at[buf].at[pl.ds(k * _R, _R)], sem).wait()

        def start_out(j, buf, sem):
            pltpu.async_copy(
                out_v.at[buf], out_hbm.at[pl.ds((c0 + j) * _R, _R)], sem)

        def wait_out(buf, sem):
            pltpu.make_async_copy(
                out_v.at[buf], out_hbm.at[pl.ds(0, _R)], sem).wait()

        def compute(buf):
            @plsc.parallel_loop(0, _R, 1, unroll=4)
            def row_body(r):
                for h in range(DW // _LANES):
                    s = pl.ds(h * _LANES, _LANES)
                    w0 = rows_v[buf, r, s]
                    w1 = rows_v[buf, _R + r, s]
                    w2 = rows_v[buf, 2 * _R + r, s]
                    bc = lambda v: lax.bitcast_convert_type(v, jnp.float32)
                    lo = bc(w0 << 16) + bc(w1 << 16) + bc(w2 << 16)
                    mask = jnp.int32(-65536)
                    hi = bc(w0 & mask) + bc(w1 & mask) + bc(w2 & mask)
                    out_v[buf, r, pl.ds(2 * h * _LANES, _LANES)] = lo
                    out_v[buf, r, pl.ds((2 * h + 1) * _LANES, _LANES)] = hi

        start_gather(0, 0, sg0)

        def stage(j, buf, sg_this, sg_next, so_this):
            @pl.when(j < nc)
            def _():
                @pl.when(j + 1 < nc)
                def _():
                    start_gather(j + 1, 1 - buf, sg_next)

                wait_gather(buf, sg_this)

                @pl.when(j >= 2)
                def _():
                    wait_out(buf, so_this)

                compute(buf)
                start_out(j, buf, so_this)

        def pair_body(t, carry):
            stage(2 * t, 0, sg0, sg1, so0)
            stage(2 * t + 1, 1, sg1, sg0, so1)
            return carry

        lax.fori_loop(0, (max_c + 1) // 2, pair_body, 0)

        wait_out(0, so0)
        wait_out(1, so1)

    return gather_sum(ypacked, idx0, idx1, idx2)




def kernel(input, weights, idxs, idxs_bw):
    n = input.shape[0]
    w3 = weights.reshape(3, D, D)

    j = jnp.arange(DW)
    colmap_lo = 32 * (j // 16) + (j % 16)
    wlo = w3[:, :, colmap_lo]
    whi = w3[:, :, colmap_lo + 16]

    yp = _compute_y_packed(input, wlo, whi)
    ypflat = yp.reshape(3 * n, DW)

    idx32 = idxs.astype(jnp.int32)
    idx0 = idx32[:, 0]
    idx1 = idx32[:, 1] + n
    idx2 = idx32[:, 2] + 2 * n

    return _gather_sum_call(ypflat, idx0, idx1, idx2, n)

# --- scband reference (transcript-rebuilt; emitter-appended) ---
"""Pipeline reference for scband-trisum-57423712747823 (READ-ONLY COPY).

The authoritative reference and input builder live on the scoring server;
editing this copy changes nothing except your own understanding.
"""

import jax, jax.numpy as jnp
import numpy as np
import math

STATE_SIZE = 256
N = 50000

def setup_inputs(seed: int = 0) -> dict:
    key = jax.random.key(seed)
    k1, k2, k3, k4 = jax.random.split(key, 4)
    inp = jax.random.normal(k1, (N, STATE_SIZE), dtype=jnp.float32)
    idxs = jax.random.randint(k2, (N, 3), 0, N, dtype=jnp.int64)
    idxs_bw = jax.random.randint(k3, (N, 3), 0, N, dtype=jnp.int64)
    stdv = 1.0 / math.sqrt(STATE_SIZE)
    weights = jax.random.uniform(k4, (3 * STATE_SIZE ** 2,), dtype=jnp.float32, minval=-stdv, maxval=stdv)
    return {"input": inp, "weights": weights, "idxs": idxs, "idxs_bw": idxs_bw}

def reference(input, weights, idxs, idxs_bw):
    # trisum: for each output row n, gather 3 rows of `input` via idxs[n, :],
    # transform each gathered row with its own [d, d] weight matrix, and sum.
    # weights is stored flat as 3 * d^2 (as in the torch module's Parameter).
    d = STATE_SIZE
    W = weights.reshape(3, d, d)
    gathered = jnp.take(input, idxs, axis=0)  # [N, 3, d] gather
    out = jnp.einsum('nkd,kde->ne', gathered, W)  # sum of three matmuls
    return out

if __name__ == "__main__":
    import jax
    _d = setup_inputs()
    print(jax.jit(kernel)(*tuple(_d.values())))

</pallas_src>

<mosaic_0001>
#map = affine_map<(d0, d1) -> (0, 0)>
#map1 = affine_map<(d0, d1) -> (0)>
module attributes {stable_mosaic.version = 14 : i64} {
  func.func @gather_sum(%arg0: i32, %arg1: i32, %arg2: memref<150000x128xi32, #tpu.memory_space<hbm>>, %arg3: memref<50000xi32, #tpu.memory_space<hbm>>, %arg4: memref<50000xi32, #tpu.memory_space<hbm>>, %arg5: memref<50000xi32, #tpu.memory_space<hbm>>, %arg6: memref<50000x256xf32, #tpu.memory_space<hbm>>, %arg7: memref<4800xi32, #tpu.memory_space<vmem>>, %arg8: memref<2x240x128xi32, #tpu.memory_space<vmem>>, %arg9: memref<2x80x256xf32, #tpu.memory_space<vmem>>, %arg10: memref<!tpu.dma_semaphore, #tpu.memory_space<semaphore_mem>>, %arg11: memref<!tpu.dma_semaphore, #tpu.memory_space<semaphore_mem>>, %arg12: memref<!tpu.dma_semaphore, #tpu.memory_space<semaphore_mem>>, %arg13: memref<!tpu.dma_semaphore, #tpu.memory_space<semaphore_mem>>) attributes {dimension_semantics = [#tpu.dimension_semantics<core_parallel>, #tpu.dimension_semantics<subcore_parallel>], iteration_bounds = array<i64: 2, 16>, scalar_prefetch = 0 : i64, scratch_operands = 7 : i64, tpu.core_type = #tpu.core_type<sc_vector_subcore>, window_params = [{transform_indices = #map}, {transform_indices = #map1}, {transform_indices = #map1}, {transform_indices = #map1}, {transform_indices = #map}]} {
    %mul3A = arith.constant 2 : i32
    %mul3A_0 = arith.muli %arg1, %mul3A : i32
    %add3A = arith.addi %mul3A_0, %arg0 : i32
    %lt3A = arith.constant 17 : i32
    %lt3A_1 = arith.cmpi slt, %add3A, %lt3A : i32
    %jit3A = arith.constant 20 : i32
    %jit3A_2 = arith.constant 19 : i32
    %select_n3A = arith.select %lt3A_1, %jit3A, %jit3A_2 : i32
    %mul3A_3 = arith.constant 19 : i32
    %mul3A_4 = arith.muli %mul3A_3, %add3A : i32
    %min3A = arith.constant 17 : i32
    %min3A_5 = arith.minsi %add3A, %min3A : i32
    %add3A_6 = arith.addi %mul3A_4, %min3A_5 : i32
    %mul3A_7 = arith.constant 80 : i32
    %mul3A_8 = arith.muli %add3A_6, %mul3A_7 : i32
    %min3A_9 = arith.constant 48400 : i32
    %min3A_10 = arith.minsi %mul3A_8, %min3A_9 : i32
    %mul3A_11 = arith.constant 80 : i32
    %mul3A_12 = arith.muli %add3A_6, %mul3A_11 : i32
    %sub3A = arith.subi %mul3A_12, %min3A_10 : i32
    "tpu.region"() ({
      %run_scoped3A = tpu.sem_alloc : memref<!tpu.dma_semaphore, #tpu.memory_space<semaphore_mem>>
      %dma_start3A_94 = arith.constant 0 : i32
      %dma_start3A_95 = tpu.memref_slice %arg7[%dma_start3A_94] : memref<4800xi32, #tpu.memory_space<vmem>> -> memref<1600xi32, #tpu.memory_space<vmem>>
      %dma_start3A_96 = tpu.memref_slice %arg3[%min3A_10] : memref<50000xi32, #tpu.memory_space<hbm>> -> memref<1600xi32, #tpu.memory_space<hbm>>
      %dma_start3A_97 = arith.constant 0 : i32
      %dma_start3A_98 = tpu.memref_slice %arg7[%dma_start3A_97] : memref<4800xi32, #tpu.memory_space<vmem>> -> memref<1600xi32, #tpu.memory_space<vmem>>
      %dma_start3A_99 = tpu.memref_slice %arg3[%min3A_10] : memref<50000xi32, #tpu.memory_space<hbm>> -> memref<1600xi32, #tpu.memory_space<hbm>>
      tpu.enqueue_dma source(%dma_start3A_99 : memref<1600xi32, #tpu.memory_space<hbm>>) target(%dma_start3A_98 : memref<1600xi32, #tpu.memory_space<vmem>>) target_semaphore(%run_scoped3A : memref<!tpu.dma_semaphore, #tpu.memory_space<semaphore_mem>>)
      %dma_wait3A_100 = arith.constant 0 : i32
      %dma_wait3A_101 = tpu.memref_slice %arg7[%dma_wait3A_100] : memref<4800xi32, #tpu.memory_space<vmem>> -> memref<1600xi32, #tpu.memory_space<vmem>>
      %dma_wait3A_102 = tpu.memref_slice %arg3[%min3A_10] : memref<50000xi32, #tpu.memory_space<hbm>> -> memref<1600xi32, #tpu.memory_space<hbm>>
      %dma_wait3A_103 = arith.constant 0 : i32
      %dma_wait3A_104 = tpu.memref_slice %arg7[%dma_wait3A_103] : memref<4800xi32, #tpu.memory_space<vmem>> -> memref<1600xi32, #tpu.memory_space<vmem>>
      %dma_wait3A_105 = tpu.memref_slice %arg3[%min3A_10] : memref<50000xi32, #tpu.memory_space<hbm>> -> memref<1600xi32, #tpu.memory_space<hbm>>
      tpu.wait_dma2 semaphore(%run_scoped3A : memref<!tpu.dma_semaphore, #tpu.memory_space<semaphore_mem>>) src(%dma_wait3A_105 : memref<1600xi32, #tpu.memory_space<hbm>>) dst(%dma_wait3A_104 : memref<1600xi32, #tpu.memory_space<vmem>>)
      tpu.yield
    }) : () -> ()
    "tpu.region"() ({
      %run_scoped3A = tpu.sem_alloc : memref<!tpu.dma_semaphore, #tpu.memory_space<semaphore_mem>>
      %dma_start3A_94 = arith.constant 1600 : i32
      %dma_start3A_95 = tpu.memref_slice %arg7[%dma_start3A_94] : memref<4800xi32, #tpu.memory_space<vmem>> -> memref<1600xi32, #tpu.memory_space<vmem>>
      %dma_start3A_96 = tpu.memref_slice %arg4[%min3A_10] : memref<50000xi32, #tpu.memory_space<hbm>> -> memref<1600xi32, #tpu.memory_space<hbm>>
      %dma_start3A_97 = arith.constant 1600 : i32
      %dma_start3A_98 = tpu.memref_slice %arg7[%dma_start3A_97] : memref<4800xi32, #tpu.memory_space<vmem>> -> memref<1600xi32, #tpu.memory_space<vmem>>
      %dma_start3A_99 = tpu.memref_slice %arg4[%min3A_10] : memref<50000xi32, #tpu.memory_space<hbm>> -> memref<1600xi32, #tpu.memory_space<hbm>>
      tpu.enqueue_dma source(%dma_start3A_99 : memref<1600xi32, #tpu.memory_space<hbm>>) target(%dma_start3A_98 : memref<1600xi32, #tpu.memory_space<vmem>>) target_semaphore(%run_scoped3A : memref<!tpu.dma_semaphore, #tpu.memory_space<semaphore_mem>>)
      %dma_wait3A_100 = arith.constant 1600 : i32
      %dma_wait3A_101 = tpu.memref_slice %arg7[%dma_wait3A_100] : memref<4800xi32, #tpu.memory_space<vmem>> -> memref<1600xi32, #tpu.memory_space<vmem>>
      %dma_wait3A_102 = tpu.memref_slice %arg4[%min3A_10] : memref<50000xi32, #tpu.memory_space<hbm>> -> memref<1600xi32, #tpu.memory_space<hbm>>
      %dma_wait3A_103 = arith.constant 1600 : i32
      %dma_wait3A_104 = tpu.memref_slice %arg7[%dma_wait3A_103] : memref<4800xi32, #tpu.memory_space<vmem>> -> memref<1600xi32, #tpu.memory_space<vmem>>
      %dma_wait3A_105 = tpu.memref_slice %arg4[%min3A_10] : memref<50000xi32, #tpu.memory_space<hbm>> -> memref<1600xi32, #tpu.memory_space<hbm>>
      tpu.wait_dma2 semaphore(%run_scoped3A : memref<!tpu.dma_semaphore, #tpu.memory_space<semaphore_mem>>) src(%dma_wait3A_105 : memref<1600xi32, #tpu.memory_space<hbm>>) dst(%dma_wait3A_104 : memref<1600xi32, #tpu.memory_space<vmem>>)
      tpu.yield
    }) : () -> ()
    "tpu.region"() ({
      %run_scoped3A = tpu.sem_alloc : memref<!tpu.dma_semaphore, #tpu.memory_space<semaphore_mem>>
      %dma_start3A_94 = arith.constant 3200 : i32
      %dma_start3A_95 = tpu.memref_slice %arg7[%dma_start3A_94] : memref<4800xi32, #tpu.memory_space<vmem>> -> memref<1600xi32, #tpu.memory_space<vmem>>
      %dma_start3A_96 = tpu.memref_slice %arg5[%min3A_10] : memref<50000xi32, #tpu.memory_space<hbm>> -> memref<1600xi32, #tpu.memory_space<hbm>>
      %dma_start3A_97 = arith.constant 3200 : i32
      %dma_start3A_98 = tpu.memref_slice %arg7[%dma_start3A_97] : memref<4800xi32, #tpu.memory_space<vmem>> -> memref<1600xi32, #tpu.memory_space<vmem>>
      %dma_start3A_99 = tpu.memref_slice %arg5[%min3A_10] : memref<50000xi32, #tpu.memory_space<hbm>> -> memref<1600xi32, #tpu.memory_space<hbm>>
      tpu.enqueue_dma source(%dma_start3A_99 : memref<1600xi32, #tpu.memory_space<hbm>>) target(%dma_start3A_98 : memref<1600xi32, #tpu.memory_space<vmem>>) target_semaphore(%run_scoped3A : memref<!tpu.dma_semaphore, #tpu.memory_space<semaphore_mem>>)
      %dma_wait3A_100 = arith.constant 3200 : i32
      %dma_wait3A_101 = tpu.memref_slice %arg7[%dma_wait3A_100] : memref<4800xi32, #tpu.memory_space<vmem>> -> memref<1600xi32, #tpu.memory_space<vmem>>
      %dma_wait3A_102 = tpu.memref_slice %arg5[%min3A_10] : memref<50000xi32, #tpu.memory_space<hbm>> -> memref<1600xi32, #tpu.memory_space<hbm>>
      %dma_wait3A_103 = arith.constant 3200 : i32
      %dma_wait3A_104 = tpu.memref_slice %arg7[%dma_wait3A_103] : memref<4800xi32, #tpu.memory_space<vmem>> -> memref<1600xi32, #tpu.memory_space<vmem>>
      %dma_wait3A_105 = tpu.memref_slice %arg5[%min3A_10] : memref<50000xi32, #tpu.memory_space<hbm>> -> memref<1600xi32, #tpu.memory_space<hbm>>
      tpu.wait_dma2 semaphore(%run_scoped3A : memref<!tpu.dma_semaphore, #tpu.memory_space<semaphore_mem>>) src(%dma_wait3A_105 : memref<1600xi32, #tpu.memory_space<hbm>>) dst(%dma_wait3A_104 : memref<1600xi32, #tpu.memory_space<vmem>>)
      tpu.yield
    }) : () -> ()
    %add3A_13 = arith.constant 0 : i32
    %add3A_14 = arith.addi %add3A_13, %sub3A : i32
    %add3A_15 = arith.constant 0 : i32
    %add3A_16 = arith.addi %add3A_14, %add3A_15 : i32
    %dma_start3A = arith.constant 0 : i32
    %dma_start3A_17 = arith.constant 0 : i32
    %dma_start3A_18 = arith.constant 0 : i32
    %dma_start3A_19 = tpu.memref_slice %arg8[%dma_start3A, %dma_start3A_17, %dma_start3A_18] : memref<2x240x128xi32, #tpu.memory_space<vmem>> -> memref<1x240x128xi32, #tpu.memory_space<vmem>>
    %dma_start3A_20 = tpu.memref_squeeze %dma_start3A_19 : memref<1x240x128xi32, #tpu.memory_space<vmem>> -> memref<240x128xi32, #tpu.memory_space<vmem>>
    %dma_start3A_21 = arith.constant 0 : i32
    %dma_start3A_22 = arith.constant 0 : i32
    %dma_start3A_23 = tpu.memref_slice %dma_start3A_20[%dma_start3A_21, %dma_start3A_22] : memref<240x128xi32, #tpu.memory_space<vmem>> -> memref<80x128xi32, #tpu.memory_space<vmem>>
    %dma_start3A_24 = tpu.memref_slice %arg7[%add3A_16] : memref<4800xi32, #tpu.memory_space<vmem>> -> memref<80xi32, #tpu.memory_space<vmem>>
    %dma_start3A_25 = arith.constant 0 : i32
    %dma_start3A_26 = arith.constant 0 : i32
    %dma_start3A_27 = tpu.memref_slice %arg2[%dma_start3A_25, %dma_start3A_26] : memref<150000x128xi32, #tpu.memory_space<hbm>> -> memref<150000x128xi32, #tpu.memory_space<hbm>>
    tpu.enqueue_indirect_dma source(%dma_start3A_27 : memref<150000x128xi32, #tpu.memory_space<hbm>>) target(%dma_start3A_23 : memref<80x128xi32, #tpu.memory_space<vmem>>) offsets(%dma_start3A_24 : memref<80xi32, #tpu.memory_space<vmem>>) semaphore(%arg10 : memref<!tpu.dma_semaphore, #tpu.memory_space<semaphore_mem>>)
    %add3A_28 = arith.constant 1600 : i32
    %add3A_29 = arith.addi %add3A_28, %sub3A : i32
    %add3A_30 = arith.constant 0 : i32
    %add3A_31 = arith.addi %add3A_29, %add3A_30 : i32
    %dma_start3A_32 = arith.constant 0 : i32
    %dma_start3A_33 = arith.constant 0 : i32
    %dma_start3A_34 = arith.constant 0 : i32
    %dma_start3A_35 = tpu.memref_slice %arg8[%dma_start3A_32, %dma_start3A_33, %dma_start3A_34] : memref<2x240x128xi32, #tpu.memory_space<vmem>> -> memref<1x240x128xi32, #tpu.memory_space<vmem>>
    %dma_start3A_36 = tpu.memref_squeeze %dma_start3A_35 : memref<1x240x128xi32, #tpu.memory_space<vmem>> -> memref<240x128xi32, #tpu.memory_space<vmem>>
    %dma_start3A_37 = arith.constant 80 : i32
    %dma_start3A_38 = arith.constant 0 : i32
    %dma_start3A_39 = tpu.memref_slice %dma_start3A_36[%dma_start3A_37, %dma_start3A_38] : memref<240x128xi32, #tpu.memory_space<vmem>> -> memref<80x128xi32, #tpu.memory_space<vmem>>
    %dma_start3A_40 = tpu.memref_slice %arg7[%add3A_31] : memref<4800xi32, #tpu.memory_space<vmem>> -> memref<80xi32, #tpu.memory_space<vmem>>
    %dma_start3A_41 = arith.constant 0 : i32
    %dma_start3A_42 = arith.constant 0 : i32
    %dma_start3A_43 = tpu.memref_slice %arg2[%dma_start3A_41, %dma_start3A_42] : memref<150000x128xi32, #tpu.memory_space<hbm>> -> memref<150000x128xi32, #tpu.memory_space<hbm>>
    tpu.enqueue_indirect_dma source(%dma_start3A_43 : memref<150000x128xi32, #tpu.memory_space<hbm>>) target(%dma_start3A_39 : memref<80x128xi32, #tpu.memory_space<vmem>>) offsets(%dma_start3A_40 : memref<80xi32, #tpu.memory_space<vmem>>) semaphore(%arg10 : memref<!tpu.dma_semaphore, #tpu.memory_space<semaphore_mem>>)
    %add3A_44 = arith.constant 3200 : i32
    %add3A_45 = arith.addi %add3A_44, %sub3A : i32
    %add3A_46 = arith.constant 0 : i32
    %add3A_47 = arith.addi %add3A_45, %add3A_46 : i32
    %dma_start3A_48 = arith.constant 0 : i32
    %dma_start3A_49 = arith.constant 0 : i32
    %dma_start3A_50 = arith.constant 0 : i32
    %dma_start3A_51 = tpu.memref_slice %arg8[%dma_start3A_48, %dma_start3A_49, %dma_start3A_50] : memref<2x240x128xi32, #tpu.memory_space<vmem>> -> memref<1x240x128xi32, #tpu.memory_space<vmem>>
    %dma_start3A_52 = tpu.memref_squeeze %dma_start3A_51 : memref<1x240x128xi32, #tpu.memory_space<vmem>> -> memref<240x128xi32, #tpu.memory_space<vmem>>
    %dma_start3A_53 = arith.constant 160 : i32
    %dma_start3A_54 = arith.constant 0 : i32
    %dma_start3A_55 = tpu.memref_slice %dma_start3A_52[%dma_start3A_53, %dma_start3A_54] : memref<240x128xi32, #tpu.memory_space<vmem>> -> memref<80x128xi32, #tpu.memory_space<vmem>>
    %dma_start3A_56 = tpu.memref_slice %arg7[%add3A_47] : memref<4800xi32, #tpu.memory_space<vmem>> -> memref<80xi32, #tpu.memory_space<vmem>>
    %dma_start3A_57 = arith.constant 0 : i32
    %dma_start3A_58 = arith.constant 0 : i32
    %dma_start3A_59 = tpu.memref_slice %arg2[%dma_start3A_57, %dma_start3A_58] : memref<150000x128xi32, #tpu.memory_space<hbm>> -> memref<150000x128xi32, #tpu.memory_space<hbm>>
    tpu.enqueue_indirect_dma source(%dma_start3A_59 : memref<150000x128xi32, #tpu.memory_space<hbm>>) target(%dma_start3A_55 : memref<80x128xi32, #tpu.memory_space<vmem>>) offsets(%dma_start3A_56 : memref<80xi32, #tpu.memory_space<vmem>>) semaphore(%arg10 : memref<!tpu.dma_semaphore, #tpu.memory_space<semaphore_mem>>)
    %scan3A = arith.constant 0 : i32
    %scan3A_60 = arith.constant 0 : i32
    %scan3A_61 = arith.constant 10 : i32
    %scan3A_62 = arith.addi %scan3A_60, %scan3A_61 : i32
    %scan3A_63 = arith.constant 1 : i32
    scf.for %scan3A_94 = %scan3A_60 to %scan3A_62 step %scan3A_63  : i32 {
      %mul3A_95 = arith.constant 2 : i32
      %mul3A_96 = arith.muli %mul3A_95, %scan3A_94 : i32
      %lt3A_97 = arith.cmpi slt, %mul3A_96, %select_n3A : i32
      %convert_element_type3A = arith.extui %lt3A_97 : i1 to i32
      %cond3A = arith.constant 0 : i32
      %cond3A_98 = arith.cmpi ne, %convert_element_type3A, %cond3A : i32
      scf.if %cond3A_98 {
        %add3A_107 = arith.constant 1 : i32
        %add3A_108 = arith.addi %mul3A_96, %add3A_107 : i32
        %lt3A_109 = arith.cmpi slt, %add3A_108, %select_n3A : i32
        %convert_element_type3A_110 = arith.extui %lt3A_109 : i1 to i32
        %cond3A_111 = arith.constant 0 : i32
        %cond3A_112 = arith.cmpi ne, %convert_element_type3A_110, %cond3A_111 : i32
        scf.if %cond3A_112 {
          %add3A_174 = arith.constant 1 : i32
          %add3A_175 = arith.addi %mul3A_96, %add3A_174 : i32
          %add3A_176 = arith.constant 0 : i32
          %add3A_177 = arith.addi %add3A_176, %sub3A : i32
          %mul3A_178 = arith.constant 80 : i32
          %mul3A_179 = arith.muli %add3A_175, %mul3A_178 : i32
          %add3A_180 = arith.addi %add3A_177, %mul3A_179 : i32
          %dma_start3A_181 = arith.constant 1 : i32
          %dma_start3A_182 = arith.constant 0 : i32
          %dma_start3A_183 = arith.constant 0 : i32
          %dma_start3A_184 = tpu.memref_slice %arg8[%dma_start3A_181, %dma_start3A_182, %dma_start3A_183] : memref<2x240x128xi32, #tpu.memory_space<vmem>> -> memref<1x240x128xi32, #tpu.memory_space<vmem>>
          %dma_start3A_185 = tpu.memref_squeeze %dma_start3A_184 : memref<1x240x128xi32, #tpu.memory_space<vmem>> -> memref<240x128xi32, #tpu.memory_space<vmem>>
          %dma_start3A_186 = arith.constant 0 : i32
          %dma_start3A_187 = arith.constant 0 : i32
          %dma_start3A_188 = tpu.memref_slice %dma_start3A_185[%dma_start3A_186, %dma_start3A_187] : memref<240x128xi32, #tpu.memory_space<vmem>> -> memref<80x128xi32, #tpu.memory_space<vmem>>
          %dma_start3A_189 = tpu.memref_slice %arg7[%add3A_180] : memref<4800xi32, #tpu.memory_space<vmem>> -> memref<80xi32, #tpu.memory_space<vmem>>
          %dma_start3A_190 = arith.constant 0 : i32
          %dma_start3A_191 = arith.constant 0 : i32
          %dma_start3A_192 = tpu.memref_slice %arg2[%dma_start3A_190, %dma_start3A_191] : memref<150000x128xi32, #tpu.memory_space<hbm>> -> memref<150000x128xi32, #tpu.memory_space<hbm>>
          tpu.enqueue_indirect_dma source(%dma_start3A_192 : memref<150000x128xi32, #tpu.memory_space<hbm>>) target(%dma_start3A_188 : memref<80x128xi32, #tpu.memory_space<vmem>>) offsets(%dma_start3A_189 : memref<80xi32, #tpu.memory_space<vmem>>) semaphore(%arg11 : memref<!tpu.dma_semaphore, #tpu.memory_space<semaphore_mem>>)
          %add3A_193 = arith.constant 1600 : i32
          %add3A_194 = arith.addi %add3A_193, %sub3A : i32
          %mul3A_195 = arith.constant 80 : i32
          %mul3A_196 = arith.muli %add3A_175, %mul3A_195 : i32
          %add3A_197 = arith.addi %add3A_194, %mul3A_196 : i32
          %dma_start3A_198 = arith.constant 1 : i32
          %dma_start3A_199 = arith.constant 0 : i32
          %dma_start3A_200 = arith.constant 0 : i32
          %dma_start3A_201 = tpu.memref_slice %arg8[%dma_start3A_198, %dma_start3A_199, %dma_start3A_200] : memref<2x240x128xi32, #tpu.memory_space<vmem>> -> memref<1x240x128xi32, #tpu.memory_space<vmem>>
          %dma_start3A_202 = tpu.memref_squeeze %dma_start3A_201 : memref<1x240x128xi32, #tpu.memory_space<vmem>> -> memref<240x128xi32, #tpu.memory_space<vmem>>
          %dma_start3A_203 = arith.constant 80 : i32
          %dma_start3A_204 = arith.constant 0 : i32
          %dma_start3A_205 = tpu.memref_slice %dma_start3A_202[%dma_start3A_203, %dma_start3A_204] : memref<240x128xi32, #tpu.memory_space<vmem>> -> memref<80x128xi32, #tpu.memory_space<vmem>>
          %dma_start3A_206 = tpu.memref_slice %arg7[%add3A_197] : memref<4800xi32, #tpu.memory_space<vmem>> -> memref<80xi32, #tpu.memory_space<vmem>>
          %dma_start3A_207 = arith.constant 0 : i32
          %dma_start3A_208 = arith.constant 0 : i32
          %dma_start3A_209 = tpu.memref_slice %arg2[%dma_start3A_207, %dma_start3A_208] : memref<150000x128xi32, #tpu.memory_space<hbm>> -> memref<150000x128xi32, #tpu.memory_space<hbm>>
          tpu.enqueue_indirect_dma source(%dma_start3A_209 : memref<150000x128xi32, #tpu.memory_space<hbm>>) target(%dma_start3A_205 : memref<80x128xi32, #tpu.memory_space<vmem>>) offsets(%dma_start3A_206 : memref<80xi32, #tpu.memory_space<vmem>>) semaphore(%arg11 : memref<!tpu.dma_semaphore, #tpu.memory_space<semaphore_mem>>)
          %add3A_210 = arith.constant 3200 : i32
          %add3A_211 = arith.addi %add3A_210, %sub3A : i32
          %mul3A_212 = arith.constant 80 : i32
          %mul3A_213 = arith.muli %add3A_175, %mul3A_212 : i32
          %add3A_214 = arith.addi %add3A_211, %mul3A_213 : i32
          %dma_start3A_215 = arith.constant 1 : i32
          %dma_start3A_216 = arith.constant 0 : i32
          %dma_start3A_217 = arith.constant 0 : i32
          %dma_start3A_218 = tpu.memref_slice %arg8[%dma_start3A_215, %dma_start3A_216, %dma_start3A_217] : memref<2x240x128xi32, #tpu.memory_space<vmem>> -> memref<1x240x128xi32, #tpu.memory_space<vmem>>
          %dma_start3A_219 = tpu.memref_squeeze %dma_start3A_218 : memref<1x240x128xi32, #tpu.memory_space<vmem>> -> memref<240x128xi32, #tpu.memory_space<vmem>>
          %dma_start3A_220 = arith.constant 160 : i32
          %dma_start3A_221 = arith.constant 0 : i32
          %dma_start3A_222 = tpu.memref_slice %dma_start3A_219[%dma_start3A_220, %dma_start3A_221] : memref<240x128xi32, #tpu.memory_space<vmem>> -> memref<80x128xi32, #tpu.memory_space<vmem>>
          %dma_start3A_223 = tpu.memref_slice %arg7[%add3A_214] : memref<4800xi32, #tpu.memory_space<vmem>> -> memref<80xi32, #tpu.memory_space<vmem>>
          %dma_start3A_224 = arith.constant 0 : i32
          %dma_start3A_225 = arith.constant 0 : i32
          %dma_start3A_226 = tpu.memref_slice %arg2[%dma_start3A_224, %dma_start3A_225] : memref<150000x128xi32, #tpu.memory_space<hbm>> -> memref<150000x128xi32, #tpu.memory_space<hbm>>
          tpu.enqueue_indirect_dma source(%dma_start3A_226 : memref<150000x128xi32, #tpu.memory_space<hbm>>) target(%dma_start3A_222 : memref<80x128xi32, #tpu.memory_space<vmem>>) offsets(%dma_start3A_223 : memref<80xi32, #tpu.memory_space<vmem>>) semaphore(%arg11 : memref<!tpu.dma_semaphore, #tpu.memory_space<semaphore_mem>>)
        } else {
        }
        %dma_wait3A_113 = arith.constant 0 : i32
        %dma_wait3A_114 = arith.constant 0 : i32
        %dma_wait3A_115 = arith.constant 0 : i32
        %dma_wait3A_116 = tpu.memref_slice %arg8[%dma_wait3A_113, %dma_wait3A_114, %dma_wait3A_115] : memref<2x240x128xi32, #tpu.memory_space<vmem>> -> memref<1x240x128xi32, #tpu.memory_space<vmem>>
        %dma_wait3A_117 = tpu.memref_squeeze %dma_wait3A_116 : memref<1x240x128xi32, #tpu.memory_space<vmem>> -> memref<240x128xi32, #tpu.memory_space<vmem>>
        %dma_wait3A_118 = arith.constant 0 : i32
        %dma_wait3A_119 = arith.constant 0 : i32
        %dma_wait3A_120 = tpu.memref_slice %dma_wait3A_117[%dma_wait3A_118, %dma_wait3A_119] : memref<240x128xi32, #tpu.memory_space<vmem>> -> memref<80x128xi32, #tpu.memory_space<vmem>>
        %dma_wait3A_121 = arith.constant 0 : i32
        %dma_wait3A_122 = tpu.memref_slice %arg7[%dma_wait3A_121] : memref<4800xi32, #tpu.memory_space<vmem>> -> memref<80xi32, #tpu.memory_space<vmem>>
        %dma_wait3A_123 = arith.constant 0 : i32
        %dma_wait3A_124 = arith.constant 0 : i32
        %dma_wait3A_125 = tpu.memref_slice %arg2[%dma_wait3A_123, %dma_wait3A_124] : memref<150000x128xi32, #tpu.memory_space<hbm>> -> memref<150000x128xi32, #tpu.memory_space<hbm>>
        tpu.wait_indirect_dma semaphore(%arg10 : memref<!tpu.dma_semaphore, #tpu.memory_space<semaphore_mem>>) src(%dma_wait3A_125 : memref<150000x128xi32, #tpu.memory_space<hbm>>) dst(%dma_wait3A_120 : memref<80x128xi32, #tpu.memory_space<vmem>>)
        %dma_wait3A_126 = arith.constant 0 : i32
        %dma_wait3A_127 = arith.constant 0 : i32
        %dma_wait3A_128 = arith.constant 0 : i32
        %dma_wait3A_129 = tpu.memref_slice %arg8[%dma_wait3A_126, %dma_wait3A_127, %dma_wait3A_128] : memref<2x240x128xi32, #tpu.memory_space<vmem>> -> memref<1x240x128xi32, #tpu.memory_space<vmem>>
        %dma_wait3A_130 = tpu.memref_squeeze %dma_wait3A_129 : memref<1x240x128xi32, #tpu.memory_space<vmem>> -> memref<240x128xi32, #tpu.memory_space<vmem>>
        %dma_wait3A_131 = arith.constant 80 : i32
        %dma_wait3A_132 = arith.constant 0 : i32
        %dma_wait3A_133 = tpu.memref_slice %dma_wait3A_130[%dma_wait3A_131, %dma_wait3A_132] : memref<240x128xi32, #tpu.memory_space<vmem>> -> memref<80x128xi32, #tpu.memory_space<vmem>>
        %dma_wait3A_134 = arith.constant 0 : i32
        %dma_wait3A_135 = tpu.memref_slice %arg7[%dma_wait3A_134] : memref<4800xi32, #tpu.memory_space<vmem>> -> memref<80xi32, #tpu.memory_space<vmem>>
        %dma_wait3A_136 = arith.constant 0 : i32
        %dma_wait3A_137 = arith.constant 0 : i32
        %dma_wait3A_138 = tpu.memref_slice %arg2[%dma_wait3A_136, %dma_wait3A_137] : memref<150000x128xi32, #tpu.memory_space<hbm>> -> memref<150000x128xi32, #tpu.memory_space<hbm>>
        tpu.wait_indirect_dma semaphore(%arg10 : memref<!tpu.dma_semaphore, #tpu.memory_space<semaphore_mem>>) src(%dma_wait3A_138 : memref<150000x128xi32, #tpu.memory_space<hbm>>) dst(%dma_wait3A_133 : memref<80x128xi32, #tpu.memory_space<vmem>>)
        %dma_wait3A_139 = arith.constant 0 : i32
        %dma_wait3A_140 = arith.constant 0 : i32
        %dma_wait3A_141 = arith.constant 0 : i32
        %dma_wait3A_142 = tpu.memref_slice %arg8[%dma_wait3A_139, %dma_wait3A_140, %dma_wait3A_141] : memref<2x240x128xi32, #tpu.memory_space<vmem>> -> memref<1x240x128xi32, #tpu.memory_space<vmem>>
        %dma_wait3A_143 = tpu.memref_squeeze %dma_wait3A_142 : memref<1x240x128xi32, #tpu.memory_space<vmem>> -> memref<240x128xi32, #tpu.memory_space<vmem>>
        %dma_wait3A_144 = arith.constant 160 : i32
        %dma_wait3A_145 = arith.constant 0 : i32
        %dma_wait3A_146 = tpu.memref_slice %dma_wait3A_143[%dma_wait3A_144, %dma_wait3A_145] : memref<240x128xi32, #tpu.memory_space<vmem>> -> memref<80x128xi32, #tpu.memory_space<vmem>>
        %dma_wait3A_147 = arith.constant 0 : i32
        %dma_wait3A_148 = tpu.memref_slice %arg7[%dma_wait3A_147] : memref<4800xi32, #tpu.memory_space<vmem>> -> memref<80xi32, #tpu.memory_space<vmem>>
        %dma_wait3A_149 = arith.constant 0 : i32
        %dma_wait3A_150 = arith.constant 0 : i32
        %dma_wait3A_151 = tpu.memref_slice %arg2[%dma_wait3A_149, %dma_wait3A_150] : memref<150000x128xi32, #tpu.memory_space<hbm>> -> memref<150000x128xi32, #tpu.memory_space<hbm>>
        tpu.wait_indirect_dma semaphore(%arg10 : memref<!tpu.dma_semaphore, #tpu.memory_space<semaphore_mem>>) src(%dma_wait3A_151 : memref<150000x128xi32, #tpu.memory_space<hbm>>) dst(%dma_wait3A_146 : memref<80x128xi32, #tpu.memory_space<vmem>>)
        %ge3A = arith.constant 2 : i32
        %ge3A_152 = arith.cmpi sge, %mul3A_96, %ge3A : i32
        %convert_element_type3A_153 = arith.extui %ge3A_152 : i1 to i32
        %cond3A_154 = arith.constant 0 : i32
        %cond3A_155 = arith.cmpi ne, %convert_element_type3A_153, %cond3A_154 : i32
        scf.if %cond3A_155 {
          %dma_wait3A_174 = arith.constant 0 : i32
          %dma_wait3A_175 = arith.constant 0 : i32
          %dma_wait3A_176 = arith.constant 0 : i32
          %dma_wait3A_177 = tpu.memref_slice %arg9[%dma_wait3A_174, %dma_wait3A_175, %dma_wait3A_176] : memref<2x80x256xf32, #tpu.memory_space<vmem>> -> memref<1x80x256xf32, #tpu.memory_space<vmem>>
          %dma_wait3A_178 = tpu.memref_squeeze %dma_wait3A_177 : memref<1x80x256xf32, #tpu.memory_space<vmem>> -> memref<80x256xf32, #tpu.memory_space<vmem>>
          %dma_wait3A_179 = arith.constant 0 : i32
          %dma_wait3A_180 = arith.constant 0 : i32
          %dma_wait3A_181 = tpu.memref_slice %arg6[%dma_wait3A_179, %dma_wait3A_180] : memref<50000x256xf32, #tpu.memory_space<hbm>> -> memref<80x256xf32, #tpu.memory_space<hbm>>
          %dma_wait3A_182 = arith.constant 0 : i32
          %dma_wait3A_183 = arith.constant 0 : i32
          %dma_wait3A_184 = tpu.memref_slice %arg6[%dma_wait3A_182, %dma_wait3A_183] : memref<50000x256xf32, #tpu.memory_space<hbm>> -> memref<80x256xf32, #tpu.memory_space<hbm>>
          %dma_wait3A_185 = arith.constant 0 : i32
          %dma_wait3A_186 = arith.constant 0 : i32
          %dma_wait3A_187 = tpu.memref_slice %arg9[%dma_wait3A_174, %dma_wait3A_185, %dma_wait3A_186] : memref<2x80x256xf32, #tpu.memory_space<vmem>> -> memref<1x80x256xf32, #tpu.memory_space<vmem>>
          %dma_wait3A_188 = tpu.memref_squeeze %dma_wait3A_187 : memref<1x80x256xf32, #tpu.memory_space<vmem>> -> memref<80x256xf32, #tpu.memory_space<vmem>>
          tpu.wait_dma2 semaphore(%arg12 : memref<!tpu.dma_semaphore, #tpu.memory_space<semaphore_mem>>) src(%dma_wait3A_188 : memref<80x256xf32, #tpu.memory_space<vmem>>) dst(%dma_wait3A_184 : memref<80x256xf32, #tpu.memory_space<hbm>>)
        } else {
        }
        %parallel_loop3A = arith.constant 0 : i32
        %parallel_loop3A_156 = arith.constant 80 : i32
        %parallel_loop3A_157 = arith.constant 1 : i32
        scf.for %parallel_loop3A_174 = %parallel_loop3A to %parallel_loop3A_156 step %parallel_loop3A_157  : i32 {
          %parallel_loop3A_175 = arith.constant 0 : i32
          %parallel_loop3A_176 = arith.index_cast %parallel_loop3A_175 : i32 to index
          %parallel_loop3A_177 = arith.index_cast %parallel_loop3A_174 : i32 to index
          %parallel_loop3A_178 = arith.constant 0 : index
          %parallel_loop3A_179 = tpu.vector_load %arg8[%parallel_loop3A_176, %parallel_loop3A_177, %parallel_loop3A_178] {strides = array<i32>} : memref<2x240x128xi32, #tpu.memory_space<vmem>>, vector<1x1x16xi32>,
          %parallel_loop3A_180 = vector.shape_cast %parallel_loop3A_179 : vector<1x1x16xi32> to vector<16xi32>
          %parallel_loop3A_181 = arith.constant 80 : i32
          %parallel_loop3A_182 = arith.addi %parallel_loop3A_181, %parallel_loop3A_174 : i32
          %parallel_loop3A_183 = arith.constant 0 : i32
          %parallel_loop3A_184 = arith.index_cast %parallel_loop3A_183 : i32 to index
          %parallel_loop3A_185 = arith.index_cast %parallel_loop3A_182 : i32 to index
          %parallel_loop3A_186 = arith.constant 0 : index
          %parallel_loop3A_187 = tpu.vector_load %arg8[%parallel_loop3A_184, %parallel_loop3A_185, %parallel_loop3A_186] {strides = array<i32>} : memref<2x240x128xi32, #tpu.memory_space<vmem>>, vector<1x1x16xi32>,
          %parallel_loop3A_188 = vector.shape_cast %parallel_loop3A_187 : vector<1x1x16xi32> to vector<16xi32>
          %parallel_loop3A_189 = arith.constant 160 : i32
          %parallel_loop3A_190 = arith.addi %parallel_loop3A_189, %parallel_loop3A_174 : i32
          %parallel_loop3A_191 = arith.constant 0 : i32
          %parallel_loop3A_192 = arith.index_cast %parallel_loop3A_191 : i32 to index
          %parallel_loop3A_193 = arith.index_cast %parallel_loop3A_190 : i32 to index
          %parallel_loop3A_194 = arith.constant 0 : index
          %parallel_loop3A_195 = tpu.vector_load %arg8[%parallel_loop3A_192, %parallel_loop3A_193, %parallel_loop3A_194] {strides = array<i32>} : memref<2x240x128xi32, #tpu.memory_space<vmem>>, vector<1x1x16xi32>,
          %parallel_loop3A_196 = vector.shape_cast %parallel_loop3A_195 : vector<1x1x16xi32> to vector<16xi32>
          %parallel_loop3A_197 = arith.constant 16 : i32
          %parallel_loop3A_198 = vector.broadcast %parallel_loop3A_197 : i32 to vector<16xi32>
          %parallel_loop3A_199 = arith.shli %parallel_loop3A_180, %parallel_loop3A_198 : vector<16xi32>
          %parallel_loop3A_200 = tpu.bitcast %parallel_loop3A_199 : vector<16xi32> -> vector<16xf32>
          %parallel_loop3A_201 = arith.constant 16 : i32
          %parallel_loop3A_202 = vector.broadcast %parallel_loop3A_201 : i32 to vector<16xi32>
          %parallel_loop3A_203 = arith.shli %parallel_loop3A_188, %parallel_loop3A_202 : vector<16xi32>
          %parallel_loop3A_204 = tpu.bitcast %parallel_loop3A_203 : vector<16xi32> -> vector<16xf32>
          %parallel_loop3A_205 = arith.addf %parallel_loop3A_200, %parallel_loop3A_204 : vector<16xf32>
          %parallel_loop3A_206 = arith.constant 16 : i32
          %parallel_loop3A_207 = vector.broadcast %parallel_loop3A_206 : i32 to vector<16xi32>
          %parallel_loop3A_208 = arith.shli %parallel_loop3A_196, %parallel_loop3A_207 : vector<16xi32>
          %parallel_loop3A_209 = tpu.bitcast %parallel_loop3A_208 : vector<16xi32> -> vector<16xf32>
          %parallel_loop3A_210 = arith.addf %parallel_loop3A_205, %parallel_loop3A_209 : vector<16xf32>
          %parallel_loop3A_211 = arith.constant -65536 : i32
          %parallel_loop3A_212 = vector.broadcast %parallel_loop3A_211 : i32 to vector<16xi32>
          %parallel_loop3A_213 = arith.andi %parallel_loop3A_180, %parallel_loop3A_212 : vector<16xi32>
          %parallel_loop3A_214 = tpu.bitcast %parallel_loop3A_213 : vector<16xi32> -> vector<16xf32>
          %parallel_loop3A_215 = arith.constant -65536 : i32
          %parallel_loop3A_216 = vector.broadcast %parallel_loop3A_215 : i32 to vector<16xi32>
          %parallel_loop3A_217 = arith.andi %parallel_loop3A_188, %parallel_loop3A_216 : vector<16xi32>
          %parallel_loop3A_218 = tpu.bitcast %parallel_loop3A_217 : vector<16xi32> -> vector<16xf32>
          %parallel_loop3A_219 = arith.addf %parallel_loop3A_214, %parallel_loop3A_218 : vector<16xf32>
          %parallel_loop3A_220 = arith.constant -65536 : i32
          %parallel_loop3A_221 = vector.broadcast %parallel_loop3A_220 : i32 to vector<16xi32>
          %parallel_loop3A_222 = arith.andi %parallel_loop3A_196, %parallel_loop3A_221 : vector<16xi32>
          %parallel_loop3A_223 = tpu.bitcast %parallel_loop3A_222 : vector<16xi32> -> vector<16xf32>
          %parallel_loop3A_224 = arith.addf %parallel_loop3A_219, %parallel_loop3A_223 : vector<16xf32>
          %parallel_loop3A_225 = arith.constant 0 : i32
          %parallel_loop3A_226 = arith.index_cast %parallel_loop3A_225 : i32 to index
          %parallel_loop3A_227 = arith.index_cast %parallel_loop3A_174 : i32 to index
          %parallel_loop3A_228 = arith.constant 0 : index
          %parallel_loop3A_229 = tpu.vector_load %arg9[%parallel_loop3A_226, %parallel_loop3A_227, %parallel_loop3A_228] {strides = array<i32>} : memref<2x80x256xf32, #tpu.memory_space<vmem>>, vector<1x1x16xf32>,
          %parallel_loop3A_230 = vector.shape_cast %parallel_loop3A_229 : vector<1x1x16xf32> to vector<16xf32>
          %parallel_loop3A_231 = vector.shape_cast %parallel_loop3A_210 : vector<16xf32> to vector<1x1x16xf32>
          tpu.vector_store %arg9[%parallel_loop3A_226, %parallel_loop3A_227, %parallel_loop3A_228], %parallel_loop3A_231 {strides = array<i32>} : memref<2x80x256xf32, #tpu.memory_space<vmem>>, vector<1x1x16xf32>,
          %parallel_loop3A_232 = arith.constant 0 : i32
          %parallel_loop3A_233 = arith.index_cast %parallel_loop3A_232 : i32 to index
          %parallel_loop3A_234 = arith.index_cast %parallel_loop3A_174 : i32 to index
          %parallel_loop3A_235 = arith.constant 16 : index
          %parallel_loop3A_236 = tpu.vector_load %arg9[%parallel_loop3A_233, %parallel_loop3A_234, %parallel_loop3A_235] {strides = array<i32>} : memref<2x80x256xf32, #tpu.memory_space<vmem>>, vector<1x1x16xf32>,
          %parallel_loop3A_237 = vector.shape_cast %parallel_loop3A_236 : vector<1x1x16xf32> to vector<16xf32>
          %parallel_loop3A_238 = vector.shape_cast %parallel_loop3A_224 : vector<16xf32> to vector<1x1x16xf32>
          tpu.vector_store %arg9[%parallel_loop3A_233, %parallel_loop3A_234, %parallel_loop3A_235], %parallel_loop3A_238 {strides = array<i32>} : memref<2x80x256xf32, #tpu.memory_space<vmem>>, vector<1x1x16xf32>,
          %parallel_loop3A_239 = arith.constant 0 : i32
          %parallel_loop3A_240 = arith.index_cast %parallel_loop3A_239 : i32 to index
          %parallel_loop3A_241 = arith.index_cast %parallel_loop3A_174 : i32 to index
          %parallel_loop3A_242 = arith.constant 16 : index
          %parallel_loop3A_243 = tpu.vector_load %arg8[%parallel_loop3A_240, %parallel_loop3A_241, %parallel_loop3A_242] {strides = array<i32>} : memref<2x240x128xi32, #tpu.memory_space<vmem>>, vector<1x1x16xi32>,
          %parallel_loop3A_244 = vector.shape_cast %parallel_loop3A_243 : vector<1x1x16xi32> to vector<16xi32>
          %parallel_loop3A_245 = arith.constant 80 : i32
          %parallel_loop3A_246 = arith.addi %parallel_loop3A_245, %parallel_loop3A_174 : i32
          %parallel_loop3A_247 = arith.constant 0 : i32
          %parallel_loop3A_248 = arith.index_cast %parallel_loop3A_247 : i32 to index
          %parallel_loop3A_249 = arith.index_cast %parallel_loop3A_246 : i32 to index
          %parallel_loop3A_250 = arith.constant 16 : index
          %parallel_loop3A_251 = tpu.vector_load %arg8[%parallel_loop3A_248, %parallel_loop3A_249, %parallel_loop3A_250] {strides = array<i32>} : memref<2x240x128xi32, #tpu.memory_space<vmem>>, vector<1x1x16xi32>,
          %parallel_loop3A_252 = vector.shape_cast %parallel_loop3A_251 : vector<1x1x16xi32> to vector<16xi32>
          %parallel_loop3A_253 = arith.constant 160 : i32
          %parallel_loop3A_254 = arith.addi %parallel_loop3A_253, %parallel_loop3A_174 : i32
          %parallel_loop3A_255 = arith.constant 0 : i32
          %parallel_loop3A_256 = arith.index_cast %parallel_loop3A_255 : i32 to index
          %parallel_loop3A_257 = arith.index_cast %parallel_loop3A_254 : i32 to index
          %parallel_loop3A_258 = arith.constant 16 : index
          %parallel_loop3A_259 = tpu.vector_load %arg8[%parallel_loop3A_256, %parallel_loop3A_257, %parallel_loop3A_258] {strides = array<i32>} : memref<2x240x128xi32, #tpu.memory_space<vmem>>, vector<1x1x16xi32>,
          %parallel_loop3A_260 = vector.shape_cast %parallel_loop3A_259 : vector<1x1x16xi32> to vector<16xi32>
          %parallel_loop3A_261 = arith.constant 16 : i32
          %parallel_loop3A_262 = vector.broadcast %parallel_loop3A_261 : i32 to vector<16xi32>
          %parallel_loop3A_263 = arith.shli %parallel_loop3A_244, %parallel_loop3A_262 : vector<16xi32>
          %parallel_loop3A_264 = tpu.bitcast %parallel_loop3A_263 : vector<16xi32> -> vector<16xf32>
          %parallel_loop3A_265 = arith.constant 16 : i32
          %parallel_loop3A_266 = vector.broadcast %parallel_loop3A_265 : i32 to vector<16xi32>
          %parallel_loop3A_267 = arith.shli %parallel_loop3A_252, %parallel_loop3A_266 : vector<16xi32>
          %parallel_loop3A_268 = tpu.bitcast %parallel_loop3A_267 : vector<16xi32> -> vector<16xf32>
          %parallel_loop3A_269 = arith.addf %parallel_loop3A_264, %parallel_loop3A_268 : vector<16xf32>
          %parallel_loop3A_270 = arith.constant 16 : i32
          %parallel_loop3A_271 = vector.broadcast %parallel_loop3A_270 : i32 to vector<16xi32>
          %parallel_loop3A_272 = arith.shli %parallel_loop3A_260, %parallel_loop3A_271 : vector<16xi32>
          %parallel_loop3A_273 = tpu.bitcast %parallel_loop3A_272 : vector<16xi32> -> vector<16xf32>
          %parallel_loop3A_274 = arith.addf %parallel_loop3A_269, %parallel_loop3A_273 : vector<16xf32>
          %parallel_loop3A_275 = arith.constant -65536 : i32
          %parallel_loop3A_276 = vector.broadcast %parallel_loop3A_275 : i32 to vector<16xi32>
          %parallel_loop3A_277 = arith.andi %parallel_loop3A_244, %parallel_loop3A_276 : vector<16xi32>
          %parallel_loop3A_278 = tpu.bitcast %parallel_loop3A_277 : vector<16xi32> -> vector<16xf32>
          %parallel_loop3A_279 = arith.constant -65536 : i32
          %parallel_loop3A_280 = vector.broadcast %parallel_loop3A_279 : i32 to vector<16xi32>
          %parallel_loop3A_281 = arith.andi %parallel_loop3A_252, %parallel_loop3A_280 : vector<16xi32>
          %parallel_loop3A_282 = tpu.bitcast %parallel_loop3A_281 : vector<16xi32> -> vector<16xf32>
          %parallel_loop3A_283 = arith.addf %parallel_loop3A_278, %parallel_loop3A_282 : vector<16xf32>
          %parallel_loop3A_284 = arith.constant -65536 : i32
          %parallel_loop3A_285 = vector.broadcast %parallel_loop3A_284 : i32 to vector<16xi32>
          %parallel_loop3A_286 = arith.andi %parallel_loop3A_260, %parallel_loop3A_285 : vector<16xi32>
          %parallel_loop3A_287 = tpu.bitcast %parallel_loop3A_286 : vector<16xi32> -> vector<16xf32>
          %parallel_loop3A_288 = arith.addf %parallel_loop3A_283, %parallel_loop3A_287 : vector<16xf32>
          %parallel_loop3A_289 = arith.constant 0 : i32
          %parallel_loop3A_290 = arith.index_cast %parallel_loop3A_289 : i32 to index
          %parallel_loop3A_291 = arith.index_cast %parallel_loop3A_174 : i32 to index
          %parallel_loop3A_292 = arith.constant 32 : index
          %parallel_loop3A_293 = tpu.vector_load %arg9[%parallel_loop3A_290, %parallel_loop3A_291, %parallel_loop3A_292] {strides = array<i32>} : memref<2x80x256xf32, #tpu.memory_space<vmem>>, vector<1x1x16xf32>,
          %parallel_loop3A_294 = vector.shape_cast %parallel_loop3A_293 : vector<1x1x16xf32> to vector<16xf32>
          %parallel_loop3A_295 = vector.shape_cast %parallel_loop3A_274 : vector<16xf32> to vector<1x1x16xf32>
          tpu.vector_store %arg9[%parallel_loop3A_290, %parallel_loop3A_291, %parallel_loop3A_292], %parallel_loop3A_295 {strides = array<i32>} : memref<2x80x256xf32, #tpu.memory_space<vmem>>, vector<1x1x16xf32>,
          %parallel_loop3A_296 = arith.constant 0 : i32
          %parallel_loop3A_297 = arith.index_cast %parallel_loop3A_296 : i32 to index
          %parallel_loop3A_298 = arith.index_cast %parallel_loop3A_174 : i32 to index
          %parallel_loop3A_299 = arith.constant 48 : index
          %parallel_loop3A_300 = tpu.vector_load %arg9[%parallel_loop3A_297, %parallel_loop3A_298, %parallel_loop3A_299] {strides = array<i32>} : memref<2x80x256xf32, #tpu.memory_space<vmem>>, vector<1x1x16xf32>,
          %parallel_loop3A_301 = vector.shape_cast %parallel_loop3A_300 : vector<1x1x16xf32> to vector<16xf32>
          %parallel_loop3A_302 = vector.shape_cast %parallel_loop3A_288 : vector<16xf32> to vector<1x1x16xf32>
          tpu.vector_store %arg9[%parallel_loop3A_297, %parallel_loop3A_298, %parallel_loop3A_299], %parallel_loop3A_302 {strides = array<i32>} : memref<2x80x256xf32, #tpu.memory_space<vmem>>, vector<1x1x16xf32>,
          %parallel_loop3A_303 = arith.constant 0 : i32
          %parallel_loop3A_304 = arith.index_cast %parallel_loop3A_303 : i32 to index
          %parallel_loop3A_305 = arith.index_cast %parallel_loop3A_174 : i32 to index
          %parallel_loop3A_306 = arith.constant 32 : index
          %parallel_loop3A_307 = tpu.vector_load %arg8[%parallel_loop3A_304, %parallel_loop3A_305, %parallel_loop3A_306] {strides = array<i32>} : memref<2x240x128xi32, #tpu.memory_space<vmem>>, vector<1x1x16xi32>,
          %parallel_loop3A_308 = vector.shape_cast %parallel_loop3A_307 : vector<1x1x16xi32> to vector<16xi32>
          %parallel_loop3A_309 = arith.constant 80 : i32
          %parallel_loop3A_310 = arith.addi %parallel_loop3A_309, %parallel_loop3A_174 : i32
          %parallel_loop3A_311 = arith.constant 0 : i32
          %parallel_loop3A_312 = arith.index_cast %parallel_loop3A_311 : i32 to index
          %parallel_loop3A_313 = arith.index_cast %parallel_loop3A_310 : i32 to index
          %parallel_loop3A_314 = arith.constant 32 : index
          %parallel_loop3A_315 = tpu.vector_load %arg8[%parallel_loop3A_312, %parallel_loop3A_313, %parallel_loop3A_314] {strides = array<i32>} : memref<2x240x128xi32, #tpu.memory_space<vmem>>, vector<1x1x16xi32>,
          %parallel_loop3A_316 = vector.shape_cast %parallel_loop3A_315 : vector<1x1x16xi32> to vector<16xi32>
          %parallel_loop3A_317 = arith.constant 160 : i32
          %parallel_loop3A_318 = arith.addi %parallel_loop3A_317, %parallel_loop3A_174 : i32
          %parallel_loop3A_319 = arith.constant 0 : i32
          %parallel_loop3A_320 = arith.index_cast %parallel_loop3A_319 : i32 to index
          %parallel_loop3A_321 = arith.index_cast %parallel_loop3A_318 : i32 to index
          %parallel_loop3A_322 = arith.constant 32 : index
          %parallel_loop3A_323 = tpu.vector_load %arg8[%parallel_loop3A_320, %parallel_loop3A_321, %parallel_loop3A_322] {strides = array<i32>} : memref<2x240x128xi32, #tpu.memory_space<vmem>>, vector<1x1x16xi32>,
          %parallel_loop3A_324 = vector.shape_cast %parallel_loop3A_323 : vector<1x1x16xi32> to vector<16xi32>
          %parallel_loop3A_325 = arith.constant 16 : i32
          %parallel_loop3A_326 = vector.broadcast %parallel_loop3A_325 : i32 to vector<16xi32>
          %parallel_loop3A_327 = arith.shli %parallel_loop3A_308, %parallel_loop3A_326 : vector<16xi32>
          %parallel_loop3A_328 = tpu.bitcast %parallel_loop3A_327 : vector<16xi32> -> vector<16xf32>
          %parallel_loop3A_329 = arith.constant 16 : i32
          %parallel_loop3A_330 = vector.broadcast %parallel_loop3A_329 : i32 to vector<16xi32>
          %parallel_loop3A_331 = arith.shli %parallel_loop3A_316, %parallel_loop3A_330 : vector<16xi32>
          %parallel_loop3A_332 = tpu.bitcast %parallel_loop3A_331 : vector<16xi32> -> vector<16xf32>
          %parallel_loop3A_333 = arith.addf %parallel_loop3A_328, %parallel_loop3A_332 : vector<16xf32>
          %parallel_loop3A_334 = arith.constant 16 : i32
          %parallel_loop3A_335 = vector.broadcast %parallel_loop3A_334 : i32 to vector<16xi32>
          %parallel_loop3A_336 = arith.shli %parallel_loop3A_324, %parallel_loop3A_335 : vector<16xi32>
          %parallel_loop3A_337 = tpu.bitcast %parallel_loop3A_336 : vector<16xi32> -> vector<16xf32>
          %parallel_loop3A_338 = arith.addf %parallel_loop3A_333, %parallel_loop3A_337 : vector<16xf32>
          %parallel_loop3A_339 = arith.constant -65536 : i32
          %parallel_loop3A_340 = vector.broadcast %parallel_loop3A_339 : i32 to vector<16xi32>
          %parallel_loop3A_341 = arith.andi %parallel_loop3A_308, %parallel_loop3A_340 : vector<16xi32>
          %parallel_loop3A_342 = tpu.bitcast %parallel_loop3A_341 : vector<16xi32> -> vector<16xf32>
          %parallel_loop3A_343 = arith.constant -65536 : i32
          %parallel_loop3A_344 = vector.broadcast %parallel_loop3A_343 : i32 to vector<16xi32>
          %parallel_loop3A_345 = arith.andi %parallel_loop3A_316, %parallel_loop3A_344 : vector<16xi32>
          %parallel_loop3A_346 = tpu.bitcast %parallel_loop3A_345 : vector<16xi32> -> vector<16xf32>
          %parallel_loop3A_347 = arith.addf %parallel_loop3A_342, %parallel_loop3A_346 : vector<16xf32>
          %parallel_loop3A_348 = arith.constant -65536 : i32
          %parallel_loop3A_349 = vector.broadcast %parallel_loop3A_348 : i32 to vector<16xi32>
          %parallel_loop3A_350 = arith.andi %parallel_loop3A_324, %parallel_loop3A_349 : vector<16xi32>
          %parallel_loop3A_351 = tpu.bitcast %parallel_loop3A_350 : vector<16xi32> -> vector<16xf32>
          %parallel_loop3A_352 = arith.addf %parallel_loop3A_347, %parallel_loop3A_351 : vector<16xf32>
          %parallel_loop3A_353 = arith.constant 0 : i32
          %parallel_loop3A_354 = arith.index_cast %parallel_loop3A_353 : i32 to index
          %parallel_loop3A_355 = arith.index_cast %parallel_loop3A_174 : i32 to index
          %parallel_loop3A_356 = arith.constant 64 : index
          %parallel_loop3A_357 = tpu.vector_load %arg9[%parallel_loop3A_354, %parallel_loop3A_355, %parallel_loop3A_356] {strides = array<i32>} : memref<2x80x256xf32, #tpu.memory_space<vmem>>, vector<1x1x16xf32>,
          %parallel_loop3A_358 = vector.shape_cast %parallel_loop3A_357 : vector<1x1x16xf32> to vector<16xf32>
          %parallel_loop3A_359 = vector.shape_cast %parallel_loop3A_338 : vector<16xf32> to vector<1x1x16xf32>
          tpu.vector_store %arg9[%parallel_loop3A_354, %parallel_loop3A_355, %parallel_loop3A_356], %parallel_loop3A_359 {strides = array<i32>} : memref<2x80x256xf32, #tpu.memory_space<vmem>>, vector<1x1x16xf32>,
          %parallel_loop3A_360 = arith.constant 0 : i32
          %parallel_loop3A_361 = arith.index_cast %parallel_loop3A_360 : i32 to index
          %parallel_loop3A_362 = arith.index_cast %parallel_loop3A_174 : i32 to index
          %parallel_loop3A_363 = arith.constant 80 : index
          %parallel_loop3A_364 = tpu.vector_load %arg9[%parallel_loop3A_361, %parallel_loop3A_362, %parallel_loop3A_363] {strides = array<i32>} : memref<2x80x256xf32, #tpu.memory_space<vmem>>, vector<1x1x16xf32>,
          %parallel_loop3A_365 = vector.shape_cast %parallel_loop3A_364 : vector<1x1x16xf32> to vector<16xf32>
          %parallel_loop3A_366 = vector.shape_cast %parallel_loop3A_352 : vector<16xf32> to vector<1x1x16xf32>
          tpu.vector_store %arg9[%parallel_loop3A_361, %parallel_loop3A_362, %parallel_loop3A_363], %parallel_loop3A_366 {strides = array<i32>} : memref<2x80x256xf32, #tpu.memory_space<vmem>>, vector<1x1x16xf32>,
          %parallel_loop3A_367 = arith.constant 0 : i32
          %parallel_loop3A_368 = arith.index_cast %parallel_loop3A_367 : i32 to index
          %parallel_loop3A_369 = arith.index_cast %parallel_loop3A_174 : i32 to index
          %parallel_loop3A_370 = arith.constant 48 : index
          %parallel_loop3A_371 = tpu.vector_load %arg8[%parallel_loop3A_368, %parallel_loop3A_369, %parallel_loop3A_370] {strides = array<i32>} : memref<2x240x128xi32, #tpu.memory_space<vmem>>, vector<1x1x16xi32>,
          %parallel_loop3A_372 = vector.shape_cast %parallel_loop3A_371 : vector<1x1x16xi32> to vector<16xi32>
          %parallel_loop3A_373 = arith.constant 80 : i32
          %parallel_loop3A_374 = arith.addi %parallel_loop3A_373, %parallel_loop3A_174 : i32
          %parallel_loop3A_375 = arith.constant 0 : i32
          %parallel_loop3A_376 = arith.index_cast %parallel_loop3A_375 : i32 to index
          %parallel_loop3A_377 = arith.index_cast %parallel_loop3A_374 : i32 to index
          %parallel_loop3A_378 = arith.constant 48 : index
          %parallel_loop3A_379 = tpu.vector_load %arg8[%parallel_loop3A_376, %parallel_loop3A_377, %parallel_loop3A_378] {strides = array<i32>} : memref<2x240x128xi32, #tpu.memory_space<vmem>>, vector<1x1x16xi32>,
          %parallel_loop3A_380 = vector.shape_cast %parallel_loop3A_379 : vector<1x1x16xi32> to vector<16xi32>
          %parallel_loop3A_381 = arith.constant 160 : i32
          %parallel_loop3A_382 = arith.addi %parallel_loop3A_381, %parallel_loop3A_174 : i32
          %parallel_loop3A_383 = arith.constant 0 : i32
          %parallel_loop3A_384 = arith.index_cast %parallel_loop3A_383 : i32 to index
          %parallel_loop3A_385 = arith.index_cast %parallel_loop3A_382 : i32 to index
          %parallel_loop3A_386 = arith.constant 48 : index
          %parallel_loop3A_387 = tpu.vector_load %arg8[%parallel_loop3A_384, %parallel_loop3A_385, %parallel_loop3A_386] {strides = array<i32>} : memref<2x240x128xi32, #tpu.memory_space<vmem>>, vector<1x1x16xi32>,
          %parallel_loop3A_388 = vector.shape_cast %parallel_loop3A_387 : vector<1x1x16xi32> to vector<16xi32>
          %parallel_loop3A_389 = arith.constant 16 : i32
          %parallel_loop3A_390 = vector.broadcast %parallel_loop3A_389 : i32 to vector<16xi32>
          %parallel_loop3A_391 = arith.shli %parallel_loop3A_372, %parallel_loop3A_390 : vector<16xi32>
          %parallel_loop3A_392 = tpu.bitcast %parallel_loop3A_391 : vector<16xi32> -> vector<16xf32>
          %parallel_loop3A_393 = arith.constant 16 : i32
          %parallel_loop3A_394 = vector.broadcast %parallel_loop3A_393 : i32 to vector<16xi32>
          %parallel_loop3A_395 = arith.shli %parallel_loop3A_380, %parallel_loop3A_394 : vector<16xi32>
          %parallel_loop3A_396 = tpu.bitcast %parallel_loop3A_395 : vector<16xi32> -> vector<16xf32>
          %parallel_loop3A_397 = arith.addf %parallel_loop3A_392, %parallel_loop3A_396 : vector<16xf32>
          %parallel_loop3A_398 = arith.constant 16 : i32
          %parallel_loop3A_399 = vector.broadcast %parallel_loop3A_398 : i32 to vector<16xi32>
          %parallel_loop3A_400 = arith.shli %parallel_loop3A_388, %parallel_loop3A_399 : vector<16xi32>
          %parallel_loop3A_401 = tpu.bitcast %parallel_loop3A_400 : vector<16xi32> -> vector<16xf32>
          %parallel_loop3A_402 = arith.addf %parallel_loop3A_397, %parallel_loop3A_401 : vector<16xf32>
          %parallel_loop3A_403 = arith.constant -65536 : i32
          %parallel_loop3A_404 = vector.broadcast %parallel_loop3A_403 : i32 to vector<16xi32>
          %parallel_loop3A_405 = arith.andi %parallel_loop3A_372, %parallel_loop3A_404 : vector<16xi32>
          %parallel_loop3A_406 = tpu.bitcast %parallel_loop3A_405 : vector<16xi32> -> vector<16xf32>
          %parallel_loop3A_407 = arith.constant -65536 : i32
          %parallel_loop3A_408 = vector.broadcast %parallel_loop3A_407 : i32 to vector<16xi32>
          %parallel_loop3A_409 = arith.andi %parallel_loop3A_380, %parallel_loop3A_408 : vector<16xi32>
          %parallel_loop3A_410 = tpu.bitcast %parallel_loop3A_409 : vector<16xi32> -> vector<16xf32>
          %parallel_loop3A_411 = arith.addf %parallel_loop3A_406, %parallel_loop3A_410 : vector<16xf32>
          %parallel_loop3A_412 = arith.constant -65536 : i32
          %parallel_loop3A_413 = vector.broadcast %parallel_loop3A_412 : i32 to vector<16xi32>
          %parallel_loop3A_414 = arith.andi %parallel_loop3A_388, %parallel_loop3A_413 : vector<16xi32>
          %parallel_loop3A_415 = tpu.bitcast %parallel_loop3A_414 : vector<16xi32> -> vector<16xf32>
          %parallel_loop3A_416 = arith.addf %parallel_loop3A_411, %parallel_loop3A_415 : vector<16xf32>
          %parallel_loop3A_417 = arith.constant 0 : i32
          %parallel_loop3A_418 = arith.index_cast %parallel_loop3A_417 : i32 to index
          %parallel_loop3A_419 = arith.index_cast %parallel_loop3A_174 : i32 to index
          %parallel_loop3A_420 = arith.constant 96 : index
          %parallel_loop3A_421 = tpu.vector_load %arg9[%parallel_loop3A_418, %parallel_loop3A_419, %parallel_loop3A_420] {strides = array<i32>} : memref<2x80x256xf32, #tpu.memory_space<vmem>>, vector<1x1x16xf32>,
          %parallel_loop3A_422 = vector.shape_cast %parallel_loop3A_421 : vector<1x1x16xf32> to vector<16xf32>
          %parallel_loop3A_423 = vector.shape_cast %parallel_loop3A_402 : vector<16xf32> to vector<1x1x16xf32>
          tpu.vector_store %arg9[%parallel_loop3A_418, %parallel_loop3A_419, %parallel_loop3A_420], %parallel_loop3A_423 {strides = array<i32>} : memref<2x80x256xf32, #tpu.memory_space<vmem>>, vector<1x1x16xf32>,
          %parallel_loop3A_424 = arith.constant 0 : i32
          %parallel_loop3A_425 = arith.index_cast %parallel_loop3A_424 : i32 to index
          %parallel_loop3A_426 = arith.index_cast %parallel_loop3A_174 : i32 to index
          %parallel_loop3A_427 = arith.constant 112 : index
          %parallel_loop3A_428 = tpu.vector_load %arg9[%parallel_loop3A_425, %parallel_loop3A_426, %parallel_loop3A_427] {strides = array<i32>} : memref<2x80x256xf32, #tpu.memory_space<vmem>>, vector<1x1x16xf32>,
          %parallel_loop3A_429 = vector.shape_cast %parallel_loop3A_428 : vector<1x1x16xf32> to vector<16xf32>
          %parallel_loop3A_430 = vector.shape_cast %parallel_loop3A_416 : vector<16xf32> to vector<1x1x16xf32>
          tpu.vector_store %arg9[%parallel_loop3A_425, %parallel_loop3A_426, %parallel_loop3A_427], %parallel_loop3A_430 {strides = array<i32>} : memref<2x80x256xf32, #tpu.memory_space<vmem>>, vector<1x1x16xf32>,
          %parallel_loop3A_431 = arith.constant 0 : i32
          %parallel_loop3A_432 = arith.index_cast %parallel_loop3A_431 : i32 to index
          %parallel_loop3A_433 = arith.index_cast %parallel_loop3A_174 : i32 to index
          %parallel_loop3A_434 = arith.constant 64 : index
          %parallel_loop3A_435 = tpu.vector_load %arg8[%parallel_loop3A_432, %parallel_loop3A_433, %parallel_loop3A_434] {strides = array<i32>} : memref<2x240x128xi32, #tpu.memory_space<vmem>>, vector<1x1x16xi32>,
          %parallel_loop3A_436 = vector.shape_cast %parallel_loop3A_435 : vector<1x1x16xi32> to vector<16xi32>
          %parallel_loop3A_437 = arith.constant 80 : i32
          %parallel_loop3A_438 = arith.addi %parallel_loop3A_437, %parallel_loop3A_174 : i32
          %parallel_loop3A_439 = arith.constant 0 : i32
          %parallel_loop3A_440 = arith.index_cast %parallel_loop3A_439 : i32 to index
          %parallel_loop3A_441 = arith.index_cast %parallel_loop3A_438 : i32 to index
          %parallel_loop3A_442 = arith.constant 64 : index
          %parallel_loop3A_443 = tpu.vector_load %arg8[%parallel_loop3A_440, %parallel_loop3A_441, %parallel_loop3A_442] {strides = array<i32>} : memref<2x240x128xi32, #tpu.memory_space<vmem>>, vector<1x1x16xi32>,
          %parallel_loop3A_444 = vector.shape_cast %parallel_loop3A_443 : vector<1x1x16xi32> to vector<16xi32>
          %parallel_loop3A_445 = arith.constant 160 : i32
          %parallel_loop3A_446 = arith.addi %parallel_loop3A_445, %parallel_loop3A_174 : i32
          %parallel_loop3A_447 = arith.constant 0 : i32
          %parallel_loop3A_448 = arith.index_cast %parallel_loop3A_447 : i32 to index
          %parallel_loop3A_449 = arith.index_cast %parallel_loop3A_446 : i32 to index
          %parallel_loop3A_450 = arith.constant 64 : index
          %parallel_loop3A_451 = tpu.vector_load %arg8[%parallel_loop3A_448, %parallel_loop3A_449, %parallel_loop3A_450] {strides = array<i32>} : memref<2x240x128xi32, #tpu.memory_space<vmem>>, vector<1x1x16xi32>,
          %parallel_loop3A_452 = vector.shape_cast %parallel_loop3A_451 : vector<1x1x16xi32> to vector<16xi32>
          %parallel_loop3A_453 = arith.constant 16 : i32
          %parallel_loop3A_454 = vector.broadcast %parallel_loop3A_453 : i32 to vector<16xi32>
          %parallel_loop3A_455 = arith.shli %parallel_loop3A_436, %parallel_loop3A_454 : vector<16xi32>
          %parallel_loop3A_456 = tpu.bitcast %parallel_loop3A_455 : vector<16xi32> -> vector<16xf32>
          %parallel_loop3A_457 = arith.constant 16 : i32
          %parallel_loop3A_458 = vector.broadcast %parallel_loop3A_457 : i32 to vector<16xi32>
          %parallel_loop3A_459 = arith.shli %parallel_loop3A_444, %parallel_loop3A_458 : vector<16xi32>
          %parallel_loop3A_460 = tpu.bitcast %parallel_loop3A_459 : vector<16xi32> -> vector<16xf32>
          %parallel_loop3A_461 = arith.addf %parallel_loop3A_456, %parallel_loop3A_460 : vector<16xf32>
          %parallel_loop3A_462 = arith.constant 16 : i32
          %parallel_loop3A_463 = vector.broadcast %parallel_loop3A_462 : i32 to vector<16xi32>
          %parallel_loop3A_464 = arith.shli %parallel_loop3A_452, %parallel_loop3A_463 : vector<16xi32>
          %parallel_loop3A_465 = tpu.bitcast %parallel_loop3A_464 : vector<16xi32> -> vector<16xf32>
          %parallel_loop3A_466 = arith.addf %parallel_loop3A_461, %parallel_loop3A_465 : vector<16xf32>
          %parallel_loop3A_467 = arith.constant -65536 : i32
          %parallel_loop3A_468 = vector.broadcast %parallel_loop3A_467 : i32 to vector<16xi32>
          %parallel_loop3A_469 = arith.andi %parallel_loop3A_436, %parallel_loop3A_468 : vector<16xi32>
          %parallel_loop3A_470 = tpu.bitcast %parallel_loop3A_469 : vector<16xi32> -> vector<16xf32>
          %parallel_loop3A_471 = arith.constant -65536 : i32
          %parallel_loop3A_472 = vector.broadcast %parallel_loop3A_471 : i32 to vector<16xi32>
          %parallel_loop3A_473 = arith.andi %parallel_loop3A_444, %parallel_loop3A_472 : vector<16xi32>
          %parallel_loop3A_474 = tpu.bitcast %parallel_loop3A_473 : vector<16xi32> -> vector<16xf32>
          %parallel_loop3A_475 = arith.addf %parallel_loop3A_470, %parallel_loop3A_474 : vector<16xf32>
          %parallel_loop3A_476 = arith.constant -65536 : i32
          %parallel_loop3A_477 = vector.broadcast %parallel_loop3A_476 : i32 to vector<16xi32>
          %parallel_loop3A_478 = arith.andi %parallel_loop3A_452, %parallel_loop3A_477 : vector<16xi32>
          %parallel_loop3A_479 = tpu.bitcast %parallel_loop3A_478 : vector<16xi32> -> vector<16xf32>
          %parallel_loop3A_480 = arith.addf %parallel_loop3A_475, %parallel_loop3A_479 : vector<16xf32>
          %parallel_loop3A_481 = arith.constant 0 : i32
          %parallel_loop3A_482 = arith.index_cast %parallel_loop3A_481 : i32 to index
          %parallel_loop3A_483 = arith.index_cast %parallel_loop3A_174 : i32 to index
          %parallel_loop3A_484 = arith.constant 128 : index
          %parallel_loop3A_485 = tpu.vector_load %arg9[%parallel_loop3A_482, %parallel_loop3A_483, %parallel_loop3A_484] {strides = array<i32>} : memref<2x80x256xf32, #tpu.memory_space<vmem>>, vector<1x1x16xf32>,
          %parallel_loop3A_486 = vector.shape_cast %parallel_loop3A_485 : vector<1x1x16xf32> to vector<16xf32>
          %parallel_loop3A_487 = vector.shape_cast %parallel_loop3A_466 : vector<16xf32> to vector<1x1x16xf32>
          tpu.vector_store %arg9[%parallel_loop3A_482, %parallel_loop3A_483, %parallel_loop3A_484], %parallel_loop3A_487 {strides = array<i32>} : memref<2x80x256xf32, #tpu.memory_space<vmem>>, vector<1x1x16xf32>,
          %parallel_loop3A_488 = arith.constant 0 : i32
          %parallel_loop3A_489 = arith.index_cast %parallel_loop3A_488 : i32 to index
          %parallel_loop3A_490 = arith.index_cast %parallel_loop3A_174 : i32 to index
          %parallel_loop3A_491 = arith.constant 144 : index
          %parallel_loop3A_492 = tpu.vector_load %arg9[%parallel_loop3A_489, %parallel_loop3A_490, %parallel_loop3A_491] {strides = array<i32>} : memref<2x80x256xf32, #tpu.memory_space<vmem>>, vector<1x1x16xf32>,
          %parallel_loop3A_493 = vector.shape_cast %parallel_loop3A_492 : vector<1x1x16xf32> to vector<16xf32>
          %parallel_loop3A_494 = vector.shape_cast %parallel_loop3A_480 : vector<16xf32> to vector<1x1x16xf32>
          tpu.vector_store %arg9[%parallel_loop3A_489, %parallel_loop3A_490, %parallel_loop3A_491], %parallel_loop3A_494 {strides = array<i32>} : memref<2x80x256xf32, #tpu.memory_space<vmem>>, vector<1x1x16xf32>,
          %parallel_loop3A_495 = arith.constant 0 : i32
          %parallel_loop3A_496 = arith.index_cast %parallel_loop3A_495 : i32 to index
          %parallel_loop3A_497 = arith.index_cast %parallel_loop3A_174 : i32 to index
          %parallel_loop3A_498 = arith.constant 80 : index
          %parallel_loop3A_499 = tpu.vector_load %arg8[%parallel_loop3A_496, %parallel_loop3A_497, %parallel_loop3A_498] {strides = array<i32>} : memref<2x240x128xi32, #tpu.memory_space<vmem>>, vector<1x1x16xi32>,
          %parallel_loop3A_500 = vector.shape_cast %parallel_loop3A_499 : vector<1x1x16xi32> to vector<16xi32>
          %parallel_loop3A_501 = arith.constant 80 : i32
          %parallel_loop3A_502 = arith.addi %parallel_loop3A_501, %parallel_loop3A_174 : i32
          %parallel_loop3A_503 = arith.constant 0 : i32
          %parallel_loop3A_504 = arith.index_cast %parallel_loop3A_503 : i32 to index
          %parallel_loop3A_505 = arith.index_cast %parallel_loop3A_502 : i32 to index
          %parallel_loop3A_506 = arith.constant 80 : index
          %parallel_loop3A_507 = tpu.vector_load %arg8[%parallel_loop3A_504, %parallel_loop3A_505, %parallel_loop3A_506] {strides = array<i32>} : memref<2x240x128xi32, #tpu.memory_space<vmem>>, vector<1x1x16xi32>,
          %parallel_loop3A_508 = vector.shape_cast %parallel_loop3A_507 : vector<1x1x16xi32> to vector<16xi32>
          %parallel_loop3A_509 = arith.constant 160 : i32
          %parallel_loop3A_510 = arith.addi %parallel_loop3A_509, %parallel_loop3A_174 : i32
          %parallel_loop3A_511 = arith.constant 0 : i32
          %parallel_loop3A_512 = arith.index_cast %parallel_loop3A_511 : i32 to index
          %parallel_loop3A_513 = arith.index_cast %parallel_loop3A_510 : i32 to index
          %parallel_loop3A_514 = arith.constant 80 : index
          %parallel_loop3A_515 = tpu.vector_load %arg8[%parallel_loop3A_512, %parallel_loop3A_513, %parallel_loop3A_514] {strides = array<i32>} : memref<2x240x128xi32, #tpu.memory_space<vmem>>, vector<1x1x16xi32>,
          %parallel_loop3A_516 = vector.shape_cast %parallel_loop3A_515 : vector<1x1x16xi32> to vector<16xi32>
          %parallel_loop3A_517 = arith.constant 16 : i32
          %parallel_loop3A_518 = vector.broadcast %parallel_loop3A_517 : i32 to vector<16xi32>
          %parallel_loop3A_519 = arith.shli %parallel_loop3A_500, %parallel_loop3A_518 : vector<16xi32>
          %parallel_loop3A_520 = tpu.bitcast %parallel_loop3A_519 : vector<16xi32> -> vector<16xf32>
          %parallel_loop3A_521 = arith.constant 16 : i32
          %parallel_loop3A_522 = vector.broadcast %parallel_loop3A_521 : i32 to vector<16xi32>
          %parallel_loop3A_523 = arith.shli %parallel_loop3A_508, %parallel_loop3A_522 : vector<16xi32>
          %parallel_loop3A_524 = tpu.bitcast %parallel_loop3A_523 : vector<16xi32> -> vector<16xf32>
          %parallel_loop3A_525 = arith.addf %parallel_loop3A_520, %parallel_loop3A_524 : vector<16xf32>
          %parallel_loop3A_526 = arith.constant 16 : i32
          %parallel_loop3A_527 = vector.broadcast %parallel_loop3A_526 : i32 to vector<16xi32>
          %parallel_loop3A_528 = arith.shli %parallel_loop3A_516, %parallel_loop3A_527 : vector<16xi32>
          %parallel_loop3A_529 = tpu.bitcast %parallel_loop3A_528 : vector<16xi32> -> vector<16xf32>
          %parallel_loop3A_530 = arith.addf %parallel_loop3A_525, %parallel_loop3A_529 : vector<16xf32>
          %parallel_loop3A_531 = arith.constant -65536 : i32
          %parallel_loop3A_532 = vector.broadcast %parallel_loop3A_531 : i32 to vector<16xi32>
          %parallel_loop3A_533 = arith.andi %parallel_loop3A_500, %parallel_loop3A_532 : vector<16xi32>
          %parallel_loop3A_534 = tpu.bitcast %parallel_loop3A_533 : vector<16xi32> -> vector<16xf32>
          %parallel_loop3A_535 = arith.constant -65536 : i32
          %parallel_loop3A_536 = vector.broadcast %parallel_loop3A_535 : i32 to vector<16xi32>
          %parallel_loop3A_537 = arith.andi %parallel_loop3A_508, %parallel_loop3A_536 : vector<16xi32>
          %parallel_loop3A_538 = tpu.bitcast %parallel_loop3A_537 : vector<16xi32> -> vector<16xf32>
          %parallel_loop3A_539 = arith.addf %parallel_loop3A_534, %parallel_loop3A_538 : vector<16xf32>
          %parallel_loop3A_540 = arith.constant -65536 : i32
          %parallel_loop3A_541 = vector.broadcast %parallel_loop3A_540 : i32 to vector<16xi32>
          %parallel_loop3A_542 = arith.andi %parallel_loop3A_516, %parallel_loop3A_541 : vector<16xi32>
          %parallel_loop3A_543 = tpu.bitcast %parallel_loop3A_542 : vector<16xi32> -> vector<16xf32>
          %parallel_loop3A_544 = arith.addf %parallel_loop3A_539, %parallel_loop3A_543 : vector<16xf32>
          %parallel_loop3A_545 = arith.constant 0 : i32
          %parallel_loop3A_546 = arith.index_cast %parallel_loop3A_545 : i32 to index
          %parallel_loop3A_547 = arith.index_cast %parallel_loop3A_174 : i32 to index
          %parallel_loop3A_548 = arith.constant 160 : index
          %parallel_loop3A_549 = tpu.vector_load %arg9[%parallel_loop3A_546, %parallel_loop3A_547, %parallel_loop3A_548] {strides = array<i32>} : memref<2x80x256xf32, #tpu.memory_space<vmem>>, vector<1x1x16xf32>,
          %parallel_loop3A_550 = vector.shape_cast %parallel_loop3A_549 : vector<1x1x16xf32> to vector<16xf32>
          %parallel_loop3A_551 = vector.shape_cast %parallel_loop3A_530 : vector<16xf32> to vector<1x1x16xf32>
          tpu.vector_store %arg9[%parallel_loop3A_546, %parallel_loop3A_547, %parallel_loop3A_548], %parallel_loop3A_551 {strides = array<i32>} : memref<2x80x256xf32, #tpu.memory_space<vmem>>, vector<1x1x16xf32>,
          %parallel_loop3A_552 = arith.constant 0 : i32
          %parallel_loop3A_553 = arith.index_cast %parallel_loop3A_552 : i32 to index
          %parallel_loop3A_554 = arith.index_cast %parallel_loop3A_174 : i32 to index
          %parallel_loop3A_555 = arith.constant 176 : index
          %parallel_loop3A_556 = tpu.vector_load %arg9[%parallel_loop3A_553, %parallel_loop3A_554, %parallel_loop3A_555] {strides = array<i32>} : memref<2x80x256xf32, #tpu.memory_space<vmem>>, vector<1x1x16xf32>,
          %parallel_loop3A_557 = vector.shape_cast %parallel_loop3A_556 : vector<1x1x16xf32> to vector<16xf32>
          %parallel_loop3A_558 = vector.shape_cast %parallel_loop3A_544 : vector<16xf32> to vector<1x1x16xf32>
          tpu.vector_store %arg9[%parallel_loop3A_553, %parallel_loop3A_554, %parallel_loop3A_555], %parallel_loop3A_558 {strides = array<i32>} : memref<2x80x256xf32, #tpu.memory_space<vmem>>, vector<1x1x16xf32>,
          %parallel_loop3A_559 = arith.constant 0 : i32
          %parallel_loop3A_560 = arith.index_cast %parallel_loop3A_559 : i32 to index
          %parallel_loop3A_561 = arith.index_cast %parallel_loop3A_174 : i32 to index
          %parallel_loop3A_562 = arith.constant 96 : index
          %parallel_loop3A_563 = tpu.vector_load %arg8[%parallel_loop3A_560, %parallel_loop3A_561, %parallel_loop3A_562] {strides = array<i32>} : memref<2x240x128xi32, #tpu.memory_space<vmem>>, vector<1x1x16xi32>,
          %parallel_loop3A_564 = vector.shape_cast %parallel_loop3A_563 : vector<1x1x16xi32> to vector<16xi32>
          %parallel_loop3A_565 = arith.constant 80 : i32
          %parallel_loop3A_566 = arith.addi %parallel_loop3A_565, %parallel_loop3A_174 : i32
          %parallel_loop3A_567 = arith.constant 0 : i32
          %parallel_loop3A_568 = arith.index_cast %parallel_loop3A_567 : i32 to index
          %parallel_loop3A_569 = arith.index_cast %parallel_loop3A_566 : i32 to index
          %parallel_loop3A_570 = arith.constant 96 : index
          %parallel_loop3A_571 = tpu.vector_load %arg8[%parallel_loop3A_568, %parallel_loop3A_569, %parallel_loop3A_570] {strides = array<i32>} : memref<2x240x128xi32, #tpu.memory_space<vmem>>, vector<1x1x16xi32>,
          %parallel_loop3A_572 = vector.shape_cast %parallel_loop3A_571 : vector<1x1x16xi32> to vector<16xi32>
          %parallel_loop3A_573 = arith.constant 160 : i32
          %parallel_loop3A_574 = arith.addi %parallel_loop3A_573, %parallel_loop3A_174 : i32
          %parallel_loop3A_575 = arith.constant 0 : i32
          %parallel_loop3A_576 = arith.index_cast %parallel_loop3A_575 : i32 to index
          %parallel_loop3A_577 = arith.index_cast %parallel_loop3A_574 : i32 to index
          %parallel_loop3A_578 = arith.constant 96 : index
          %parallel_loop3A_579 = tpu.vector_load %arg8[%parallel_loop3A_576, %parallel_loop3A_577, %parallel_loop3A_578] {strides = array<i32>} : memref<2x240x128xi32, #tpu.memory_space<vmem>>, vector<1x1x16xi32>,
          %parallel_loop3A_580 = vector.shape_cast %parallel_loop3A_579 : vector<1x1x16xi32> to vector<16xi32>
          %parallel_loop3A_581 = arith.constant 16 : i32
          %parallel_loop3A_582 = vector.broadcast %parallel_loop3A_581 : i32 to vector<16xi32>
          %parallel_loop3A_583 = arith.shli %parallel_loop3A_564, %parallel_loop3A_582 : vector<16xi32>
          %parallel_loop3A_584 = tpu.bitcast %parallel_loop3A_583 : vector<16xi32> -> vector<16xf32>
          %parallel_loop3A_585 = arith.constant 16 : i32
          %parallel_loop3A_586 = vector.broadcast %parallel_loop3A_585 : i32 to vector<16xi32>
          %parallel_loop3A_587 = arith.shli %parallel_loop3A_572, %parallel_loop3A_586 : vector<16xi32>
          %parallel_loop3A_588 = tpu.bitcast %parallel_loop3A_587 : vector<16xi32> -> vector<16xf32>
          %parallel_loop3A_589 = arith.addf %parallel_loop3A_584, %parallel_loop3A_588 : vector<16xf32>
          %parallel_loop3A_590 = arith.constant 16 : i32
          %parallel_loop3A_591 = vector.broadcast %parallel_loop3A_590 : i32 to vector<16xi32>
          %parallel_loop3A_592 = arith.shli %parallel_loop3A_580, %parallel_loop3A_591 : vector<16xi32>
          %parallel_loop3A_593 = tpu.bitcast %parallel_loop3A_592 : vector<16xi32> -> vector<16xf32>
          %parallel_loop3A_594 = arith.addf %parallel_loop3A_589, %parallel_loop3A_593 : vector<16xf32>
          %parallel_loop3A_595 = arith.constant -65536 : i32
          %parallel_loop3A_596 = vector.broadcast %parallel_loop3A_595 : i32 to vector<16xi32>
          %parallel_loop3A_597 = arith.andi %parallel_loop3A_564, %parallel_loop3A_596 : vector<16xi32>
          %parallel_loop3A_598 = tpu.bitcast %parallel_loop3A_597 : vector<16xi32> -> vector<16xf32>
          %parallel_loop3A_599 = arith.constant -65536 : i32
          %parallel_loop3A_600 = vector.broadcast %parallel_loop3A_599 : i32 to vector<16xi32>
          %parallel_loop3A_601 = arith.andi %parallel_loop3A_572, %parallel_loop3A_600 : vector<16xi32>
          %parallel_loop3A_602 = tpu.bitcast %parallel_loop3A_601 : vector<16xi32> -> vector<16xf32>
          %parallel_loop3A_603 = arith.addf %parallel_loop3A_598, %parallel_loop3A_602 : vector<16xf32>
          %parallel_loop3A_604 = arith.constant -65536 : i32
          %parallel_loop3A_605 = vector.broadcast %parallel_loop3A_604 : i32 to vector<16xi32>
          %parallel_loop3A_606 = arith.andi %parallel_loop3A_580, %parallel_loop3A_605 : vector<16xi32>
          %parallel_loop3A_607 = tpu.bitcast %parallel_loop3A_606 : vector<16xi32> -> vector<16xf32>
          %parallel_loop3A_608 = arith.addf %parallel_loop3A_603, %parallel_loop3A_607 : vector<16xf32>
          %parallel_loop3A_609 = arith.constant 0 : i32
          %parallel_loop3A_610 = arith.index_cast %parallel_loop3A_609 : i32 to index
          %parallel_loop3A_611 = arith.index_cast %parallel_loop3A_174 : i32 to index
          %parallel_loop3A_612 = arith.constant 192 : index
          %parallel_loop3A_613 = tpu.vector_load %arg9[%parallel_loop3A_610, %parallel_loop3A_611, %parallel_loop3A_612] {strides = array<i32>} : memref<2x80x256xf32, #tpu.memory_space<vmem>>, vector<1x1x16xf32>,
          %parallel_loop3A_614 = vector.shape_cast %parallel_loop3A_613 : vector<1x1x16xf32> to vector<16xf32>
          %parallel_loop3A_615 = vector.shape_cast %parallel_loop3A_594 : vector<16xf32> to vector<1x1x16xf32>
          tpu.vector_store %arg9[%parallel_loop3A_610, %parallel_loop3A_611, %parallel_loop3A_612], %parallel_loop3A_615 {strides = array<i32>} : memref<2x80x256xf32, #tpu.memory_space<vmem>>, vector<1x1x16xf32>,
          %parallel_loop3A_616 = arith.constant 0 : i32
          %parallel_loop3A_617 = arith.index_cast %parallel_loop3A_616 : i32 to index
          %parallel_loop3A_618 = arith.index_cast %parallel_loop3A_174 : i32 to index
          %parallel_loop3A_619 = arith.constant 208 : index
          %parallel_loop3A_620 = tpu.vector_load %arg9[%parallel_loop3A_617, %parallel_loop3A_618, %parallel_loop3A_619] {strides = array<i32>} : memref<2x80x256xf32, #tpu.memory_space<vmem>>, vector<1x1x16xf32>,
          %parallel_loop3A_621 = vector.shape_cast %parallel_loop3A_620 : vector<1x1x16xf32> to vector<16xf32>
          %parallel_loop3A_622 = vector.shape_cast %parallel_loop3A_608 : vector<16xf32> to vector<1x1x16xf32>
          tpu.vector_store %arg9[%parallel_loop3A_617, %parallel_loop3A_618, %parallel_loop3A_619], %parallel_loop3A_622 {strides = array<i32>} : memref<2x80x256xf32, #tpu.memory_space<vmem>>, vector<1x1x16xf32>,
          %parallel_loop3A_623 = arith.constant 0 : i32
          %parallel_loop3A_624 = arith.index_cast %parallel_loop3A_623 : i32 to index
          %parallel_loop3A_625 = arith.index_cast %parallel_loop3A_174 : i32 to index
          %parallel_loop3A_626 = arith.constant 112 : index
          %parallel_loop3A_627 = tpu.vector_load %arg8[%parallel_loop3A_624, %parallel_loop3A_625, %parallel_loop3A_626] {strides = array<i32>} : memref<2x240x128xi32, #tpu.memory_space<vmem>>, vector<1x1x16xi32>,
          %parallel_loop3A_628 = vector.shape_cast %parallel_loop3A_627 : vector<1x1x16xi32> to vector<16xi32>
          %parallel_loop3A_629 = arith.constant 80 : i32
          %parallel_loop3A_630 = arith.addi %parallel_loop3A_629, %parallel_loop3A_174 : i32
          %parallel_loop3A_631 = arith.constant 0 : i32
          %parallel_loop3A_632 = arith.index_cast %parallel_loop3A_631 : i32 to index
          %parallel_loop3A_633 = arith.index_cast %parallel_loop3A_630 : i32 to index
          %parallel_loop3A_634 = arith.constant 112 : index
          %parallel_loop3A_635 = tpu.vector_load %arg8[%parallel_loop3A_632, %parallel_loop3A_633, %parallel_loop3A_634] {strides = array<i32>} : memref<2x240x128xi32, #tpu.memory_space<vmem>>, vector<1x1x16xi32>,
          %parallel_loop3A_636 = vector.shape_cast %parallel_loop3A_635 : vector<1x1x16xi32> to vector<16xi32>
          %parallel_loop3A_637 = arith.constant 160 : i32
          %parallel_loop3A_638 = arith.addi %parallel_loop3A_637, %parallel_loop3A_174 : i32
          %parallel_loop3A_639 = arith.constant 0 : i32
          %parallel_loop3A_640 = arith.index_cast %parallel_loop3A_639 : i32 to index
          %parallel_loop3A_641 = arith.index_cast %parallel_loop3A_638 : i32 to index
          %parallel_loop3A_642 = arith.constant 112 : index
          %parallel_loop3A_643 = tpu.vector_load %arg8[%parallel_loop3A_640, %parallel_loop3A_641, %parallel_loop3A_642] {strides = array<i32>} : memref<2x240x128xi32, #tpu.memory_space<vmem>>, vector<1x1x16xi32>,
          %parallel_loop3A_644 = vector.shape_cast %parallel_loop3A_643 : vector<1x1x16xi32> to vector<16xi32>
          %parallel_loop3A_645 = arith.constant 16 : i32
          %parallel_loop3A_646 = vector.broadcast %parallel_loop3A_645 : i32 to vector<16xi32>
          %parallel_loop3A_647 = arith.shli %parallel_loop3A_628, %parallel_loop3A_646 : vector<16xi32>
          %parallel_loop3A_648 = tpu.bitcast %parallel_loop3A_647 : vector<16xi32> -> vector<16xf32>
          %parallel_loop3A_649 = arith.constant 16 : i32
          %parallel_loop3A_650 = vector.broadcast %parallel_loop3A_649 : i32 to vector<16xi32>
          %parallel_loop3A_651 = arith.shli %parallel_loop3A_636, %parallel_loop3A_650 : vector<16xi32>
          %parallel_loop3A_652 = tpu.bitcast %parallel_loop3A_651 : vector<16xi32> -> vector<16xf32>
          %parallel_loop3A_653 = arith.addf %parallel_loop3A_648, %parallel_loop3A_652 : vector<16xf32>
          %parallel_loop3A_654 = arith.constant 16 : i32
          %parallel_loop3A_655 = vector.broadcast %parallel_loop3A_654 : i32 to vector<16xi32>
          %parallel_loop3A_656 = arith.shli %parallel_loop3A_644, %parallel_loop3A_655 : vector<16xi32>
          %parallel_loop3A_657 = tpu.bitcast %parallel_loop3A_656 : vector<16xi32> -> vector<16xf32>
          %parallel_loop3A_658 = arith.addf %parallel_loop3A_653, %parallel_loop3A_657 : vector<16xf32>
          %parallel_loop3A_659 = arith.constant -65536 : i32
          %parallel_loop3A_660 = vector.broadcast %parallel_loop3A_659 : i32 to vector<16xi32>
          %parallel_loop3A_661 = arith.andi %parallel_loop3A_628, %parallel_loop3A_660 : vector<16xi32>
          %parallel_loop3A_662 = tpu.bitcast %parallel_loop3A_661 : vector<16xi32> -> vector<16xf32>
          %parallel_loop3A_663 = arith.constant -65536 : i32
          %parallel_loop3A_664 = vector.broadcast %parallel_loop3A_663 : i32 to vector<16xi32>
          %parallel_loop3A_665 = arith.andi %parallel_loop3A_636, %parallel_loop3A_664 : vector<16xi32>
          %parallel_loop3A_666 = tpu.bitcast %parallel_loop3A_665 : vector<16xi32> -> vector<16xf32>
          %parallel_loop3A_667 = arith.addf %parallel_loop3A_662, %parallel_loop3A_666 : vector<16xf32>
          %parallel_loop3A_668 = arith.constant -65536 : i32
          %parallel_loop3A_669 = vector.broadcast %parallel_loop3A_668 : i32 to vector<16xi32>
          %parallel_loop3A_670 = arith.andi %parallel_loop3A_644, %parallel_loop3A_669 : vector<16xi32>
          %parallel_loop3A_671 = tpu.bitcast %parallel_loop3A_670 : vector<16xi32> -> vector<16xf32>
          %parallel_loop3A_672 = arith.addf %parallel_loop3A_667, %parallel_loop3A_671 : vector<16xf32>
          %parallel_loop3A_673 = arith.constant 0 : i32
          %parallel_loop3A_674 = arith.index_cast %parallel_loop3A_673 : i32 to index
          %parallel_loop3A_675 = arith.index_cast %parallel_loop3A_174 : i32 to index
          %parallel_loop3A_676 = arith.constant 224 : index
          %parallel_loop3A_677 = tpu.vector_load %arg9[%parallel_loop3A_674, %parallel_loop3A_675, %parallel_loop3A_676] {strides = array<i32>} : memref<2x80x256xf32, #tpu.memory_space<vmem>>, vector<1x1x16xf32>,
          %parallel_loop3A_678 = vector.shape_cast %parallel_loop3A_677 : vector<1x1x16xf32> to vector<16xf32>
          %parallel_loop3A_679 = vector.shape_cast %parallel_loop3A_658 : vector<16xf32> to vector<1x1x16xf32>
          tpu.vector_store %arg9[%parallel_loop3A_674, %parallel_loop3A_675, %parallel_loop3A_676], %parallel_loop3A_679 {strides = array<i32>} : memref<2x80x256xf32, #tpu.memory_space<vmem>>, vector<1x1x16xf32>,
          %parallel_loop3A_680 = arith.constant 0 : i32
          %parallel_loop3A_681 = arith.index_cast %parallel_loop3A_680 : i32 to index
          %parallel_loop3A_682 = arith.index_cast %parallel_loop3A_174 : i32 to index
          %parallel_loop3A_683 = arith.constant 240 : index
          %parallel_loop3A_684 = tpu.vector_load %arg9[%parallel_loop3A_681, %parallel_loop3A_682, %parallel_loop3A_683] {strides = array<i32>} : memref<2x80x256xf32, #tpu.memory_space<vmem>>, vector<1x1x16xf32>,
          %parallel_loop3A_685 = vector.shape_cast %parallel_loop3A_684 : vector<1x1x16xf32> to vector<16xf32>
          %parallel_loop3A_686 = vector.shape_cast %parallel_loop3A_672 : vector<16xf32> to vector<1x1x16xf32>
          tpu.vector_store %arg9[%parallel_loop3A_681, %parallel_loop3A_682, %parallel_loop3A_683], %parallel_loop3A_686 {strides = array<i32>} : memref<2x80x256xf32, #tpu.memory_space<vmem>>, vector<1x1x16xf32>,
        } {sc.loop_unroll_factor = 4 : i64, sc.parallel_access}
        %add3A_158 = arith.addi %add3A_6, %mul3A_96 : i32
        %mul3A_159 = arith.constant 80 : i32
        %mul3A_160 = arith.muli %add3A_158, %mul3A_159 : i32
        %dma_start3A_161 = arith.constant 0 : i32
        %dma_start3A_162 = arith.constant 0 : i32
        %dma_start3A_163 = arith.constant 0 : i32
        %dma_start3A_164 = tpu.memref_slice %arg9[%dma_start3A_161, %dma_start3A_162, %dma_start3A_163] : memref<2x80x256xf32, #tpu.memory_space<vmem>> -> memref<1x80x256xf32, #tpu.memory_space<vmem>>
        %dma_start3A_165 = tpu.memref_squeeze %dma_start3A_164 : memref<1x80x256xf32, #tpu.memory_space<vmem>> -> memref<80x256xf32, #tpu.memory_space<vmem>>
        %dma_start3A_166 = arith.constant 0 : i32
        %dma_start3A_167 = tpu.memref_slice %arg6[%mul3A_160, %dma_start3A_166] : memref<50000x256xf32, #tpu.memory_space<hbm>> -> memref<80x256xf32, #tpu.memory_space<hbm>>
        %dma_start3A_168 = arith.constant 0 : i32
        %dma_start3A_169 = tpu.memref_slice %arg6[%mul3A_160, %dma_start3A_168] : memref<50000x256xf32, #tpu.memory_space<hbm>> -> memref<80x256xf32, #tpu.memory_space<hbm>>
        %dma_start3A_170 = arith.constant 0 : i32
        %dma_start3A_171 = arith.constant 0 : i32
        %dma_start3A_172 = tpu.memref_slice %arg9[%dma_start3A_161, %dma_start3A_170, %dma_start3A_171] : memref<2x80x256xf32, #tpu.memory_space<vmem>> -> memref<1x80x256xf32, #tpu.memory_space<vmem>>
        %dma_start3A_173 = tpu.memref_squeeze %dma_start3A_172 : memref<1x80x256xf32, #tpu.memory_space<vmem>> -> memref<80x256xf32, #tpu.memory_space<vmem>>
        tpu.enqueue_dma source(%dma_start3A_173 : memref<80x256xf32, #tpu.memory_space<vmem>>) target(%dma_start3A_169 : memref<80x256xf32, #tpu.memory_space<hbm>>) target_semaphore(%arg12 : memref<!tpu.dma_semaphore, #tpu.memory_space<semaphore_mem>>)
      } else {
      }
      %mul3A_99 = arith.constant 2 : i32
      %mul3A_100 = arith.muli %mul3A_99, %scan3A_94 : i32
      %add3A_101 = arith.constant 1 : i32
      %add3A_102 = arith.addi %mul3A_100, %add3A_101 : i32
      %lt3A_103 = arith.cmpi slt, %add3A_102, %select_n3A : i32
      %convert_element_type3A_104 = arith.extui %lt3A_103 : i1 to i32
      %cond3A_105 = arith.constant 0 : i32
      %cond3A_106 = arith.cmpi ne, %convert_element_type3A_104, %cond3A_105 : i32
      scf.if %cond3A_106 {
        %add3A_107 = arith.constant 1 : i32
        %add3A_108 = arith.addi %add3A_102, %add3A_107 : i32
        %lt3A_109 = arith.cmpi slt, %add3A_108, %select_n3A : i32
        %convert_element_type3A_110 = arith.extui %lt3A_109 : i1 to i32
        %cond3A_111 = arith.constant 0 : i32
        %cond3A_112 = arith.cmpi ne, %convert_element_type3A_110, %cond3A_111 : i32
        scf.if %cond3A_112 {
          %add3A_174 = arith.constant 1 : i32
          %add3A_175 = arith.addi %add3A_102, %add3A_174 : i32
          %add3A_176 = arith.constant 0 : i32
          %add3A_177 = arith.addi %add3A_176, %sub3A : i32
          %mul3A_178 = arith.constant 80 : i32
          %mul3A_179 = arith.muli %add3A_175, %mul3A_178 : i32
          %add3A_180 = arith.addi %add3A_177, %mul3A_179 : i32
          %dma_start3A_181 = arith.constant 0 : i32
          %dma_start3A_182 = arith.constant 0 : i32
          %dma_start3A_183 = arith.constant 0 : i32
          %dma_start3A_184 = tpu.memref_slice %arg8[%dma_start3A_181, %dma_start3A_182, %dma_start3A_183] : memref<2x240x128xi32, #tpu.memory_space<vmem>> -> memref<1x240x128xi32, #tpu.memory_space<vmem>>
          %dma_start3A_185 = tpu.memref_squeeze %dma_start3A_184 : memref<1x240x128xi32, #tpu.memory_space<vmem>> -> memref<240x128xi32, #tpu.memory_space<vmem>>
          %dma_start3A_186 = arith.constant 0 : i32
          %dma_start3A_187 = arith.constant 0 : i32
          %dma_start3A_188 = tpu.memref_slice %dma_start3A_185[%dma_start3A_186, %dma_start3A_187] : memref<240x128xi32, #tpu.memory_space<vmem>> -> memref<80x128xi32, #tpu.memory_space<vmem>>
          %dma_start3A_189 = tpu.memref_slice %arg7[%add3A_180] : memref<4800xi32, #tpu.memory_space<vmem>> -> memref<80xi32, #tpu.memory_space<vmem>>
          %dma_start3A_190 = arith.constant 0 : i32
          %dma_start3A_191 = arith.constant 0 : i32
          %dma_start3A_192 = tpu.memref_slice %arg2[%dma_start3A_190, %dma_start3A_191] : memref<150000x128xi32, #tpu.memory_space<hbm>> -> memref<150000x128xi32, #tpu.memory_space<hbm>>
          tpu.enqueue_indirect_dma source(%dma_start3A_192 : memref<150000x128xi32, #tpu.memory_space<hbm>>) target(%dma_start3A_188 : memref<80x128xi32, #tpu.memory_space<vmem>>) offsets(%dma_start3A_189 : memref<80xi32, #tpu.memory_space<vmem>>) semaphore(%arg10 : memref<!tpu.dma_semaphore, #tpu.memory_space<semaphore_mem>>)
          %add3A_193 = arith.constant 1600 : i32
          %add3A_194 = arith.addi %add3A_193, %sub3A : i32
          %mul3A_195 = arith.constant 80 : i32
          %mul3A_196 = arith.muli %add3A_175, %mul3A_195 : i32
          %add3A_197 = arith.addi %add3A_194, %mul3A_196 : i32
          %dma_start3A_198 = arith.constant 0 : i32
          %dma_start3A_199 = arith.constant 0 : i32
          %dma_start3A_200 = arith.constant 0 : i32
          %dma_start3A_201 = tpu.memref_slice %arg8[%dma_start3A_198, %dma_start3A_199, %dma_start3A_200] : memref<2x240x128xi32, #tpu.memory_space<vmem>> -> memref<1x240x128xi32, #tpu.memory_space<vmem>>
          %dma_start3A_202 = tpu.memref_squeeze %dma_start3A_201 : memref<1x240x128xi32, #tpu.memory_space<vmem>> -> memref<240x128xi32, #tpu.memory_space<vmem>>
          %dma_start3A_203 = arith.constant 80 : i32
          %dma_start3A_204 = arith.constant 0 : i32
          %dma_start3A_205 = tpu.memref_slice %dma_start3A_202[%dma_start3A_203, %dma_start3A_204] : memref<240x128xi32, #tpu.memory_space<vmem>> -> memref<80x128xi32, #tpu.memory_space<vmem>>
          %dma_start3A_206 = tpu.memref_slice %arg7[%add3A_197] : memref<4800xi32, #tpu.memory_space<vmem>> -> memref<80xi32, #tpu.memory_space<vmem>>
          %dma_start3A_207 = arith.constant 0 : i32
          %dma_start3A_208 = arith.constant 0 : i32
          %dma_start3A_209 = tpu.memref_slice %arg2[%dma_start3A_207, %dma_start3A_208] : memref<150000x128xi32, #tpu.memory_space<hbm>> -> memref<150000x128xi32, #tpu.memory_space<hbm>>
          tpu.enqueue_indirect_dma source(%dma_start3A_209 : memref<150000x128xi32, #tpu.memory_space<hbm>>) target(%dma_start3A_205 : memref<80x128xi32, #tpu.memory_space<vmem>>) offsets(%dma_start3A_206 : memref<80xi32, #tpu.memory_space<vmem>>) semaphore(%arg10 : memref<!tpu.dma_semaphore, #tpu.memory_space<semaphore_mem>>)
          %add3A_210 = arith.constant 3200 : i32
          %add3A_211 = arith.addi %add3A_210, %sub3A : i32
          %mul3A_212 = arith.constant 80 : i32
          %mul3A_213 = arith.muli %add3A_175, %mul3A_212 : i32
          %add3A_214 = arith.addi %add3A_211, %mul3A_213 : i32
          %dma_start3A_215 = arith.constant 0 : i32
          %dma_start3A_216 = arith.constant 0 : i32
          %dma_start3A_217 = arith.constant 0 : i32
          %dma_start3A_218 = tpu.memref_slice %arg8[%dma_start3A_215, %dma_start3A_216, %dma_start3A_217] : memref<2x240x128xi32, #tpu.memory_space<vmem>> -> memref<1x240x128xi32, #tpu.memory_space<vmem>>
          %dma_start3A_219 = tpu.memref_squeeze %dma_start3A_218 : memref<1x240x128xi32, #tpu.memory_space<vmem>> -> memref<240x128xi32, #tpu.memory_space<vmem>>
          %dma_start3A_220 = arith.constant 160 : i32
          %dma_start3A_221 = arith.constant 0 : i32
          %dma_start3A_222 = tpu.memref_slice %dma_start3A_219[%dma_start3A_220, %dma_start3A_221] : memref<240x128xi32, #tpu.memory_space<vmem>> -> memref<80x128xi32, #tpu.memory_space<vmem>>
          %dma_start3A_223 = tpu.memref_slice %arg7[%add3A_214] : memref<4800xi32, #tpu.memory_space<vmem>> -> memref<80xi32, #tpu.memory_space<vmem>>
          %dma_start3A_224 = arith.constant 0 : i32
          %dma_start3A_225 = arith.constant 0 : i32
          %dma_start3A_226 = tpu.memref_slice %arg2[%dma_start3A_224, %dma_start3A_225] : memref<150000x128xi32, #tpu.memory_space<hbm>> -> memref<150000x128xi32, #tpu.memory_space<hbm>>
          tpu.enqueue_indirect_dma source(%dma_start3A_226 : memref<150000x128xi32, #tpu.memory_space<hbm>>) target(%dma_start3A_222 : memref<80x128xi32, #tpu.memory_space<vmem>>) offsets(%dma_start3A_223 : memref<80xi32, #tpu.memory_space<vmem>>) semaphore(%arg10 : memref<!tpu.dma_semaphore, #tpu.memory_space<semaphore_mem>>)
        } else {
        }
        %dma_wait3A_113 = arith.constant 1 : i32
        %dma_wait3A_114 = arith.constant 0 : i32
        %dma_wait3A_115 = arith.constant 0 : i32
        %dma_wait3A_116 = tpu.memref_slice %arg8[%dma_wait3A_113, %dma_wait3A_114, %dma_wait3A_115] : memref<2x240x128xi32, #tpu.memory_space<vmem>> -> memref<1x240x128xi32, #tpu.memory_space<vmem>>
        %dma_wait3A_117 = tpu.memref_squeeze %dma_wait3A_116 : memref<1x240x128xi32, #tpu.memory_space<vmem>> -> memref<240x128xi32, #tpu.memory_space<vmem>>
        %dma_wait3A_118 = arith.constant 0 : i32
        %dma_wait3A_119 = arith.constant 0 : i32
        %dma_wait3A_120 = tpu.memref_slice %dma_wait3A_117[%dma_wait3A_118, %dma_wait3A_119] : memref<240x128xi32, #tpu.memory_space<vmem>> -> memref<80x128xi32, #tpu.memory_space<vmem>>
        %dma_wait3A_121 = arith.constant 0 : i32
        %dma_wait3A_122 = tpu.memref_slice %arg7[%dma_wait3A_121] : memref<4800xi32, #tpu.memory_space<vmem>> -> memref<80xi32, #tpu.memory_space<vmem>>
        %dma_wait3A_123 = arith.constant 0 : i32
        %dma_wait3A_124 = arith.constant 0 : i32
        %dma_wait3A_125 = tpu.memref_slice %arg2[%dma_wait3A_123, %dma_wait3A_124] : memref<150000x128xi32, #tpu.memory_space<hbm>> -> memref<150000x128xi32, #tpu.memory_space<hbm>>
        tpu.wait_indirect_dma semaphore(%arg11 : memref<!tpu.dma_semaphore, #tpu.memory_space<semaphore_mem>>) src(%dma_wait3A_125 : memref<150000x128xi32, #tpu.memory_space<hbm>>) dst(%dma_wait3A_120 : memref<80x128xi32, #tpu.memory_space<vmem>>)
        %dma_wait3A_126 = arith.constant 1 : i32
        %dma_wait3A_127 = arith.constant 0 : i32
        %dma_wait3A_128 = arith.constant 0 : i32
        %dma_wait3A_129 = tpu.memref_slice %arg8[%dma_wait3A_126, %dma_wait3A_127, %dma_wait3A_128] : memref<2x240x128xi32, #tpu.memory_space<vmem>> -> memref<1x240x128xi32, #tpu.memory_space<vmem>>
        %dma_wait3A_130 = tpu.memref_squeeze %dma_wait3A_129 : memref<1x240x128xi32, #tpu.memory_space<vmem>> -> memref<240x128xi32, #tpu.memory_space<vmem>>
        %dma_wait3A_131 = arith.constant 80 : i32
        %dma_wait3A_132 = arith.constant 0 : i32
        %dma_wait3A_133 = tpu.memref_slice %dma_wait3A_130[%dma_wait3A_131, %dma_wait3A_132] : memref<240x128xi32, #tpu.memory_space<vmem>> -> memref<80x128xi32, #tpu.memory_space<vmem>>
        %dma_wait3A_134 = arith.constant 0 : i32
        %dma_wait3A_135 = tpu.memref_slice %arg7[%dma_wait3A_134] : memref<4800xi32, #tpu.memory_space<vmem>> -> memref<80xi32, #tpu.memory_space<vmem>>
        %dma_wait3A_136 = arith.constant 0 : i32
        %dma_wait3A_137 = arith.constant 0 : i32
        %dma_wait3A_138 = tpu.memref_slice %arg2[%dma_wait3A_136, %dma_wait3A_137] : memref<150000x128xi32, #tpu.memory_space<hbm>> -> memref<150000x128xi32, #tpu.memory_space<hbm>>
        tpu.wait_indirect_dma semaphore(%arg11 : memref<!tpu.dma_semaphore, #tpu.memory_space<semaphore_mem>>) src(%dma_wait3A_138 : memref<150000x128xi32, #tpu.memory_space<hbm>>) dst(%dma_wait3A_133 : memref<80x128xi32, #tpu.memory_space<vmem>>)
        %dma_wait3A_139 = arith.constant 1 : i32
        %dma_wait3A_140 = arith.constant 0 : i32
        %dma_wait3A_141 = arith.constant 0 : i32
        %dma_wait3A_142 = tpu.memref_slice %arg8[%dma_wait3A_139, %dma_wait3A_140, %dma_wait3A_141] : memref<2x240x128xi32, #tpu.memory_space<vmem>> -> memref<1x240x128xi32, #tpu.memory_space<vmem>>
        %dma_wait3A_143 = tpu.memref_squeeze %dma_wait3A_142 : memref<1x240x128xi32, #tpu.memory_space<vmem>> -> memref<240x128xi32, #tpu.memory_space<vmem>>
        %dma_wait3A_144 = arith.constant 160 : i32
        %dma_wait3A_145 = arith.constant 0 : i32
        %dma_wait3A_146 = tpu.memref_slice %dma_wait3A_143[%dma_wait3A_144, %dma_wait3A_145] : memref<240x128xi32, #tpu.memory_space<vmem>> -> memref<80x128xi32, #tpu.memory_space<vmem>>
        %dma_wait3A_147 = arith.constant 0 : i32
        %dma_wait3A_148 = tpu.memref_slice %arg7[%dma_wait3A_147] : memref<4800xi32, #tpu.memory_space<vmem>> -> memref<80xi32, #tpu.memory_space<vmem>>
        %dma_wait3A_149 = arith.constant 0 : i32
        %dma_wait3A_150 = arith.constant 0 : i32
        %dma_wait3A_151 = tpu.memref_slice %arg2[%dma_wait3A_149, %dma_wait3A_150] : memref<150000x128xi32, #tpu.memory_space<hbm>> -> memref<150000x128xi32, #tpu.memory_space<hbm>>
        tpu.wait_indirect_dma semaphore(%arg11 : memref<!tpu.dma_semaphore, #tpu.memory_space<semaphore_mem>>) src(%dma_wait3A_151 : memref<150000x128xi32, #tpu.memory_space<hbm>>) dst(%dma_wait3A_146 : memref<80x128xi32, #tpu.memory_space<vmem>>)
        %ge3A = arith.constant 2 : i32
        %ge3A_152 = arith.cmpi sge, %add3A_102, %ge3A : i32
        %convert_element_type3A_153 = arith.extui %ge3A_152 : i1 to i32
        %cond3A_154 = arith.constant 0 : i32
        %cond3A_155 = arith.cmpi ne, %convert_element_type3A_153, %cond3A_154 : i32
        scf.if %cond3A_155 {
          %dma_wait3A_174 = arith.constant 1 : i32
          %dma_wait3A_175 = arith.constant 0 : i32
          %dma_wait3A_176 = arith.constant 0 : i32
          %dma_wait3A_177 = tpu.memref_slice %arg9[%dma_wait3A_174, %dma_wait3A_175, %dma_wait3A_176] : memref<2x80x256xf32, #tpu.memory_space<vmem>> -> memref<1x80x256xf32, #tpu.memory_space<vmem>>
          %dma_wait3A_178 = tpu.memref_squeeze %dma_wait3A_177 : memref<1x80x256xf32, #tpu.memory_space<vmem>> -> memref<80x256xf32, #tpu.memory_space<vmem>>
          %dma_wait3A_179 = arith.constant 0 : i32
          %dma_wait3A_180 = arith.constant 0 : i32
          %dma_wait3A_181 = tpu.memref_slice %arg6[%dma_wait3A_179, %dma_wait3A_180] : memref<50000x256xf32, #tpu.memory_space<hbm>> -> memref<80x256xf32, #tpu.memory_space<hbm>>
          %dma_wait3A_182 = arith.constant 0 : i32
          %dma_wait3A_183 = arith.constant 0 : i32
          %dma_wait3A_184 = tpu.memref_slice %arg6[%dma_wait3A_182, %dma_wait3A_183] : memref<50000x256xf32, #tpu.memory_space<hbm>> -> memref<80x256xf32, #tpu.memory_space<hbm>>
          %dma_wait3A_185 = arith.constant 0 : i32
          %dma_wait3A_186 = arith.constant 0 : i32
          %dma_wait3A_187 = tpu.memref_slice %arg9[%dma_wait3A_174, %dma_wait3A_185, %dma_wait3A_186] : memref<2x80x256xf32, #tpu.memory_space<vmem>> -> memref<1x80x256xf32, #tpu.memory_space<vmem>>
          %dma_wait3A_188 = tpu.memref_squeeze %dma_wait3A_187 : memref<1x80x256xf32, #tpu.memory_space<vmem>> -> memref<80x256xf32, #tpu.memory_space<vmem>>
          tpu.wait_dma2 semaphore(%arg13 : memref<!tpu.dma_semaphore, #tpu.memory_space<semaphore_mem>>) src(%dma_wait3A_188 : memref<80x256xf32, #tpu.memory_space<vmem>>) dst(%dma_wait3A_184 : memref<80x256xf32, #tpu.memory_space<hbm>>)
        } else {
        }
        %parallel_loop3A = arith.constant 0 : i32
        %parallel_loop3A_156 = arith.constant 80 : i32
        %parallel_loop3A_157 = arith.constant 1 : i32
        scf.for %parallel_loop3A_174 = %parallel_loop3A to %parallel_loop3A_156 step %parallel_loop3A_157  : i32 {
          %parallel_loop3A_175 = arith.constant 1 : i32
          %parallel_loop3A_176 = arith.index_cast %parallel_loop3A_175 : i32 to index
          %parallel_loop3A_177 = arith.index_cast %parallel_loop3A_174 : i32 to index
          %parallel_loop3A_178 = arith.constant 0 : index
          %parallel_loop3A_179 = tpu.vector_load %arg8[%parallel_loop3A_176, %parallel_loop3A_177, %parallel_loop3A_178] {strides = array<i32>} : memref<2x240x128xi32, #tpu.memory_space<vmem>>, vector<1x1x16xi32>,
          %parallel_loop3A_180 = vector.shape_cast %parallel_loop3A_179 : vector<1x1x16xi32> to vector<16xi32>
          %parallel_loop3A_181 = arith.constant 80 : i32
          %parallel_loop3A_182 = arith.addi %parallel_loop3A_181, %parallel_loop3A_174 : i32
          %parallel_loop3A_183 = arith.constant 1 : i32
          %parallel_loop3A_184 = arith.index_cast %parallel_loop3A_183 : i32 to index
          %parallel_loop3A_185 = arith.index_cast %parallel_loop3A_182 : i32 to index
          %parallel_loop3A_186 = arith.constant 0 : index
          %parallel_loop3A_187 = tpu.vector_load %arg8[%parallel_loop3A_184, %parallel_loop3A_185, %parallel_loop3A_186] {strides = array<i32>} : memref<2x240x128xi32, #tpu.memory_space<vmem>>, vector<1x1x16xi32>,
          %parallel_loop3A_188 = vector.shape_cast %parallel_loop3A_187 : vector<1x1x16xi32> to vector<16xi32>
          %parallel_loop3A_189 = arith.constant 160 : i32
          %parallel_loop3A_190 = arith.addi %parallel_loop3A_189, %parallel_loop3A_174 : i32
          %parallel_loop3A_191 = arith.constant 1 : i32
          %parallel_loop3A_192 = arith.index_cast %parallel_loop3A_191 : i32 to index
          %parallel_loop3A_193 = arith.index_cast %parallel_loop3A_190 : i32 to index
          %parallel_loop3A_194 = arith.constant 0 : index
          %parallel_loop3A_195 = tpu.vector_load %arg8[%parallel_loop3A_192, %parallel_loop3A_193, %parallel_loop3A_194] {strides = array<i32>} : memref<2x240x128xi32, #tpu.memory_space<vmem>>, vector<1x1x16xi32>,
          %parallel_loop3A_196 = vector.shape_cast %parallel_loop3A_195 : vector<1x1x16xi32> to vector<16xi32>
          %parallel_loop3A_197 = arith.constant 16 : i32
          %parallel_loop3A_198 = vector.broadcast %parallel_loop3A_197 : i32 to vector<16xi32>
          %parallel_loop3A_199 = arith.shli %parallel_loop3A_180, %parallel_loop3A_198 : vector<16xi32>
          %parallel_loop3A_200 = tpu.bitcast %parallel_loop3A_199 : vector<16xi32> -> vector<16xf32>
          %parallel_loop3A_201 = arith.constant 16 : i32
          %parallel_loop3A_202 = vector.broadcast %parallel_loop3A_201 : i32 to vector<16xi32>
          %parallel_loop3A_203 = arith.shli %parallel_loop3A_188, %parallel_loop3A_202 : vector<16xi32>
          %parallel_loop3A_204 = tpu.bitcast %parallel_loop3A_203 : vector<16xi32> -> vector<16xf32>
          %parallel_loop3A_205 = arith.addf %parallel_loop3A_200, %parallel_loop3A_204 : vector<16xf32>
          %parallel_loop3A_206 = arith.constant 16 : i32
          %parallel_loop3A_207 = vector.broadcast %parallel_loop3A_206 : i32 to vector<16xi32>
          %parallel_loop3A_208 = arith.shli %parallel_loop3A_196, %parallel_loop3A_207 : vector<16xi32>
          %parallel_loop3A_209 = tpu.bitcast %parallel_loop3A_208 : vector<16xi32> -> vector<16xf32>
          %parallel_loop3A_210 = arith.addf %parallel_loop3A_205, %parallel_loop3A_209 : vector<16xf32>
          %parallel_loop3A_211 = arith.constant -65536 : i32
          %parallel_loop3A_212 = vector.broadcast %parallel_loop3A_211 : i32 to vector<16xi32>
          %parallel_loop3A_213 = arith.andi %parallel_loop3A_180, %parallel_loop3A_212 : vector<16xi32>
          %parallel_loop3A_214 = tpu.bitcast %parallel_loop3A_213 : vector<16xi32> -> vector<16xf32>
          %parallel_loop3A_215 = arith.constant -65536 : i32
          %parallel_loop3A_216 = vector.broadcast %parallel_loop3A_215 : i32 to vector<16xi32>
          %parallel_loop3A_217 = arith.andi %parallel_loop3A_188, %parallel_loop3A_216 : vector<16xi32>
          %parallel_loop3A_218 = tpu.bitcast %parallel_loop3A_217 : vector<16xi32> -> vector<16xf32>
          %parallel_loop3A_219 = arith.addf %parallel_loop3A_214, %parallel_loop3A_218 : vector<16xf32>
          %parallel_loop3A_220 = arith.constant -65536 : i32
          %parallel_loop3A_221 = vector.broadcast %parallel_loop3A_220 : i32 to vector<16xi32>
          %parallel_loop3A_222 = arith.andi %parallel_loop3A_196, %parallel_loop3A_221 : vector<16xi32>
          %parallel_loop3A_223 = tpu.bitcast %parallel_loop3A_222 : vector<16xi32> -> vector<16xf32>
          %parallel_loop3A_224 = arith.addf %parallel_loop3A_219, %parallel_loop3A_223 : vector<16xf32>
          %parallel_loop3A_225 = arith.constant 1 : i32
          %parallel_loop3A_226 = arith.index_cast %parallel_loop3A_225 : i32 to index
          %parallel_loop3A_227 = arith.index_cast %parallel_loop3A_174 : i32 to index
          %parallel_loop3A_228 = arith.constant 0 : index
          %parallel_loop3A_229 = tpu.vector_load %arg9[%parallel_loop3A_226, %parallel_loop3A_227, %parallel_loop3A_228] {strides = array<i32>} : memref<2x80x256xf32, #tpu.memory_space<vmem>>, vector<1x1x16xf32>,
          %parallel_loop3A_230 = vector.shape_cast %parallel_loop3A_229 : vector<1x1x16xf32> to vector<16xf32>
          %parallel_loop3A_231 = vector.shape_cast %parallel_loop3A_210 : vector<16xf32> to vector<1x1x16xf32>
          tpu.vector_store %arg9[%parallel_loop3A_226, %parallel_loop3A_227, %parallel_loop3A_228], %parallel_loop3A_231 {strides = array<i32>} : memref<2x80x256xf32, #tpu.memory_space<vmem>>, vector<1x1x16xf32>,
          %parallel_loop3A_232 = arith.constant 1 : i32
          %parallel_loop3A_233 = arith.index_cast %parallel_loop3A_232 : i32 to index
          %parallel_loop3A_234 = arith.index_cast %parallel_loop3A_174 : i32 to index
          %parallel_loop3A_235 = arith.constant 16 : index
          %parallel_loop3A_236 = tpu.vector_load %arg9[%parallel_loop3A_233, %parallel_loop3A_234, %parallel_loop3A_235] {strides = array<i32>} : memref<2x80x256xf32, #tpu.memory_space<vmem>>, vector<1x1x16xf32>,
          %parallel_loop3A_237 = vector.shape_cast %parallel_loop3A_236 : vector<1x1x16xf32> to vector<16xf32>
          %parallel_loop3A_238 = vector.shape_cast %parallel_loop3A_224 : vector<16xf32> to vector<1x1x16xf32>
          tpu.vector_store %arg9[%parallel_loop3A_233, %parallel_loop3A_234, %parallel_loop3A_235], %parallel_loop3A_238 {strides = array<i32>} : memref<2x80x256xf32, #tpu.memory_space<vmem>>, vector<1x1x16xf32>,
          %parallel_loop3A_239 = arith.constant 1 : i32
          %parallel_loop3A_240 = arith.index_cast %parallel_loop3A_239 : i32 to index
          %parallel_loop3A_241 = arith.index_cast %parallel_loop3A_174 : i32 to index
          %parallel_loop3A_242 = arith.constant 16 : index
          %parallel_loop3A_243 = tpu.vector_load %arg8[%parallel_loop3A_240, %parallel_loop3A_241, %parallel_loop3A_242] {strides = array<i32>} : memref<2x240x128xi32, #tpu.memory_space<vmem>>, vector<1x1x16xi32>,
          %parallel_loop3A_244 = vector.shape_cast %parallel_loop3A_243 : vector<1x1x16xi32> to vector<16xi32>
          %parallel_loop3A_245 = arith.constant 80 : i32
          %parallel_loop3A_246 = arith.addi %parallel_loop3A_245, %parallel_loop3A_174 : i32
          %parallel_loop3A_247 = arith.constant 1 : i32
          %parallel_loop3A_248 = arith.index_cast %parallel_loop3A_247 : i32 to index
          %parallel_loop3A_249 = arith.index_cast %parallel_loop3A_246 : i32 to index
          %parallel_loop3A_250 = arith.constant 16 : index
          %parallel_loop3A_251 = tpu.vector_load %arg8[%parallel_loop3A_248, %parallel_loop3A_249, %parallel_loop3A_250] {strides = array<i32>} : memref<2x240x128xi32, #tpu.memory_space<vmem>>, vector<1x1x16xi32>,
          %parallel_loop3A_252 = vector.shape_cast %parallel_loop3A_251 : vector<1x1x16xi32> to vector<16xi32>
          %parallel_loop3A_253 = arith.constant 160 : i32
          %parallel_loop3A_254 = arith.addi %parallel_loop3A_253, %parallel_loop3A_174 : i32
          %parallel_loop3A_255 = arith.constant 1 : i32
          %parallel_loop3A_256 = arith.index_cast %parallel_loop3A_255 : i32 to index
          %parallel_loop3A_257 = arith.index_cast %parallel_loop3A_254 : i32 to index
          %parallel_loop3A_258 = arith.constant 16 : index
          %parallel_loop3A_259 = tpu.vector_load %arg8[%parallel_loop3A_256, %parallel_loop3A_257, %parallel_loop3A_258] {strides = array<i32>} : memref<2x240x128xi32, #tpu.memory_space<vmem>>, vector<1x1x16xi32>,
          %parallel_loop3A_260 = vector.shape_cast %parallel_loop3A_259 : vector<1x1x16xi32> to vector<16xi32>
          %parallel_loop3A_261 = arith.constant 16 : i32
          %parallel_loop3A_262 = vector.broadcast %parallel_loop3A_261 : i32 to vector<16xi32>
          %parallel_loop3A_263 = arith.shli %parallel_loop3A_244, %parallel_loop3A_262 : vector<16xi32>
          %parallel_loop3A_264 = tpu.bitcast %parallel_loop3A_263 : vector<16xi32> -> vector<16xf32>
          %parallel_loop3A_265 = arith.constant 16 : i32
          %parallel_loop3A_266 = vector.broadcast %parallel_loop3A_265 : i32 to vector<16xi32>
          %parallel_loop3A_267 = arith.shli %parallel_loop3A_252, %parallel_loop3A_266 : vector<16xi32>
          %parallel_loop3A_268 = tpu.bitcast %parallel_loop3A_267 : vector<16xi32> -> vector<16xf32>
          %parallel_loop3A_269 = arith.addf %parallel_loop3A_264, %parallel_loop3A_268 : vector<16xf32>
          %parallel_loop3A_270 = arith.constant 16 : i32
          %parallel_loop3A_271 = vector.broadcast %parallel_loop3A_270 : i32 to vector<16xi32>
          %parallel_loop3A_272 = arith.shli %parallel_loop3A_260, %parallel_loop3A_271 : vector<16xi32>
          %parallel_loop3A_273 = tpu.bitcast %parallel_loop3A_272 : vector<16xi32> -> vector<16xf32>
          %parallel_loop3A_274 = arith.addf %parallel_loop3A_269, %parallel_loop3A_273 : vector<16xf32>
          %parallel_loop3A_275 = arith.constant -65536 : i32
          %parallel_loop3A_276 = vector.broadcast %parallel_loop3A_275 : i32 to vector<16xi32>
          %parallel_loop3A_277 = arith.andi %parallel_loop3A_244, %parallel_loop3A_276 : vector<16xi32>
          %parallel_loop3A_278 = tpu.bitcast %parallel_loop3A_277 : vector<16xi32> -> vector<16xf32>
          %parallel_loop3A_279 = arith.constant -65536 : i32
          %parallel_loop3A_280 = vector.broadcast %parallel_loop3A_279 : i32 to vector<16xi32>
          %parallel_loop3A_281 = arith.andi %parallel_loop3A_252, %parallel_loop3A_280 : vector<16xi32>
          %parallel_loop3A_282 = tpu.bitcast %parallel_loop3A_281 : vector<16xi32> -> vector<16xf32>
          %parallel_loop3A_283 = arith.addf %parallel_loop3A_278, %parallel_loop3A_282 : vector<16xf32>
          %parallel_loop3A_284 = arith.constant -65536 : i32
          %parallel_loop3A_285 = vector.broadcast %parallel_loop3A_284 : i32 to vector<16xi32>
          %parallel_loop3A_286 = arith.andi %parallel_loop3A_260, %parallel_loop3A_285 : vector<16xi32>
          %parallel_loop3A_287 = tpu.bitcast %parallel_loop3A_286 : vector<16xi32> -> vector<16xf32>
          %parallel_loop3A_288 = arith.addf %parallel_loop3A_283, %parallel_loop3A_287 : vector<16xf32>
          %parallel_loop3A_289 = arith.constant 1 : i32
          %parallel_loop3A_290 = arith.index_cast %parallel_loop3A_289 : i32 to index
          %parallel_loop3A_291 = arith.index_cast %parallel_loop3A_174 : i32 to index
          %parallel_loop3A_292 = arith.constant 32 : index
          %parallel_loop3A_293 = tpu.vector_load %arg9[%parallel_loop3A_290, %parallel_loop3A_291, %parallel_loop3A_292] {strides = array<i32>} : memref<2x80x256xf32, #tpu.memory_space<vmem>>, vector<1x1x16xf32>,
          %parallel_loop3A_294 = vector.shape_cast %parallel_loop3A_293 : vector<1x1x16xf32> to vector<16xf32>
          %parallel_loop3A_295 = vector.shape_cast %parallel_loop3A_274 : vector<16xf32> to vector<1x1x16xf32>
          tpu.vector_store %arg9[%parallel_loop3A_290, %parallel_loop3A_291, %parallel_loop3A_292], %parallel_loop3A_295 {strides = array<i32>} : memref<2x80x256xf32, #tpu.memory_space<vmem>>, vector<1x1x16xf32>,
          %parallel_loop3A_296 = arith.constant 1 : i32
          %parallel_loop3A_297 = arith.index_cast %parallel_loop3A_296 : i32 to index
          %parallel_loop3A_298 = arith.index_cast %parallel_loop3A_174 : i32 to index
          %parallel_loop3A_299 = arith.constant 48 : index
          %parallel_loop3A_300 = tpu.vector_load %arg9[%parallel_loop3A_297, %parallel_loop3A_298, %parallel_loop3A_299] {strides = array<i32>} : memref<2x80x256xf32, #tpu.memory_space<vmem>>, vector<1x1x16xf32>,
          %parallel_loop3A_301 = vector.shape_cast %parallel_loop3A_300 : vector<1x1x16xf32> to vector<16xf32>
          %parallel_loop3A_302 = vector.shape_cast %parallel_loop3A_288 : vector<16xf32> to vector<1x1x16xf32>
          tpu.vector_store %arg9[%parallel_loop3A_297, %parallel_loop3A_298, %parallel_loop3A_299], %parallel_loop3A_302 {strides = array<i32>} : memref<2x80x256xf32, #tpu.memory_space<vmem>>, vector<1x1x16xf32>,
          %parallel_loop3A_303 = arith.constant 1 : i32
          %parallel_loop3A_304 = arith.index_cast %parallel_loop3A_303 : i32 to index
          %parallel_loop3A_305 = arith.index_cast %parallel_loop3A_174 : i32 to index
          %parallel_loop3A_306 = arith.constant 32 : index
          %parallel_loop3A_307 = tpu.vector_load %arg8[%parallel_loop3A_304, %parallel_loop3A_305, %parallel_loop3A_306] {strides = array<i32>} : memref<2x240x128xi32, #tpu.memory_space<vmem>>, vector<1x1x16xi32>,
          %parallel_loop3A_308 = vector.shape_cast %parallel_loop3A_307 : vector<1x1x16xi32> to vector<16xi32>
          %parallel_loop3A_309 = arith.constant 80 : i32
          %parallel_loop3A_310 = arith.addi %parallel_loop3A_309, %parallel_loop3A_174 : i32
          %parallel_loop3A_311 = arith.constant 1 : i32
          %parallel_loop3A_312 = arith.index_cast %parallel_loop3A_311 : i32 to index
          %parallel_loop3A_313 = arith.index_cast %parallel_loop3A_310 : i32 to index
          %parallel_loop3A_314 = arith.constant 32 : index
          %parallel_loop3A_315 = tpu.vector_load %arg8[%parallel_loop3A_312, %parallel_loop3A_313, %parallel_loop3A_314] {strides = array<i32>} : memref<2x240x128xi32, #tpu.memory_space<vmem>>, vector<1x1x16xi32>,
          %parallel_loop3A_316 = vector.shape_cast %parallel_loop3A_315 : vector<1x1x16xi32> to vector<16xi32>
          %parallel_loop3A_317 = arith.constant 160 : i32
          %parallel_loop3A_318 = arith.addi %parallel_loop3A_317, %parallel_loop3A_174 : i32
          %parallel_loop3A_319 = arith.constant 1 : i32
          %parallel_loop3A_320 = arith.index_cast %parallel_loop3A_319 : i32 to index
          %parallel_loop3A_321 = arith.index_cast %parallel_loop3A_318 : i32 to index
          %parallel_loop3A_322 = arith.constant 32 : index
          %parallel_loop3A_323 = tpu.vector_load %arg8[%parallel_loop3A_320, %parallel_loop3A_321, %parallel_loop3A_322] {strides = array<i32>} : memref<2x240x128xi32, #tpu.memory_space<vmem>>, vector<1x1x16xi32>,
          %parallel_loop3A_324 = vector.shape_cast %parallel_loop3A_323 : vector<1x1x16xi32> to vector<16xi32>
          %parallel_loop3A_325 = arith.constant 16 : i32
          %parallel_loop3A_326 = vector.broadcast %parallel_loop3A_325 : i32 to vector<16xi32>
          %parallel_loop3A_327 = arith.shli %parallel_loop3A_308, %parallel_loop3A_326 : vector<16xi32>
          %parallel_loop3A_328 = tpu.bitcast %parallel_loop3A_327 : vector<16xi32> -> vector<16xf32>
          %parallel_loop3A_329 = arith.constant 16 : i32
          %parallel_loop3A_330 = vector.broadcast %parallel_loop3A_329 : i32 to vector<16xi32>
          %parallel_loop3A_331 = arith.shli %parallel_loop3A_316, %parallel_loop3A_330 : vector<16xi32>
          %parallel_loop3A_332 = tpu.bitcast %parallel_loop3A_331 : vector<16xi32> -> vector<16xf32>
          %parallel_loop3A_333 = arith.addf %parallel_loop3A_328, %parallel_loop3A_332 : vector<16xf32>
          %parallel_loop3A_334 = arith.constant 16 : i32
          %parallel_loop3A_335 = vector.broadcast %parallel_loop3A_334 : i32 to vector<16xi32>
          %parallel_loop3A_336 = arith.shli %parallel_loop3A_324, %parallel_loop3A_335 : vector<16xi32>
          %parallel_loop3A_337 = tpu.bitcast %parallel_loop3A_336 : vector<16xi32> -> vector<16xf32>
          %parallel_loop3A_338 = arith.addf %parallel_loop3A_333, %parallel_loop3A_337 : vector<16xf32>
          %parallel_loop3A_339 = arith.constant -65536 : i32
          %parallel_loop3A_340 = vector.broadcast %parallel_loop3A_339 : i32 to vector<16xi32>
          %parallel_loop3A_341 = arith.andi %parallel_loop3A_308, %parallel_loop3A_340 : vector<16xi32>
          %parallel_loop3A_342 = tpu.bitcast %parallel_loop3A_341 : vector<16xi32> -> vector<16xf32>
          %parallel_loop3A_343 = arith.constant -65536 : i32
          %parallel_loop3A_344 = vector.broadcast %parallel_loop3A_343 : i32 to vector<16xi32>
          %parallel_loop3A_345 = arith.andi %parallel_loop3A_316, %parallel_loop3A_344 : vector<16xi32>
          %parallel_loop3A_346 = tpu.bitcast %parallel_loop3A_345 : vector<16xi32> -> vector<16xf32>
          %parallel_loop3A_347 = arith.addf %parallel_loop3A_342, %parallel_loop3A_346 : vector<16xf32>
          %parallel_loop3A_348 = arith.constant -65536 : i32
          %parallel_loop3A_349 = vector.broadcast %parallel_loop3A_348 : i32 to vector<16xi32>
          %parallel_loop3A_350 = arith.andi %parallel_loop3A_324, %parallel_loop3A_349 : vector<16xi32>
          %parallel_loop3A_351 = tpu.bitcast %parallel_loop3A_350 : vector<16xi32> -> vector<16xf32>
          %parallel_loop3A_352 = arith.addf %parallel_loop3A_347, %parallel_loop3A_351 : vector<16xf32>
          %parallel_loop3A_353 = arith.constant 1 : i32
          %parallel_loop3A_354 = arith.index_cast %parallel_loop3A_353 : i32 to index
          %parallel_loop3A_355 = arith.index_cast %parallel_loop3A_174 : i32 to index
          %parallel_loop3A_356 = arith.constant 64 : index
          %parallel_loop3A_357 = tpu.vector_load %arg9[%parallel_loop3A_354, %parallel_loop3A_355, %parallel_loop3A_356] {strides = array<i32>} : memref<2x80x256xf32, #tpu.memory_space<vmem>>, vector<1x1x16xf32>,
          %parallel_loop3A_358 = vector.shape_cast %parallel_loop3A_357 : vector<1x1x16xf32> to vector<16xf32>
          %parallel_loop3A_359 = vector.shape_cast %parallel_loop3A_338 : vector<16xf32> to vector<1x1x16xf32>
          tpu.vector_store %arg9[%parallel_loop3A_354, %parallel_loop3A_355, %parallel_loop3A_356], %parallel_loop3A_359 {strides = array<i32>} : memref<2x80x256xf32, #tpu.memory_space<vmem>>, vector<1x1x16xf32>,
          %parallel_loop3A_360 = arith.constant 1 : i32
          %parallel_loop3A_361 = arith.index_cast %parallel_loop3A_360 : i32 to index
          %parallel_loop3A_362 = arith.index_cast %parallel_loop3A_174 : i32 to index
          %parallel_loop3A_363 = arith.constant 80 : index
          %parallel_loop3A_364 = tpu.vector_load %arg9[%parallel_loop3A_361, %parallel_loop3A_362, %parallel_loop3A_363] {strides = array<i32>} : memref<2x80x256xf32, #tpu.memory_space<vmem>>, vector<1x1x16xf32>,
          %parallel_loop3A_365 = vector.shape_cast %parallel_loop3A_364 : vector<1x1x16xf32> to vector<16xf32>
          %parallel_loop3A_366 = vector.shape_cast %parallel_loop3A_352 : vector<16xf32> to vector<1x1x16xf32>
          tpu.vector_store %arg9[%parallel_loop3A_361, %parallel_loop3A_362, %parallel_loop3A_363], %parallel_loop3A_366 {strides = array<i32>} : memref<2x80x256xf32, #tpu.memory_space<vmem>>, vector<1x1x16xf32>,
          %parallel_loop3A_367 = arith.constant 1 : i32
          %parallel_loop3A_368 = arith.index_cast %parallel_loop3A_367 : i32 to index
          %parallel_loop3A_369 = arith.index_cast %parallel_loop3A_174 : i32 to index
          %parallel_loop3A_370 = arith.constant 48 : index
          %parallel_loop3A_371 = tpu.vector_load %arg8[%parallel_loop3A_368, %parallel_loop3A_369, %parallel_loop3A_370] {strides = array<i32>} : memref<2x240x128xi32, #tpu.memory_space<vmem>>, vector<1x1x16xi32>,
          %parallel_loop3A_372 = vector.shape_cast %parallel_loop3A_371 : vector<1x1x16xi32> to vector<16xi32>
          %parallel_loop3A_373 = arith.constant 80 : i32
          %parallel_loop3A_374 = arith.addi %parallel_loop3A_373, %parallel_loop3A_174 : i32
          %parallel_loop3A_375 = arith.constant 1 : i32
          %parallel_loop3A_376 = arith.index_cast %parallel_loop3A_375 : i32 to index
          %parallel_loop3A_377 = arith.index_cast %parallel_loop3A_374 : i32 to index
          %parallel_loop3A_378 = arith.constant 48 : index
          %parallel_loop3A_379 = tpu.vector_load %arg8[%parallel_loop3A_376, %parallel_loop3A_377, %parallel_loop3A_378] {strides = array<i32>} : memref<2x240x128xi32, #tpu.memory_space<vmem>>, vector<1x1x16xi32>,
          %parallel_loop3A_380 = vector.shape_cast %parallel_loop3A_379 : vector<1x1x16xi32> to vector<16xi32>
          %parallel_loop3A_381 = arith.constant 160 : i32
          %parallel_loop3A_382 = arith.addi %parallel_loop3A_381, %parallel_loop3A_174 : i32
          %parallel_loop3A_383 = arith.constant 1 : i32
          %parallel_loop3A_384 = arith.index_cast %parallel_loop3A_383 : i32 to index
          %parallel_loop3A_385 = arith.index_cast %parallel_loop3A_382 : i32 to index
          %parallel_loop3A_386 = arith.constant 48 : index
          %parallel_loop3A_387 = tpu.vector_load %arg8[%parallel_loop3A_384, %parallel_loop3A_385, %parallel_loop3A_386] {strides = array<i32>} : memref<2x240x128xi32, #tpu.memory_space<vmem>>, vector<1x1x16xi32>,
          %parallel_loop3A_388 = vector.shape_cast %parallel_loop3A_387 : vector<1x1x16xi32> to vector<16xi32>
          %parallel_loop3A_389 = arith.constant 16 : i32
          %parallel_loop3A_390 = vector.broadcast %parallel_loop3A_389 : i32 to vector<16xi32>
          %parallel_loop3A_391 = arith.shli %parallel_loop3A_372, %parallel_loop3A_390 : vector<16xi32>
          %parallel_loop3A_392 = tpu.bitcast %parallel_loop3A_391 : vector<16xi32> -> vector<16xf32>
          %parallel_loop3A_393 = arith.constant 16 : i32
          %parallel_loop3A_394 = vector.broadcast %parallel_loop3A_393 : i32 to vector<16xi32>
          %parallel_loop3A_395 = arith.shli %parallel_loop3A_380, %parallel_loop3A_394 : vector<16xi32>
          %parallel_loop3A_396 = tpu.bitcast %parallel_loop3A_395 : vector<16xi32> -> vector<16xf32>
          %parallel_loop3A_397 = arith.addf %parallel_loop3A_392, %parallel_loop3A_396 : vector<16xf32>
          %parallel_loop3A_398 = arith.constant 16 : i32
          %parallel_loop3A_399 = vector.broadcast %parallel_loop3A_398 : i32 to vector<16xi32>
          %parallel_loop3A_400 = arith.shli %parallel_loop3A_388, %parallel_loop3A_399 : vector<16xi32>
          %parallel_loop3A_401 = tpu.bitcast %parallel_loop3A_400 : vector<16xi32> -> vector<16xf32>
          %parallel_loop3A_402 = arith.addf %parallel_loop3A_397, %parallel_loop3A_401 : vector<16xf32>
          %parallel_loop3A_403 = arith.constant -65536 : i32
          %parallel_loop3A_404 = vector.broadcast %parallel_loop3A_403 : i32 to vector<16xi32>
          %parallel_loop3A_405 = arith.andi %parallel_loop3A_372, %parallel_loop3A_404 : vector<16xi32>
          %parallel_loop3A_406 = tpu.bitcast %parallel_loop3A_405 : vector<16xi32> -> vector<16xf32>
          %parallel_loop3A_407 = arith.constant -65536 : i32
          %parallel_loop3A_408 = vector.broadcast %parallel_loop3A_407 : i32 to vector<16xi32>
          %parallel_loop3A_409 = arith.andi %parallel_loop3A_380, %parallel_loop3A_408 : vector<16xi32>
          %parallel_loop3A_410 = tpu.bitcast %parallel_loop3A_409 : vector<16xi32> -> vector<16xf32>
          %parallel_loop3A_411 = arith.addf %parallel_loop3A_406, %parallel_loop3A_410 : vector<16xf32>
          %parallel_loop3A_412 = arith.constant -65536 : i32
          %parallel_loop3A_413 = vector.broadcast %parallel_loop3A_412 : i32 to vector<16xi32>
          %parallel_loop3A_414 = arith.andi %parallel_loop3A_388, %parallel_loop3A_413 : vector<16xi32>
          %parallel_loop3A_415 = tpu.bitcast %parallel_loop3A_414 : vector<16xi32> -> vector<16xf32>
          %parallel_loop3A_416 = arith.addf %parallel_loop3A_411, %parallel_loop3A_415 : vector<16xf32>
          %parallel_loop3A_417 = arith.constant 1 : i32
          %parallel_loop3A_418 = arith.index_cast %parallel_loop3A_417 : i32 to index
          %parallel_loop3A_419 = arith.index_cast %parallel_loop3A_174 : i32 to index
          %parallel_loop3A_420 = arith.constant 96 : index
          %parallel_loop3A_421 = tpu.vector_load %arg9[%parallel_loop3A_418, %parallel_loop3A_419, %parallel_loop3A_420] {strides = array<i32>} : memref<2x80x256xf32, #tpu.memory_space<vmem>>, vector<1x1x16xf32>,
          %parallel_loop3A_422 = vector.shape_cast %parallel_loop3A_421 : vector<1x1x16xf32> to vector<16xf32>
          %parallel_loop3A_423 = vector.shape_cast %parallel_loop3A_402 : vector<16xf32> to vector<1x1x16xf32>
          tpu.vector_store %arg9[%parallel_loop3A_418, %parallel_loop3A_419, %parallel_loop3A_420], %parallel_loop3A_423 {strides = array<i32>} : memref<2x80x256xf32, #tpu.memory_space<vmem>>, vector<1x1x16xf32>,
          %parallel_loop3A_424 = arith.constant 1 : i32
          %parallel_loop3A_425 = arith.index_cast %parallel_loop3A_424 : i32 to index
          %parallel_loop3A_426 = arith.index_cast %parallel_loop3A_174 : i32 to index
          %parallel_loop3A_427 = arith.constant 112 : index
          %parallel_loop3A_428 = tpu.vector_load %arg9[%parallel_loop3A_425, %parallel_loop3A_426, %parallel_loop3A_427] {strides = array<i32>} : memref<2x80x256xf32, #tpu.memory_space<vmem>>, vector<1x1x16xf32>,
          %parallel_loop3A_429 = vector.shape_cast %parallel_loop3A_428 : vector<1x1x16xf32> to vector<16xf32>
          %parallel_loop3A_430 = vector.shape_cast %parallel_loop3A_416 : vector<16xf32> to vector<1x1x16xf32>
          tpu.vector_store %arg9[%parallel_loop3A_425, %parallel_loop3A_426, %parallel_loop3A_427], %parallel_loop3A_430 {strides = array<i32>} : memref<2x80x256xf32, #tpu.memory_space<vmem>>, vector<1x1x16xf32>,
          %parallel_loop3A_431 = arith.constant 1 : i32
          %parallel_loop3A_432 = arith.index_cast %parallel_loop3A_431 : i32 to index
          %parallel_loop3A_433 = arith.index_cast %parallel_loop3A_174 : i32 to index
          %parallel_loop3A_434 = arith.constant 64 : index
          %parallel_loop3A_435 = tpu.vector_load %arg8[%parallel_loop3A_432, %parallel_loop3A_433, %parallel_loop3A_434] {strides = array<i32>} : memref<2x240x128xi32, #tpu.memory_space<vmem>>, vector<1x1x16xi32>,
          %parallel_loop3A_436 = vector.shape_cast %parallel_loop3A_435 : vector<1x1x16xi32> to vector<16xi32>
          %parallel_loop3A_437 = arith.constant 80 : i32
          %parallel_loop3A_438 = arith.addi %parallel_loop3A_437, %parallel_loop3A_174 : i32
          %parallel_loop3A_439 = arith.constant 1 : i32
          %parallel_loop3A_440 = arith.index_cast %parallel_loop3A_439 : i32 to index
          %parallel_loop3A_441 = arith.index_cast %parallel_loop3A_438 : i32 to index
          %parallel_loop3A_442 = arith.constant 64 : index
          %parallel_loop3A_443 = tpu.vector_load %arg8[%parallel_loop3A_440, %parallel_loop3A_441, %parallel_loop3A_442] {strides = array<i32>} : memref<2x240x128xi32, #tpu.memory_space<vmem>>, vector<1x1x16xi32>,
          %parallel_loop3A_444 = vector.shape_cast %parallel_loop3A_443 : vector<1x1x16xi32> to vector<16xi32>
          %parallel_loop3A_445 = arith.constant 160 : i32
          %parallel_loop3A_446 = arith.addi %parallel_loop3A_445, %parallel_loop3A_174 : i32
          %parallel_loop3A_447 = arith.constant 1 : i32
          %parallel_loop3A_448 = arith.index_cast %parallel_loop3A_447 : i32 to index
          %parallel_loop3A_449 = arith.index_cast %parallel_loop3A_446 : i32 to index
          %parallel_loop3A_450 = arith.constant 64 : index
          %parallel_loop3A_451 = tpu.vector_load %arg8[%parallel_loop3A_448, %parallel_loop3A_449, %parallel_loop3A_450] {strides = array<i32>} : memref<2x240x128xi32, #tpu.memory_space<vmem>>, vector<1x1x16xi32>,
          %parallel_loop3A_452 = vector.shape_cast %parallel_loop3A_451 : vector<1x1x16xi32> to vector<16xi32>
          %parallel_loop3A_453 = arith.constant 16 : i32
          %parallel_loop3A_454 = vector.broadcast %parallel_loop3A_453 : i32 to vector<16xi32>
          %parallel_loop3A_455 = arith.shli %parallel_loop3A_436, %parallel_loop3A_454 : vector<16xi32>
          %parallel_loop3A_456 = tpu.bitcast %parallel_loop3A_455 : vector<16xi32> -> vector<16xf32>
          %parallel_loop3A_457 = arith.constant 16 : i32
          %parallel_loop3A_458 = vector.broadcast %parallel_loop3A_457 : i32 to vector<16xi32>
          %parallel_loop3A_459 = arith.shli %parallel_loop3A_444, %parallel_loop3A_458 : vector<16xi32>
          %parallel_loop3A_460 = tpu.bitcast %parallel_loop3A_459 : vector<16xi32> -> vector<16xf32>
          %parallel_loop3A_461 = arith.addf %parallel_loop3A_456, %parallel_loop3A_460 : vector<16xf32>
          %parallel_loop3A_462 = arith.constant 16 : i32
          %parallel_loop3A_463 = vector.broadcast %parallel_loop3A_462 : i32 to vector<16xi32>
          %parallel_loop3A_464 = arith.shli %parallel_loop3A_452, %parallel_loop3A_463 : vector<16xi32>
          %parallel_loop3A_465 = tpu.bitcast %parallel_loop3A_464 : vector<16xi32> -> vector<16xf32>
          %parallel_loop3A_466 = arith.addf %parallel_loop3A_461, %parallel_loop3A_465 : vector<16xf32>
          %parallel_loop3A_467 = arith.constant -65536 : i32
          %parallel_loop3A_468 = vector.broadcast %parallel_loop3A_467 : i32 to vector<16xi32>
          %parallel_loop3A_469 = arith.andi %parallel_loop3A_436, %parallel_loop3A_468 : vector<16xi32>
          %parallel_loop3A_470 = tpu.bitcast %parallel_loop3A_469 : vector<16xi32> -> vector<16xf32>
          %parallel_loop3A_471 = arith.constant -65536 : i32
          %parallel_loop3A_472 = vector.broadcast %parallel_loop3A_471 : i32 to vector<16xi32>
          %parallel_loop3A_473 = arith.andi %parallel_loop3A_444, %parallel_loop3A_472 : vector<16xi32>
          %parallel_loop3A_474 = tpu.bitcast %parallel_loop3A_473 : vector<16xi32> -> vector<16xf32>
          %parallel_loop3A_475 = arith.addf %parallel_loop3A_470, %parallel_loop3A_474 : vector<16xf32>
          %parallel_loop3A_476 = arith.constant -65536 : i32
          %parallel_loop3A_477 = vector.broadcast %parallel_loop3A_476 : i32 to vector<16xi32>
          %parallel_loop3A_478 = arith.andi %parallel_loop3A_452, %parallel_loop3A_477 : vector<16xi32>
          %parallel_loop3A_479 = tpu.bitcast %parallel_loop3A_478 : vector<16xi32> -> vector<16xf32>
          %parallel_loop3A_480 = arith.addf %parallel_loop3A_475, %parallel_loop3A_479 : vector<16xf32>
          %parallel_loop3A_481 = arith.constant 1 : i32
          %parallel_loop3A_482 = arith.index_cast %parallel_loop3A_481 : i32 to index
          %parallel_loop3A_483 = arith.index_cast %parallel_loop3A_174 : i32 to index
          %parallel_loop3A_484 = arith.constant 128 : index
          %parallel_loop3A_485 = tpu.vector_load %arg9[%parallel_loop3A_482, %parallel_loop3A_483, %parallel_loop3A_484] {strides = array<i32>} : memref<2x80x256xf32, #tpu.memory_space<vmem>>, vector<1x1x16xf32>,
          %parallel_loop3A_486 = vector.shape_cast %parallel_loop3A_485 : vector<1x1x16xf32> to vector<16xf32>
          %parallel_loop3A_487 = vector.shape_cast %parallel_loop3A_466 : vector<16xf32> to vector<1x1x16xf32>
          tpu.vector_store %arg9[%parallel_loop3A_482, %parallel_loop3A_483, %parallel_loop3A_484], %parallel_loop3A_487 {strides = array<i32>} : memref<2x80x256xf32, #tpu.memory_space<vmem>>, vector<1x1x16xf32>,
          %parallel_loop3A_488 = arith.constant 1 : i32
          %parallel_loop3A_489 = arith.index_cast %parallel_loop3A_488 : i32 to index
          %parallel_loop3A_490 = arith.index_cast %parallel_loop3A_174 : i32 to index
          %parallel_loop3A_491 = arith.constant 144 : index
          %parallel_loop3A_492 = tpu.vector_load %arg9[%parallel_loop3A_489, %parallel_loop3A_490, %parallel_loop3A_491] {strides = array<i32>} : memref<2x80x256xf32, #tpu.memory_space<vmem>>, vector<1x1x16xf32>,
          %parallel_loop3A_493 = vector.shape_cast %parallel_loop3A_492 : vector<1x1x16xf32> to vector<16xf32>
          %parallel_loop3A_494 = vector.shape_cast %parallel_loop3A_480 : vector<16xf32> to vector<1x1x16xf32>
          tpu.vector_store %arg9[%parallel_loop3A_489, %parallel_loop3A_490, %parallel_loop3A_491], %parallel_loop3A_494 {strides = array<i32>} : memref<2x80x256xf32, #tpu.memory_space<vmem>>, vector<1x1x16xf32>,
          %parallel_loop3A_495 = arith.constant 1 : i32
          %parallel_loop3A_496 = arith.index_cast %parallel_loop3A_495 : i32 to index
          %parallel_loop3A_497 = arith.index_cast %parallel_loop3A_174 : i32 to index
          %parallel_loop3A_498 = arith.constant 80 : index
          %parallel_loop3A_499 = tpu.vector_load %arg8[%parallel_loop3A_496, %parallel_loop3A_497, %parallel_loop3A_498] {strides = array<i32>} : memref<2x240x128xi32, #tpu.memory_space<vmem>>, vector<1x1x16xi32>,
          %parallel_loop3A_500 = vector.shape_cast %parallel_loop3A_499 : vector<1x1x16xi32> to vector<16xi32>
          %parallel_loop3A_501 = arith.constant 80 : i32
          %parallel_loop3A_502 = arith.addi %parallel_loop3A_501, %parallel_loop3A_174 : i32
          %parallel_loop3A_503 = arith.constant 1 : i32
          %parallel_loop3A_504 = arith.index_cast %parallel_loop3A_503 : i32 to index
          %parallel_loop3A_505 = arith.index_cast %parallel_loop3A_502 : i32 to index
          %parallel_loop3A_506 = arith.constant 80 : index
          %parallel_loop3A_507 = tpu.vector_load %arg8[%parallel_loop3A_504, %parallel_loop3A_505, %parallel_loop3A_506] {strides = array<i32>} : memref<2x240x128xi32, #tpu.memory_space<vmem>>, vector<1x1x16xi32>,
          %parallel_loop3A_508 = vector.shape_cast %parallel_loop3A_507 : vector<1x1x16xi32> to vector<16xi32>
          %parallel_loop3A_509 = arith.constant 160 : i32
          %parallel_loop3A_510 = arith.addi %parallel_loop3A_509, %parallel_loop3A_174 : i32
          %parallel_loop3A_511 = arith.constant 1 : i32
          %parallel_loop3A_512 = arith.index_cast %parallel_loop3A_511 : i32 to index
          %parallel_loop3A_513 = arith.index_cast %parallel_loop3A_510 : i32 to index
          %parallel_loop3A_514 = arith.constant 80 : index
          %parallel_loop3A_515 = tpu.vector_load %arg8[%parallel_loop3A_512, %parallel_loop3A_513, %parallel_loop3A_514] {strides = array<i32>} : memref<2x240x128xi32, #tpu.memory_space<vmem>>, vector<1x1x16xi32>,
          %parallel_loop3A_516 = vector.shape_cast %parallel_loop3A_515 : vector<1x1x16xi32> to vector<16xi32>
          %parallel_loop3A_517 = arith.constant 16 : i32
          %parallel_loop3A_518 = vector.broadcast %parallel_loop3A_517 : i32 to vector<16xi32>
          %parallel_loop3A_519 = arith.shli %parallel_loop3A_500, %parallel_loop3A_518 : vector<16xi32>
          %parallel_loop3A_520 = tpu.bitcast %parallel_loop3A_519 : vector<16xi32> -> vector<16xf32>
          %parallel_loop3A_521 = arith.constant 16 : i32
          %parallel_loop3A_522 = vector.broadcast %parallel_loop3A_521 : i32 to vector<16xi32>
          %parallel_loop3A_523 = arith.shli %parallel_loop3A_508, %parallel_loop3A_522 : vector<16xi32>
          %parallel_loop3A_524 = tpu.bitcast %parallel_loop3A_523 : vector<16xi32> -> vector<16xf32>
          %parallel_loop3A_525 = arith.addf %parallel_loop3A_520, %parallel_loop3A_524 : vector<16xf32>
          %parallel_loop3A_526 = arith.constant 16 : i32
          %parallel_loop3A_527 = vector.broadcast %parallel_loop3A_526 : i32 to vector<16xi32>
          %parallel_loop3A_528 = arith.shli %parallel_loop3A_516, %parallel_loop3A_527 : vector<16xi32>
          %parallel_loop3A_529 = tpu.bitcast %parallel_loop3A_528 : vector<16xi32> -> vector<16xf32>
          %parallel_loop3A_530 = arith.addf %parallel_loop3A_525, %parallel_loop3A_529 : vector<16xf32>
          %parallel_loop3A_531 = arith.constant -65536 : i32
          %parallel_loop3A_532 = vector.broadcast %parallel_loop3A_531 : i32 to vector<16xi32>
          %parallel_loop3A_533 = arith.andi %parallel_loop3A_500, %parallel_loop3A_532 : vector<16xi32>
          %parallel_loop3A_534 = tpu.bitcast %parallel_loop3A_533 : vector<16xi32> -> vector<16xf32>
          %parallel_loop3A_535 = arith.constant -65536 : i32
          %parallel_loop3A_536 = vector.broadcast %parallel_loop3A_535 : i32 to vector<16xi32>
          %parallel_loop3A_537 = arith.andi %parallel_loop3A_508, %parallel_loop3A_536 : vector<16xi32>
          %parallel_loop3A_538 = tpu.bitcast %parallel_loop3A_537 : vector<16xi32> -> vector<16xf32>
          %parallel_loop3A_539 = arith.addf %parallel_loop3A_534, %parallel_loop3A_538 : vector<16xf32>
          %parallel_loop3A_540 = arith.constant -65536 : i32
          %parallel_loop3A_541 = vector.broadcast %parallel_loop3A_540 : i32 to vector<16xi32>
          %parallel_loop3A_542 = arith.andi %parallel_loop3A_516, %parallel_loop3A_541 : vector<16xi32>
          %parallel_loop3A_543 = tpu.bitcast %parallel_loop3A_542 : vector<16xi32> -> vector<16xf32>
          %parallel_loop3A_544 = arith.addf %parallel_loop3A_539, %parallel_loop3A_543 : vector<16xf32>
          %parallel_loop3A_545 = arith.constant 1 : i32
          %parallel_loop3A_546 = arith.index_cast %parallel_loop3A_545 : i32 to index
          %parallel_loop3A_547 = arith.index_cast %parallel_loop3A_174 : i32 to index
          %parallel_loop3A_548 = arith.constant 160 : index
          %parallel_loop3A_549 = tpu.vector_load %arg9[%parallel_loop3A_546, %parallel_loop3A_547, %parallel_loop3A_548] {strides = array<i32>} : memref<2x80x256xf32, #tpu.memory_space<vmem>>, vector<1x1x16xf32>,
          %parallel_loop3A_550 = vector.shape_cast %parallel_loop3A_549 : vector<1x1x16xf32> to vector<16xf32>
          %parallel_loop3A_551 = vector.shape_cast %parallel_loop3A_530 : vector<16xf32> to vector<1x1x16xf32>
          tpu.vector_store %arg9[%parallel_loop3A_546, %parallel_loop3A_547, %parallel_loop3A_548], %parallel_loop3A_551 {strides = array<i32>} : memref<2x80x256xf32, #tpu.memory_space<vmem>>, vector<1x1x16xf32>,
          %parallel_loop3A_552 = arith.constant 1 : i32
          %parallel_loop3A_553 = arith.index_cast %parallel_loop3A_552 : i32 to index
          %parallel_loop3A_554 = arith.index_cast %parallel_loop3A_174 : i32 to index
          %parallel_loop3A_555 = arith.constant 176 : index
          %parallel_loop3A_556 = tpu.vector_load %arg9[%parallel_loop3A_553, %parallel_loop3A_554, %parallel_loop3A_555] {strides = array<i32>} : memref<2x80x256xf32, #tpu.memory_space<vmem>>, vector<1x1x16xf32>,
          %parallel_loop3A_557 = vector.shape_cast %parallel_loop3A_556 : vector<1x1x16xf32> to vector<16xf32>
          %parallel_loop3A_558 = vector.shape_cast %parallel_loop3A_544 : vector<16xf32> to vector<1x1x16xf32>
          tpu.vector_store %arg9[%parallel_loop3A_553, %parallel_loop3A_554, %parallel_loop3A_555], %parallel_loop3A_558 {strides = array<i32>} : memref<2x80x256xf32, #tpu.memory_space<vmem>>, vector<1x1x16xf32>,
          %parallel_loop3A_559 = arith.constant 1 : i32
          %parallel_loop3A_560 = arith.index_cast %parallel_loop3A_559 : i32 to index
          %parallel_loop3A_561 = arith.index_cast %parallel_loop3A_174 : i32 to index
          %parallel_loop3A_562 = arith.constant 96 : index
          %parallel_loop3A_563 = tpu.vector_load %arg8[%parallel_loop3A_560, %parallel_loop3A_561, %parallel_loop3A_562] {strides = array<i32>} : memref<2x240x128xi32, #tpu.memory_space<vmem>>, vector<1x1x16xi32>,
          %parallel_loop3A_564 = vector.shape_cast %parallel_loop3A_563 : vector<1x1x16xi32> to vector<16xi32>
          %parallel_loop3A_565 = arith.constant 80 : i32
          %parallel_loop3A_566 = arith.addi %parallel_loop3A_565, %parallel_loop3A_174 : i32
          %parallel_loop3A_567 = arith.constant 1 : i32
          %parallel_loop3A_568 = arith.index_cast %parallel_loop3A_567 : i32 to index
          %parallel_loop3A_569 = arith.index_cast %parallel_loop3A_566 : i32 to index
          %parallel_loop3A_570 = arith.constant 96 : index
          %parallel_loop3A_571 = tpu.vector_load %arg8[%parallel_loop3A_568, %parallel_loop3A_569, %parallel_loop3A_570] {strides = array<i32>} : memref<2x240x128xi32, #tpu.memory_space<vmem>>, vector<1x1x16xi32>,
          %parallel_loop3A_572 = vector.shape_cast %parallel_loop3A_571 : vector<1x1x16xi32> to vector<16xi32>
          %parallel_loop3A_573 = arith.constant 160 : i32
          %parallel_loop3A_574 = arith.addi %parallel_loop3A_573, %parallel_loop3A_174 : i32
          %parallel_loop3A_575 = arith.constant 1 : i32
          %parallel_loop3A_576 = arith.index_cast %parallel_loop3A_575 : i32 to index
          %parallel_loop3A_577 = arith.index_cast %parallel_loop3A_574 : i32 to index
          %parallel_loop3A_578 = arith.constant 96 : index
          %parallel_loop3A_579 = tpu.vector_load %arg8[%parallel_loop3A_576, %parallel_loop3A_577, %parallel_loop3A_578] {strides = array<i32>} : memref<2x240x128xi32, #tpu.memory_space<vmem>>, vector<1x1x16xi32>,
          %parallel_loop3A_580 = vector.shape_cast %parallel_loop3A_579 : vector<1x1x16xi32> to vector<16xi32>
          %parallel_loop3A_581 = arith.constant 16 : i32
          %parallel_loop3A_582 = vector.broadcast %parallel_loop3A_581 : i32 to vector<16xi32>
          %parallel_loop3A_583 = arith.shli %parallel_loop3A_564, %parallel_loop3A_582 : vector<16xi32>
          %parallel_loop3A_584 = tpu.bitcast %parallel_loop3A_583 : vector<16xi32> -> vector<16xf32>
          %parallel_loop3A_585 = arith.constant 16 : i32
          %parallel_loop3A_586 = vector.broadcast %parallel_loop3A_585 : i32 to vector<16xi32>
          %parallel_loop3A_587 = arith.shli %parallel_loop3A_572, %parallel_loop3A_586 : vector<16xi32>
          %parallel_loop3A_588 = tpu.bitcast %parallel_loop3A_587 : vector<16xi32> -> vector<16xf32>
          %parallel_loop3A_589 = arith.addf %parallel_loop3A_584, %parallel_loop3A_588 : vector<16xf32>
          %parallel_loop3A_590 = arith.constant 16 : i32
          %parallel_loop3A_591 = vector.broadcast %parallel_loop3A_590 : i32 to vector<16xi32>
          %parallel_loop3A_592 = arith.shli %parallel_loop3A_580, %parallel_loop3A_591 : vector<16xi32>
          %parallel_loop3A_593 = tpu.bitcast %parallel_loop3A_592 : vector<16xi32> -> vector<16xf32>
          %parallel_loop3A_594 = arith.addf %parallel_loop3A_589, %parallel_loop3A_593 : vector<16xf32>
          %parallel_loop3A_595 = arith.constant -65536 : i32
          %parallel_loop3A_596 = vector.broadcast %parallel_loop3A_595 : i32 to vector<16xi32>
          %parallel_loop3A_597 = arith.andi %parallel_loop3A_564, %parallel_loop3A_596 : vector<16xi32>
          %parallel_loop3A_598 = tpu.bitcast %parallel_loop3A_597 : vector<16xi32> -> vector<16xf32>
          %parallel_loop3A_599 = arith.constant -65536 : i32
          %parallel_loop3A_600 = vector.broadcast %parallel_loop3A_599 : i32 to vector<16xi32>
          %parallel_loop3A_601 = arith.andi %parallel_loop3A_572, %parallel_loop3A_600 : vector<16xi32>
          %parallel_loop3A_602 = tpu.bitcast %parallel_loop3A_601 : vector<16xi32> -> vector<16xf32>
          %parallel_loop3A_603 = arith.addf %parallel_loop3A_598, %parallel_loop3A_602 : vector<16xf32>
          %parallel_loop3A_604 = arith.constant -65536 : i32
          %parallel_loop3A_605 = vector.broadcast %parallel_loop3A_604 : i32 to vector<16xi32>
          %parallel_loop3A_606 = arith.andi %parallel_loop3A_580, %parallel_loop3A_605 : vector<16xi32>
          %parallel_loop3A_607 = tpu.bitcast %parallel_loop3A_606 : vector<16xi32> -> vector<16xf32>
          %parallel_loop3A_608 = arith.addf %parallel_loop3A_603, %parallel_loop3A_607 : vector<16xf32>
          %parallel_loop3A_609 = arith.constant 1 : i32
          %parallel_loop3A_610 = arith.index_cast %parallel_loop3A_609 : i32 to index
          %parallel_loop3A_611 = arith.index_cast %parallel_loop3A_174 : i32 to index
          %parallel_loop3A_612 = arith.constant 192 : index
          %parallel_loop3A_613 = tpu.vector_load %arg9[%parallel_loop3A_610, %parallel_loop3A_611, %parallel_loop3A_612] {strides = array<i32>} : memref<2x80x256xf32, #tpu.memory_space<vmem>>, vector<1x1x16xf32>,
          %parallel_loop3A_614 = vector.shape_cast %parallel_loop3A_613 : vector<1x1x16xf32> to vector<16xf32>
          %parallel_loop3A_615 = vector.shape_cast %parallel_loop3A_594 : vector<16xf32> to vector<1x1x16xf32>
          tpu.vector_store %arg9[%parallel_loop3A_610, %parallel_loop3A_611, %parallel_loop3A_612], %parallel_loop3A_615 {strides = array<i32>} : memref<2x80x256xf32, #tpu.memory_space<vmem>>, vector<1x1x16xf32>,
          %parallel_loop3A_616 = arith.constant 1 : i32
          %parallel_loop3A_617 = arith.index_cast %parallel_loop3A_616 : i32 to index
          %parallel_loop3A_618 = arith.index_cast %parallel_loop3A_174 : i32 to index
          %parallel_loop3A_619 = arith.constant 208 : index
          %parallel_loop3A_620 = tpu.vector_load %arg9[%parallel_loop3A_617, %parallel_loop3A_618, %parallel_loop3A_619] {strides = array<i32>} : memref<2x80x256xf32, #tpu.memory_space<vmem>>, vector<1x1x16xf32>,
          %parallel_loop3A_621 = vector.shape_cast %parallel_loop3A_620 : vector<1x1x16xf32> to vector<16xf32>
          %parallel_loop3A_622 = vector.shape_cast %parallel_loop3A_608 : vector<16xf32> to vector<1x1x16xf32>
          tpu.vector_store %arg9[%parallel_loop3A_617, %parallel_loop3A_618, %parallel_loop3A_619], %parallel_loop3A_622 {strides = array<i32>} : memref<2x80x256xf32, #tpu.memory_space<vmem>>, vector<1x1x16xf32>,
          %parallel_loop3A_623 = arith.constant 1 : i32
          %parallel_loop3A_624 = arith.index_cast %parallel_loop3A_623 : i32 to index
          %parallel_loop3A_625 = arith.index_cast %parallel_loop3A_174 : i32 to index
          %parallel_loop3A_626 = arith.constant 112 : index
          %parallel_loop3A_627 = tpu.vector_load %arg8[%parallel_loop3A_624, %parallel_loop3A_625, %parallel_loop3A_626] {strides = array<i32>} : memref<2x240x128xi32, #tpu.memory_space<vmem>>, vector<1x1x16xi32>,
          %parallel_loop3A_628 = vector.shape_cast %parallel_loop3A_627 : vector<1x1x16xi32> to vector<16xi32>
          %parallel_loop3A_629 = arith.constant 80 : i32
          %parallel_loop3A_630 = arith.addi %parallel_loop3A_629, %parallel_loop3A_174 : i32
          %parallel_loop3A_631 = arith.constant 1 : i32
          %parallel_loop3A_632 = arith.index_cast %parallel_loop3A_631 : i32 to index
          %parallel_loop3A_633 = arith.index_cast %parallel_loop3A_630 : i32 to index
          %parallel_loop3A_634 = arith.constant 112 : index
          %parallel_loop3A_635 = tpu.vector_load %arg8[%parallel_loop3A_632, %parallel_loop3A_633, %parallel_loop3A_634] {strides = array<i32>} : memref<2x240x128xi32, #tpu.memory_space<vmem>>, vector<1x1x16xi32>,
          %parallel_loop3A_636 = vector.shape_cast %parallel_loop3A_635 : vector<1x1x16xi32> to vector<16xi32>
          %parallel_loop3A_637 = arith.constant 160 : i32
          %parallel_loop3A_638 = arith.addi %parallel_loop3A_637, %parallel_loop3A_174 : i32
          %parallel_loop3A_639 = arith.constant 1 : i32
          %parallel_loop3A_640 = arith.index_cast %parallel_loop3A_639 : i32 to index
          %parallel_loop3A_641 = arith.index_cast %parallel_loop3A_638 : i32 to index
          %parallel_loop3A_642 = arith.constant 112 : index
          %parallel_loop3A_643 = tpu.vector_load %arg8[%parallel_loop3A_640, %parallel_loop3A_641, %parallel_loop3A_642] {strides = array<i32>} : memref<2x240x128xi32, #tpu.memory_space<vmem>>, vector<1x1x16xi32>,
          %parallel_loop3A_644 = vector.shape_cast %parallel_loop3A_643 : vector<1x1x16xi32> to vector<16xi32>
          %parallel_loop3A_645 = arith.constant 16 : i32
          %parallel_loop3A_646 = vector.broadcast %parallel_loop3A_645 : i32 to vector<16xi32>
          %parallel_loop3A_647 = arith.shli %parallel_loop3A_628, %parallel_loop3A_646 : vector<16xi32>
          %parallel_loop3A_648 = tpu.bitcast %parallel_loop3A_647 : vector<16xi32> -> vector<16xf32>
          %parallel_loop3A_649 = arith.constant 16 : i32
          %parallel_loop3A_650 = vector.broadcast %parallel_loop3A_649 : i32 to vector<16xi32>
          %parallel_loop3A_651 = arith.shli %parallel_loop3A_636, %parallel_loop3A_650 : vector<16xi32>
          %parallel_loop3A_652 = tpu.bitcast %parallel_loop3A_651 : vector<16xi32> -> vector<16xf32>
          %parallel_loop3A_653 = arith.addf %parallel_loop3A_648, %parallel_loop3A_652 : vector<16xf32>
          %parallel_loop3A_654 = arith.constant 16 : i32
          %parallel_loop3A_655 = vector.broadcast %parallel_loop3A_654 : i32 to vector<16xi32>
          %parallel_loop3A_656 = arith.shli %parallel_loop3A_644, %parallel_loop3A_655 : vector<16xi32>
          %parallel_loop3A_657 = tpu.bitcast %parallel_loop3A_656 : vector<16xi32> -> vector<16xf32>
          %parallel_loop3A_658 = arith.addf %parallel_loop3A_653, %parallel_loop3A_657 : vector<16xf32>
          %parallel_loop3A_659 = arith.constant -65536 : i32
          %parallel_loop3A_660 = vector.broadcast %parallel_loop3A_659 : i32 to vector<16xi32>
          %parallel_loop3A_661 = arith.andi %parallel_loop3A_628, %parallel_loop3A_660 : vector<16xi32>
          %parallel_loop3A_662 = tpu.bitcast %parallel_loop3A_661 : vector<16xi32> -> vector<16xf32>
          %parallel_loop3A_663 = arith.constant -65536 : i32
          %parallel_loop3A_664 = vector.broadcast %parallel_loop3A_663 : i32 to vector<16xi32>
          %parallel_loop3A_665 = arith.andi %parallel_loop3A_636, %parallel_loop3A_664 : vector<16xi32>
          %parallel_loop3A_666 = tpu.bitcast %parallel_loop3A_665 : vector<16xi32> -> vector<16xf32>
          %parallel_loop3A_667 = arith.addf %parallel_loop3A_662, %parallel_loop3A_666 : vector<16xf32>
          %parallel_loop3A_668 = arith.constant -65536 : i32
          %parallel_loop3A_669 = vector.broadcast %parallel_loop3A_668 : i32 to vector<16xi32>
          %parallel_loop3A_670 = arith.andi %parallel_loop3A_644, %parallel_loop3A_669 : vector<16xi32>
          %parallel_loop3A_671 = tpu.bitcast %parallel_loop3A_670 : vector<16xi32> -> vector<16xf32>
          %parallel_loop3A_672 = arith.addf %parallel_loop3A_667, %parallel_loop3A_671 : vector<16xf32>
          %parallel_loop3A_673 = arith.constant 1 : i32
          %parallel_loop3A_674 = arith.index_cast %parallel_loop3A_673 : i32 to index
          %parallel_loop3A_675 = arith.index_cast %parallel_loop3A_174 : i32 to index
          %parallel_loop3A_676 = arith.constant 224 : index
          %parallel_loop3A_677 = tpu.vector_load %arg9[%parallel_loop3A_674, %parallel_loop3A_675, %parallel_loop3A_676] {strides = array<i32>} : memref<2x80x256xf32, #tpu.memory_space<vmem>>, vector<1x1x16xf32>,
          %parallel_loop3A_678 = vector.shape_cast %parallel_loop3A_677 : vector<1x1x16xf32> to vector<16xf32>
          %parallel_loop3A_679 = vector.shape_cast %parallel_loop3A_658 : vector<16xf32> to vector<1x1x16xf32>
          tpu.vector_store %arg9[%parallel_loop3A_674, %parallel_loop3A_675, %parallel_loop3A_676], %parallel_loop3A_679 {strides = array<i32>} : memref<2x80x256xf32, #tpu.memory_space<vmem>>, vector<1x1x16xf32>,
          %parallel_loop3A_680 = arith.constant 1 : i32
          %parallel_loop3A_681 = arith.index_cast %parallel_loop3A_680 : i32 to index
          %parallel_loop3A_682 = arith.index_cast %parallel_loop3A_174 : i32 to index
          %parallel_loop3A_683 = arith.constant 240 : index
          %parallel_loop3A_684 = tpu.vector_load %arg9[%parallel_loop3A_681, %parallel_loop3A_682, %parallel_loop3A_683] {strides = array<i32>} : memref<2x80x256xf32, #tpu.memory_space<vmem>>, vector<1x1x16xf32>,
          %parallel_loop3A_685 = vector.shape_cast %parallel_loop3A_684 : vector<1x1x16xf32> to vector<16xf32>
          %parallel_loop3A_686 = vector.shape_cast %parallel_loop3A_672 : vector<16xf32> to vector<1x1x16xf32>
          tpu.vector_store %arg9[%parallel_loop3A_681, %parallel_loop3A_682, %parallel_loop3A_683], %parallel_loop3A_686 {strides = array<i32>} : memref<2x80x256xf32, #tpu.memory_space<vmem>>, vector<1x1x16xf32>,
        } {sc.loop_unroll_factor = 4 : i64, sc.parallel_access}
        %add3A_158 = arith.addi %add3A_6, %add3A_102 : i32
        %mul3A_159 = arith.constant 80 : i32
        %mul3A_160 = arith.muli %add3A_158, %mul3A_159 : i32
        %dma_start3A_161 = arith.constant 1 : i32
        %dma_start3A_162 = arith.constant 0 : i32
        %dma_start3A_163 = arith.constant 0 : i32
        %dma_start3A_164 = tpu.memref_slice %arg9[%dma_start3A_161, %dma_start3A_162, %dma_start3A_163] : memref<2x80x256xf32, #tpu.memory_space<vmem>> -> memref<1x80x256xf32, #tpu.memory_space<vmem>>
        %dma_start3A_165 = tpu.memref_squeeze %dma_start3A_164 : memref<1x80x256xf32, #tpu.memory_space<vmem>> -> memref<80x256xf32, #tpu.memory_space<vmem>>
        %dma_start3A_166 = arith.constant 0 : i32
        %dma_start3A_167 = tpu.memref_slice %arg6[%mul3A_160, %dma_start3A_166] : memref<50000x256xf32, #tpu.memory_space<hbm>> -> memref<80x256xf32, #tpu.memory_space<hbm>>
        %dma_start3A_168 = arith.constant 0 : i32
        %dma_start3A_169 = tpu.memref_slice %arg6[%mul3A_160, %dma_start3A_168] : memref<50000x256xf32, #tpu.memory_space<hbm>> -> memref<80x256xf32, #tpu.memory_space<hbm>>
        %dma_start3A_170 = arith.constant 0 : i32
        %dma_start3A_171 = arith.constant 0 : i32
        %dma_start3A_172 = tpu.memref_slice %arg9[%dma_start3A_161, %dma_start3A_170, %dma_start3A_171] : memref<2x80x256xf32, #tpu.memory_space<vmem>> -> memref<1x80x256xf32, #tpu.memory_space<vmem>>
        %dma_start3A_173 = tpu.memref_squeeze %dma_start3A_172 : memref<1x80x256xf32, #tpu.memory_space<vmem>> -> memref<80x256xf32, #tpu.memory_space<vmem>>
        tpu.enqueue_dma source(%dma_start3A_173 : memref<80x256xf32, #tpu.memory_space<vmem>>) target(%dma_start3A_169 : memref<80x256xf32, #tpu.memory_space<hbm>>) target_semaphore(%arg13 : memref<!tpu.dma_semaphore, #tpu.memory_space<semaphore_mem>>)
      } else {
      }
    }
    %scan3A_64 = arith.constant 10 : i32
    %dma_wait3A = arith.constant 0 : i32
    %dma_wait3A_65 = arith.constant 0 : i32
    %dma_wait3A_66 = arith.constant 0 : i32
    %dma_wait3A_67 = tpu.memref_slice %arg9[%dma_wait3A, %dma_wait3A_65, %dma_wait3A_66] : memref<2x80x256xf32, #tpu.memory_space<vmem>> -> memref<1x80x256xf32, #tpu.memory_space<vmem>>
    %dma_wait3A_68 = tpu.memref_squeeze %dma_wait3A_67 : memref<1x80x256xf32, #tpu.memory_space<vmem>> -> memref<80x256xf32, #tpu.memory_space<vmem>>
    %dma_wait3A_69 = arith.constant 0 : i32
    %dma_wait3A_70 = arith.constant 0 : i32
    %dma_wait3A_71 = tpu.memref_slice %arg6[%dma_wait3A_69, %dma_wait3A_70] : memref<50000x256xf32, #tpu.memory_space<hbm>> -> memref<80x256xf32, #tpu.memory_space<hbm>>
    %dma_wait3A_72 = arith.constant 0 : i32
    %dma_wait3A_73 = arith.constant 0 : i32
    %dma_wait3A_74 = tpu.memref_slice %arg6[%dma_wait3A_72, %dma_wait3A_73] : memref<50000x256xf32, #tpu.memory_space<hbm>> -> memref<80x256xf32, #tpu.memory_space<hbm>>
    %dma_wait3A_75 = arith.constant 0 : i32
    %dma_wait3A_76 = arith.constant 0 : i32
    %dma_wait3A_77 = tpu.memref_slice %arg9[%dma_wait3A, %dma_wait3A_75, %dma_wait3A_76] : memref<2x80x256xf32, #tpu.memory_space<vmem>> -> memref<1x80x256xf32, #tpu.memory_space<vmem>>
    %dma_wait3A_78 = tpu.memref_squeeze %dma_wait3A_77 : memref<1x80x256xf32, #tpu.memory_space<vmem>> -> memref<80x256xf32, #tpu.memory_space<vmem>>
    tpu.wait_dma2 semaphore(%arg12 : memref<!tpu.dma_semaphore, #tpu.memory_space<semaphore_mem>>) src(%dma_wait3A_78 : memref<80x256xf32, #tpu.memory_space<vmem>>) dst(%dma_wait3A_74 : memref<80x256xf32, #tpu.memory_space<hbm>>)
    %dma_wait3A_79 = arith.constant 1 : i32
    %dma_wait3A_80 = arith.constant 0 : i32
    %dma_wait3A_81 = arith.constant 0 : i32
    %dma_wait3A_82 = tpu.memref_slice %arg9[%dma_wait3A_79, %dma_wait3A_80, %dma_wait3A_81] : memref<2x80x256xf32, #tpu.memory_space<vmem>> -> memref<1x80x256xf32, #tpu.memory_space<vmem>>
    %dma_wait3A_83 = tpu.memref_squeeze %dma_wait3A_82 : memref<1x80x256xf32, #tpu.memory_space<vmem>> -> memref<80x256xf32, #tpu.memory_space<vmem>>
    %dma_wait3A_84 = arith.constant 0 : i32
    %dma_wait3A_85 = arith.constant 0 : i32
    %dma_wait3A_86 = tpu.memref_slice %arg6[%dma_wait3A_84, %dma_wait3A_85] : memref<50000x256xf32, #tpu.memory_space<hbm>> -> memref<80x256xf32, #tpu.memory_space<hbm>>
    %dma_wait3A_87 = arith.constant 0 : i32
    %dma_wait3A_88 = arith.constant 0 : i32
    %dma_wait3A_89 = tpu.memref_slice %arg6[%dma_wait3A_87, %dma_wait3A_88] : memref<50000x256xf32, #tpu.memory_space<hbm>> -> memref<80x256xf32, #tpu.memory_space<hbm>>
    %dma_wait3A_90 = arith.constant 0 : i32
    %dma_wait3A_91 = arith.constant 0 : i32
    %dma_wait3A_92 = tpu.memref_slice %arg9[%dma_wait3A_79, %dma_wait3A_90, %dma_wait3A_91] : memref<2x80x256xf32, #tpu.memory_space<vmem>> -> memref<1x80x256xf32, #tpu.memory_space<vmem>>
    %dma_wait3A_93 = tpu.memref_squeeze %dma_wait3A_92 : memref<1x80x256xf32, #tpu.memory_space<vmem>> -> memref<80x256xf32, #tpu.memory_space<vmem>>
    tpu.wait_dma2 semaphore(%arg13 : memref<!tpu.dma_semaphore, #tpu.memory_space<semaphore_mem>>) src(%dma_wait3A_93 : memref<80x256xf32, #tpu.memory_space<vmem>>) dst(%dma_wait3A_89 : memref<80x256xf32, #tpu.memory_space<hbm>>)
    return
  }
}

module attributes {stable_mosaic.version = 14 : i64} {
  func.func @_mm_body(%arg0: i32, %arg1: memref<5000x256xf32, #tpu.memory_space<vmem>>, %arg2: memref<3x256x128xf32, #tpu.memory_space<vmem>>, %arg3: memref<3x256x128xf32, #tpu.memory_space<vmem>>, %arg4: memref<3x5000x128xi32, #tpu.memory_space<vmem>>) attributes {dimension_semantics = [#tpu.dimension_semantics<arbitrary>], iteration_bounds = array<i64: 10>, scalar_prefetch = 0 : i64, scratch_operands = 0 : i64, tpu.core_type = #tpu.core_type<tc>, window_params = [{transform_indices = @transform_0, window_bounds = array<i64: 5000, 256>}, {pipeline_mode = #tpu.pipeline_mode<synchronous>, transform_indices = @transform_1, window_bounds = array<i64: 3, 256, 128>}, {pipeline_mode = #tpu.pipeline_mode<synchronous>, transform_indices = @transform_2, window_bounds = array<i64: 3, 256, 128>}, {transform_indices = @transform_3, window_bounds = array<i64: 3, 5000, 128>}]} {
    %get3A = arith.constant 0 : index
    %get3A_0 = arith.constant 0 : index
    %get3A_1 = vector.load %arg1[%get3A, %get3A_0] : memref<5000x256xf32, #tpu.memory_space<vmem>>, vector<5000x256xf32>
    %get3A_2 = arith.constant 0 : index
    %get3A_3 = arith.constant 0 : index
    %get3A_4 = arith.constant 0 : index
    %get3A_5 = vector.load %arg2[%get3A_2, %get3A_3, %get3A_4] : memref<3x256x128xf32, #tpu.memory_space<vmem>>, vector<1x256x128xf32>
    %get3A_6 = vector.shape_cast %get3A_5 : vector<1x256x128xf32> to vector<256x128xf32>
    %dot_general3A = arith.constant dense<0.000000e+00> : vector<5000x128xf32>
    %dot_general3A_7 = tpu.matmul %get3A_1, %get3A_6, %dot_general3A {dimension_numbers = #tpu.dot_dimension_numbers<[1], [0], [0], [1], [0, 0, 1, 1], [], []>, transpose_lhs_hint = false} : vector<5000x256xf32>, vector<256x128xf32>, vector<5000x128xf32> -> vector<5000x128xf32>
    %get3A_8 = arith.constant 0 : index
    %get3A_9 = arith.constant 0 : index
    %get3A_10 = arith.constant 0 : index
    %get3A_11 = vector.load %arg3[%get3A_8, %get3A_9, %get3A_10] : memref<3x256x128xf32, #tpu.memory_space<vmem>>, vector<1x256x128xf32>
    %get3A_12 = vector.shape_cast %get3A_11 : vector<1x256x128xf32> to vector<256x128xf32>
    %dot_general3A_13 = arith.constant dense<0.000000e+00> : vector<5000x128xf32>
    %dot_general3A_14 = tpu.matmul %get3A_1, %get3A_12, %dot_general3A_13 {dimension_numbers = #tpu.dot_dimension_numbers<[1], [0], [0], [1], [0, 0, 1, 1], [], []>, transpose_lhs_hint = false} : vector<5000x256xf32>, vector<256x128xf32>, vector<5000x128xf32> -> vector<5000x128xf32>
    %convert_element_type3A = arith.truncf %dot_general3A_7 : vector<5000x128xf32> to vector<5000x128xbf16>
    %bitcast_convert_type3A = tpu.bitcast %convert_element_type3A : vector<5000x128xbf16> -> vector<5000x128xi16>
    %convert_element_type3A_15 = arith.extui %bitcast_convert_type3A : vector<5000x128xi16> to vector<5000x128xi32>
    %convert_element_type3A_16 = arith.truncf %dot_general3A_14 : vector<5000x128xf32> to vector<5000x128xbf16>
    %bitcast_convert_type3A_17 = tpu.bitcast %convert_element_type3A_16 : vector<5000x128xbf16> -> vector<5000x128xi16>
    %convert_element_type3A_18 = arith.extui %bitcast_convert_type3A_17 : vector<5000x128xi16> to vector<5000x128xi32>
    %shift_left3A = arith.constant 16 : i32
    %shift_left3A_19 = vector.broadcast %shift_left3A : i32 to vector<5000x128xi32>
    %shift_left3A_20 = arith.shli %convert_element_type3A_18, %shift_left3A_19 : vector<5000x128xi32>
    %or3A = arith.ori %convert_element_type3A_15, %shift_left3A_20 : vector<5000x128xi32>
    %swap3A = arith.constant 0 : index
    %swap3A_21 = arith.constant 0 : index
    %swap3A_22 = arith.constant 0 : index
    %swap3A_23 = vector.load %arg4[%swap3A, %swap3A_21, %swap3A_22] : memref<3x5000x128xi32, #tpu.memory_space<vmem>>, vector<1x5000x128xi32>
    %swap3A_24 = vector.shape_cast %swap3A_23 : vector<1x5000x128xi32> to vector<5000x128xi32>
    %swap3A_25 = vector.shape_cast %or3A : vector<5000x128xi32> to vector<1x5000x128xi32>
    tpu.vector_store %arg4[%swap3A, %swap3A_21, %swap3A_22], %swap3A_25 {strides = array<i32>} : memref<3x5000x128xi32, #tpu.memory_space<vmem>>, vector<1x5000x128xi32>,
    %get3A_26 = arith.constant 1 : index
    %get3A_27 = arith.constant 0 : index
    %get3A_28 = arith.constant 0 : index
    %get3A_29 = vector.load %arg2[%get3A_26, %get3A_27, %get3A_28] : memref<3x256x128xf32, #tpu.memory_space<vmem>>, vector<1x256x128xf32>
    %get3A_30 = vector.shape_cast %get3A_29 : vector<1x256x128xf32> to vector<256x128xf32>
    %dot_general3A_31 = arith.constant dense<0.000000e+00> : vector<5000x128xf32>
    %dot_general3A_32 = tpu.matmul %get3A_1, %get3A_30, %dot_general3A_31 {dimension_numbers = #tpu.dot_dimension_numbers<[1], [0], [0], [1], [0, 0, 1, 1], [], []>, transpose_lhs_hint = false} : vector<5000x256xf32>, vector<256x128xf32>, vector<5000x128xf32> -> vector<5000x128xf32>
    %get3A_33 = arith.constant 1 : index
    %get3A_34 = arith.constant 0 : index
    %get3A_35 = arith.constant 0 : index
    %get3A_36 = vector.load %arg3[%get3A_33, %get3A_34, %get3A_35] : memref<3x256x128xf32, #tpu.memory_space<vmem>>, vector<1x256x128xf32>
    %get3A_37 = vector.shape_cast %get3A_36 : vector<1x256x128xf32> to vector<256x128xf32>
    %dot_general3A_38 = arith.constant dense<0.000000e+00> : vector<5000x128xf32>
    %dot_general3A_39 = tpu.matmul %get3A_1, %get3A_37, %dot_general3A_38 {dimension_numbers = #tpu.dot_dimension_numbers<[1], [0], [0], [1], [0, 0, 1, 1], [], []>, transpose_lhs_hint = false} : vector<5000x256xf32>, vector<256x128xf32>, vector<5000x128xf32> -> vector<5000x128xf32>
    %convert_element_type3A_40 = arith.truncf %dot_general3A_32 : vector<5000x128xf32> to vector<5000x128xbf16>
    %bitcast_convert_type3A_41 = tpu.bitcast %convert_element_type3A_40 : vector<5000x128xbf16> -> vector<5000x128xi16>
    %convert_element_type3A_42 = arith.extui %bitcast_convert_type3A_41 : vector<5000x128xi16> to vector<5000x128xi32>
    %convert_element_type3A_43 = arith.truncf %dot_general3A_39 : vector<5000x128xf32> to vector<5000x128xbf16>
    %bitcast_convert_type3A_44 = tpu.bitcast %convert_element_type3A_43 : vector<5000x128xbf16> -> vector<5000x128xi16>
    %convert_element_type3A_45 = arith.extui %bitcast_convert_type3A_44 : vector<5000x128xi16> to vector<5000x128xi32>
    %shift_left3A_46 = arith.constant 16 : i32
    %shift_left3A_47 = vector.broadcast %shift_left3A_46 : i32 to vector<5000x128xi32>
    %shift_left3A_48 = arith.shli %convert_element_type3A_45, %shift_left3A_47 : vector<5000x128xi32>
    %or3A_49 = arith.ori %convert_element_type3A_42, %shift_left3A_48 : vector<5000x128xi32>
    %swap3A_50 = arith.constant 1 : index
    %swap3A_51 = arith.constant 0 : index
    %swap3A_52 = arith.constant 0 : index
    %swap3A_53 = vector.load %arg4[%swap3A_50, %swap3A_51, %swap3A_52] : memref<3x5000x128xi32, #tpu.memory_space<vmem>>, vector<1x5000x128xi32>
    %swap3A_54 = vector.shape_cast %swap3A_53 : vector<1x5000x128xi32> to vector<5000x128xi32>
    %swap3A_55 = vector.shape_cast %or3A_49 : vector<5000x128xi32> to vector<1x5000x128xi32>
    tpu.vector_store %arg4[%swap3A_50, %swap3A_51, %swap3A_52], %swap3A_55 {strides = array<i32>} : memref<3x5000x128xi32, #tpu.memory_space<vmem>>, vector<1x5000x128xi32>,
    %get3A_56 = arith.constant 2 : index
    %get3A_57 = arith.constant 0 : index
    %get3A_58 = arith.constant 0 : index
    %get3A_59 = vector.load %arg2[%get3A_56, %get3A_57, %get3A_58] : memref<3x256x128xf32, #tpu.memory_space<vmem>>, vector<1x256x128xf32>
    %get3A_60 = vector.shape_cast %get3A_59 : vector<1x256x128xf32> to vector<256x128xf32>
    %dot_general3A_61 = arith.constant dense<0.000000e+00> : vector<5000x128xf32>
    %dot_general3A_62 = tpu.matmul %get3A_1, %get3A_60, %dot_general3A_61 {dimension_numbers = #tpu.dot_dimension_numbers<[1], [0], [0], [1], [0, 0, 1, 1], [], []>, transpose_lhs_hint = false} : vector<5000x256xf32>, vector<256x128xf32>, vector<5000x128xf32> -> vector<5000x128xf32>
    %get3A_63 = arith.constant 2 : index
    %get3A_64 = arith.constant 0 : index
    %get3A_65 = arith.constant 0 : index
    %get3A_66 = vector.load %arg3[%get3A_63, %get3A_64, %get3A_65] : memref<3x256x128xf32, #tpu.memory_space<vmem>>, vector<1x256x128xf32>
    %get3A_67 = vector.shape_cast %get3A_66 : vector<1x256x128xf32> to vector<256x128xf32>
    %dot_general3A_68 = arith.constant dense<0.000000e+00> : vector<5000x128xf32>
    %dot_general3A_69 = tpu.matmul %get3A_1, %get3A_67, %dot_general3A_68 {dimension_numbers = #tpu.dot_dimension_numbers<[1], [0], [0], [1], [0, 0, 1, 1], [], []>, transpose_lhs_hint = false} : vector<5000x256xf32>, vector<256x128xf32>, vector<5000x128xf32> -> vector<5000x128xf32>
    %convert_element_type3A_70 = arith.truncf %dot_general3A_62 : vector<5000x128xf32> to vector<5000x128xbf16>
    %bitcast_convert_type3A_71 = tpu.bitcast %convert_element_type3A_70 : vector<5000x128xbf16> -> vector<5000x128xi16>
    %convert_element_type3A_72 = arith.extui %bitcast_convert_type3A_71 : vector<5000x128xi16> to vector<5000x128xi32>
    %convert_element_type3A_73 = arith.truncf %dot_general3A_69 : vector<5000x128xf32> to vector<5000x128xbf16>
    %bitcast_convert_type3A_74 = tpu.bitcast %convert_element_type3A_73 : vector<5000x128xbf16> -> vector<5000x128xi16>
    %convert_element_type3A_75 = arith.extui %bitcast_convert_type3A_74 : vector<5000x128xi16> to vector<5000x128xi32>
    %shift_left3A_76 = arith.constant 16 : i32
    %shift_left3A_77 = vector.broadcast %shift_left3A_76 : i32 to vector<5000x128xi32>
    %shift_left3A_78 = arith.shli %convert_element_type3A_75, %shift_left3A_77 : vector<5000x128xi32>
    %or3A_79 = arith.ori %convert_element_type3A_72, %shift_left3A_78 : vector<5000x128xi32>
    %swap3A_80 = arith.constant 2 : index
    %swap3A_81 = arith.constant 0 : index
    %swap3A_82 = arith.constant 0 : index
    %swap3A_83 = vector.load %arg4[%swap3A_80, %swap3A_81, %swap3A_82] : memref<3x5000x128xi32, #tpu.memory_space<vmem>>, vector<1x5000x128xi32>
    %swap3A_84 = vector.shape_cast %swap3A_83 : vector<1x5000x128xi32> to vector<5000x128xi32>
    %swap3A_85 = vector.shape_cast %or3A_79 : vector<5000x128xi32> to vector<1x5000x128xi32>
    tpu.vector_store %arg4[%swap3A_80, %swap3A_81, %swap3A_82], %swap3A_85 {strides = array<i32>} : memref<3x5000x128xi32, #tpu.memory_space<vmem>>, vector<1x5000x128xi32>,
    return
  }
  func.func @transform_0(%arg0: i32) -> (i32, i32) {
    %c0_i32 = arith.constant 0 : i32
    %c0_i32_0 = arith.constant 0 : i32
    return %arg0, %c0_i32 : i32, i32
  }
  func.func @transform_1(%arg0: i32) -> (i32, i32, i32) {
    %c0_i32 = arith.constant 0 : i32
    %c0_i32_0 = arith.constant 0 : i32
    %c0_i32_1 = arith.constant 0 : i32
    %c0_i32_2 = arith.constant 0 : i32
    return %c0_i32, %c0_i32_0, %c0_i32_1 : i32, i32, i32
  }
  func.func @transform_2(%arg0: i32) -> (i32, i32, i32) {
    %c0_i32 = arith.constant 0 : i32
    %c0_i32_0 = arith.constant 0 : i32
    %c0_i32_1 = arith.constant 0 : i32
    %c0_i32_2 = arith.constant 0 : i32
    return %c0_i32, %c0_i32_0, %c0_i32_1 : i32, i32, i32
  }
  func.func @transform_3(%arg0: i32) -> (i32, i32, i32) {
    %c0_i32 = arith.constant 0 : i32
    %c0_i32_0 = arith.constant 0 : i32
    %c0_i32_1 = arith.constant 0 : i32
    return %c0_i32, %arg0, %c0_i32_0 : i32, i32, i32
  }
}

</mosaic_0001>

<sc_bundles>
// kernel: kernel.4.cloned.1.call-start
scs
__scs_entry_jumppad:
0x0: {  	(pc) =	sbr.rel $0x88, $3  }
0x1: {  	(tag) =	ssettag $0x0;
	lr =	simm.s32 $0x1  }
0x2: {  	[smem:$0x3F9E] =	sst lr;
	_ =	strace $0xD0000000  }
0x3: {  	_ = 	snop  }
0x4: {  	_ = 	snop  }
0x5: {  	_ = 	snop  }
0x6: {  	_ = 	snop  }
0x7: {  	_ = 	snop  }
__scs_overlays_trampoline_lowered:
0x8: {  	[smem:$0x3FAD] =	sst s0  }
0x9: {  	[smem:$0x3FAE] =	sst s1  }
0xa: {  	[smem:$0x3FAF] =	sst s2  }
0xb: {  	[smem:$0x3FB0] =	sst s3  }
0xc: {  	[smem:$0x3FB1] =	sst s4  }
0xd: {  	[smem:$0x3FB2] =	sst s5  }
0xe: {  	[smem:$0x3FB3] =	sst s6  }
0xf: {  	[smem:$0x3FB4] =	sst s7  }
0x10: {  	[smem:$0x3FB5] =	sst s8  }
0x11: {  	[smem:$0x3FB6] =	sst s9;
	s0 =	simm.s32 @!p0 $0x0  }
0x12: {  	s1 =	sld [smem:$0x3F9C];
	s0 =	simm.s32 @p0 $0x1  }
0x13: {  	[smem:$0x3FB7] =	sst s0;
	s0 =	simm.s32 @!p1 $0x0  }
0x14: {  	s2 =	sld [smem:$0x3F9B];
	s0 =	simm.s32 @p1 $0x1  }
0x15: {  	[smem:$0x3FB8] =	sst s0;
	s0 =	simm.s32 @!p2 $0x0  }
0x16: {  	s3 =	sld [smem:$0x3FDB];
	s0 =	simm.s32 @p2 $0x1  }
0x17: {  	s4 =	simm.s32 $0x1BF5;
	[smem:$0x3FBA] =	sst s0  }
0x18: {  	s0 =	sld [smem:$0x3F9D];
	_ =	swait.ge [sflag:s4], $0x0  }
0x19: {  	s7 =	sld [smem:$0x3F9E]  }
0x1a: {  	s8 =	sadd.s32 $0xFFFFE003, lr  }
0x1b: {  	s9 =	sadd.s32 $0xFFFFFEF7, lr;
	s5 =	simm.s32 $0xFFFFFFFF;
	p2 =	slt.u32 s8, $0xFFFFF086  }
0x1c: {  	p1 =	slt.u32 s9, $0xF7A;
	s5 =	simm.s32 @!p2 $0x0  }
0x1d: {  	s5 =	simm.s32 @p1 $0x1;
	p0 =	seq.s32 s7, s2  }
0x1e: {  	s7 =	smul.u32 @!p0 $0xF7A, s2;
	p2 =	seq.s32 @!p0 s5, $0x0  }
0x1f: {  	s9 =	smul.u32 $0xF7A, s1;
	s8 =	simm.s32 @!p0 $0x1BF5;
	p2 =	por !p2, p0  }
0x20: {  	[sflag:s8] =	ssyncset.s32 @!p0 $0xFFFFF086;
	s6 =	sadd.s32 @!p0 s3, s7;
	s7 =	simm.s32 @!p0 $0x108  }
0x21: {  	s3 =	sadd.s32 s3, s9;
	s6 =	sadd.s32 @!p0 $0x88, s6;
	s7 =	simm.s32 @p2 $0x1082  }
0x22: {  	[simem:s7], [sflag:s8] =	dma.local @!p0 [hbm:s6], $0xF7A  }
0x23: {  	s9 =	sor.u32 $0xD0000000, s2;
	s6 =	simm.s32 $0x108;
	_ =	swait.ge @!p0 [sflag:s8], $0x0  }
0x24: {  	s3 =	sadd.s32 $0x88, s3;
	s6 =	simm.s32 @!p1 $0x1082;
	[sflag:s4] =	ssyncset.s32 $0xFFFFF086  }
0x25: {  	[simem:s6], [sflag:s4] =	dma.local [hbm:s3], $0xF7A  }
0x26: {  	[smem:$0x3F9E] =	sst s1;
	(tag) =	ssettag s2;
	_ =	strace s9  }
0x27: {  	s1 =	sld [smem:$0x3FAE]  }
0x28: {  	s2 =	sld [smem:$0x3FAF]  }
0x29: {  	s4 =	sld [smem:$0x3FB1]  }
0x2a: {  	p0 =	seq.s32 s5, $0x0;
	s5 =	sld [smem:$0x3FB2]  }
0x2b: {  	s6 =	sld [smem:$0x3FB3]  }
0x2c: {  	s7 =	sld [smem:$0x3FB4]  }
0x2d: {  	s3 =	simm.s32 $0x108;
	s8 =	sld [smem:$0x3FB5]  }
0x2e: {  	s3 =	simm.s32 @!p0 $0x1082;
	s9 =	sld [smem:$0x3FB6]  }
0x2f: {  	lr =	sadd.s32 s0, s3;
	s0 =	sld [smem:$0x3FAD]  }
0x30: {  	s3 =	sld [smem:$0x3FB0]  }
0x31: {  	[smem:$0x3FB9] =	sst s10  }
0x32: {  	s10 =	sld [smem:$0x3FB7];
	_ =	sdelay $0x3  }
0x33: {  	p0 =	seq.s32 s10, $0x1;
	s10 =	sld [smem:$0x3FB9];
	_ =	sdelay $0x3  }
0x34: {  	[smem:$0x3FB9] =	sst s10  }
0x35: {  	s10 =	sld [smem:$0x3FB8];
	_ =	sdelay $0x3  }
0x36: {  	p1 =	seq.s32 s10, $0x1;
	s10 =	sld [smem:$0x3FB9];
	_ =	sdelay $0x3  }
0x37: {  	[smem:$0x3FB9] =	sst s10  }
0x38: {  	s10 =	sld [smem:$0x3FBA]  }
0x39: {  	_ = 	snop;
	(pc) =	sbr.ind lr, $3  }
0x3a: {  	_ = 	snop  }
0x3b: {  	_ = 	snop  }
0x3c: {  	p2 =	seq.s32 s10, $0x1;
	s10 =	sld [smem:$0x3FB9]  }
0x3d: {  	_ =	shalt  }
0x3e: {  	_ =	shalt  }
0x3f: {  	_ =	shalt  }
0x40: {  	_ =	shalt  }
0x41: {  	_ =	shalt  }
0x42: {  	_ =	shalt  }
0x43: {  	_ =	shalt  }
0x44: {  	_ =	shalt  }
0x45: {  	_ =	shalt  }
0x46: {  	_ =	shalt  }
0x47: {  	_ =	shalt  }
0x48: {  	_ =	shalt  }
0x49: {  	_ =	shalt  }
0x4a: {  	_ =	shalt  }
0x4b: {  	_ =	shalt  }
0x4c: {  	_ =	shalt  }
0x4d: {  	_ =	shalt  }
0x4e: {  	_ =	shalt  }
0x4f: {  	_ =	shalt  }
0x50: {  	_ =	shalt  }
0x51: {  	_ =	shalt  }
0x52: {  	_ =	shalt  }
0x53: {  	_ =	shalt  }
0x54: {  	_ =	shalt  }
0x55: {  	_ =	shalt  }
0x56: {  	_ =	shalt  }
0x57: {  	_ =	shalt  }
0x58: {  	_ =	shalt  }
0x59: {  	_ =	shalt  }
0x5a: {  	_ =	shalt  }
0x5b: {  	_ =	shalt  }
0x5c: {  	_ =	shalt  }
0x5d: {  	_ =	shalt  }
0x5e: {  	_ =	shalt  }
0x5f: {  	_ =	shalt  }
0x60: {  	_ =	shalt  }
0x61: {  	_ =	shalt  }
0x62: {  	_ =	shalt  }
0x63: {  	_ =	shalt  }
0x64: {  	_ =	shalt  }
0x65: {  	_ =	shalt  }
0x66: {  	_ =	shalt  }
0x67: {  	_ =	shalt  }
0x68: {  	_ =	shalt  }
0x69: {  	_ =	shalt  }
0x6a: {  	_ =	shalt  }
0x6b: {  	_ =	shalt  }
0x6c: {  	_ =	shalt  }
0x6d: {  	_ =	shalt  }
0x6e: {  	_ =	shalt  }
0x6f: {  	_ =	shalt  }
0x70: {  	_ =	shalt  }
0x71: {  	_ =	shalt  }
0x72: {  	_ =	shalt  }
0x73: {  	_ =	shalt  }
0x74: {  	_ =	shalt  }
0x75: {  	_ =	shalt  }
0x76: {  	_ =	shalt  }
0x77: {  	_ =	shalt  }
0x78: {  	_ =	shalt  }
0x79: {  	_ =	shalt  }
0x7a: {  	_ =	shalt  }
0x7b: {  	_ =	shalt  }
0x7c: {  	_ =	shalt  }
0x7d: {  	_ =	shalt  }
0x7e: {  	_ =	shalt  }
0x7f: {  	_ =	shalt  }
0x80: {  	_ =	shalt  }
0x81: {  	_ =	shalt  }
0x82: {  	_ =	shalt  }
0x83: {  	_ =	shalt  }
0x84: {  	_ =	shalt  }
0x85: {  	_ =	shalt  }
0x86: {  	_ =	shalt  }
0x87: {  	_ =	shalt  }
.Lfunc_end0:
.L_simem_size_0:
called_computation_lowered:
.L_overlay_start_0:
0x88: {  	s2 =	sld [smem:$0x3FD9]  }
0x89: {  	s3 =	sld [smem:$0x3FFE];
	_ =	sdelay $0x1  }
0x8a: {  	s1 =	srdreg.scid  }
0x8b: {  	s0 =	sand.u32 $0x1, s1  }
0x8c: {  	s17 =	sshll.u32 s0, $0xA;
	s2 =	sadd.s32 s3, s2  }
0x8d: {  	s2 =	sadd.s32 s2, s17  }
0x8e: {  	[smem:$0x3FC5] =	sst s2  }
0x8f: {  	_ = 	snop  }
0x90: {  	s2 =	sld [smem:$0x3FD0];
	(tm) =	ssettm $0x1  }
0x91: {  	s18 =	sld [smem:$0x3FFB];
	_ =	sdelay $0x3  }
0x92: {  	_ =	strace s18  }
0x93: {  	s3 =	sld [smem:$0x3FFC];
	_ =	sdelay $0x3  }
0x94: {  	_ =	strace s3  }
0x95: {  	s3 =	sld [smem:$0x3FFD];
	_ =	sdelay $0x3  }
0x96: {  	_ =	strace s3  }
0x97: {  	_ =	strace $0x8FFFFFFF  }
0x98: {  	s19 =	sld [smem:$0x3FDB];
	_ =	sdelay $0x1  }
0x99: {  	s4 =	simm.s32 $_scs_section_size  }
0x9a: {  	s5 =	simm.s32 $_size__tile_overlayer_lowered;
	s6 =	simm.s32 $_tile_overlayer_lowered  }
0x9b: {  	s22 =	simm.s32 $0x1BFF;
	s21 =	sshll.u32 s6, $0x1;
	s3 =	sadd.s32 s4, s19  }
0x9c: {  	s7 =	simm.s32 $0x0;
	s20 =	sshll.u32 s5, $0x1;
	s5 =	sadd.s32 s21, s3  }
0x9d: {  	[timem:s7], [sflag:s22] =	dma.local [hbm:s5], s20  }
0x9e: {  	_ =	swait.ge [sflag:s22], s20  }
0x9f: {  	s4 =	ssub.s32 $0x0, s20;
	[sflag:s22] =	ssyncset.done $0x0  }
0xa0: {  	[sflag:s22] =	ssyncadd.s32 s4;
	_ =	sdelay $0x1  }
0xa1: {  	s23 =	simm.s32 $0x1B8B  }
0xa2: {  	_ =	swait.ge [sflag:s23], $0x1  }
0xa3: {  	[sflag:s23] =	ssyncset.done $0x0  }
0xa4: {  	s25 =	simm.s32 $0x1B8E;
	s24 =	sld [smem:$0x3FFE];
	[sflag:s23] =	ssyncadd.s32 $0xFFFFFFFF  }
0xa5: {  	s26 =	simm.s32 $execute0_lowered;
	[smem:$0x3FD2] =	sst s25  }
0xa6: {  	s5 =	sshll.u32 s26, $0x1;
	_ =	strace $0x80000046;
	[dreg:$0x1] =	wrdreg $0xFFFFFFFF  }
0xa7: {  	s28 =	simm.s32 $_size_execute0_lowered;
	s3 =	sadd.s32 s3, s5;
	[dreg:$0x0] =	wrdreg $0x0  }
0xa8: {  	s5 =	sshll.u32 s28, $0x1;
	[dreg:$0x2] =	wrdreg s3  }
0xa9: {  	[dreg:$0x3] =	wrdreg s5  }
0xaa: {  	[dreg:$0x4] =	wrdreg $0xC0  }
0xab: {  	_ =	task [dreg:s7], $0x5FFFF  }
0xac: {  	[dreg:$0x1] =	wrdreg $0xFFFFFFFF  }
0xad: {  	[dreg:$0x0] =	wrdreg $0x60  }
0xae: {  	[dreg:$0x2] =	wrdreg s24  }
0xaf: {  	[dreg:$0x3] =	wrdreg s2  }
0xb0: {  	[dreg:$0x4] =	wrdreg $0x9  }
0xb1: {  	_ =	task.clear_ibuf [dreg:s7], $0x5FFFF;
	_ =	strace $0x90000046  }
0xb2: {  	s29 =	simm.s32 $0x9;
	_ =	strace $0x80000048  }
0xb3: {  	_ =	swait.ge [sflag:s29], $0x1  }
0xb4: {  	[sflag:s29] =	ssyncadd.s32 $0xFFFFFFFF  }
0xb5: {  	_ =	strace $0x90000048  }
0xb6: {  	_ =	sfence  }
0xb7: {  	s30 =	sld [smem:$0x0];
	_ =	sdelay $0x2  }
0xb8: {  	s31 =	sshll.u32 s1, $0xD;
	s1 =	sshrl.u32 s1, $0x2  }
0xb9: {  	s3 =	sand.u32 $0x4000, s31;
	s1 =	sadd.s32 s1, s30  }
0xba: {  	s0 =	sor.u32 s3, s0;
	s1 =	sshll.u32 s1, $0x11  }
0xbb: {  	s0 =	sor.u32 s1, s0  }
0xbc: {  	s0 =	sadd.s32 $0x8F2B, s0  }
0xbd: {  	[sflag:s0] =	ssyncadd.remote.s32 $0x1  }
0xbe: {  	_ =	sfence.sel $0xFFFF  }
0xbf: {  	[dreg:$0x0] =	wrdreg $0xFFFFFFFF;
	(pc) =	sbr.abs _section_cstart, $3  }
0xc0: {  	[dreg:$0x1] =	wrdreg $0xFFFFFFFF  }
0xc1: {  	_ =	task.clear_ibuf [dreg:s7], $0x2FFFF;
	_ =	strace $0x9FFFFFFF  }
0xc2: {  	(tm) =	ssettm $0x7FFFFFFF  }
0xc3: {  	_ =	shalt  }
tec
execute0_lowered:
.L_overlay_start_1:
0x0: {  	(tag) =	ssettag $0x1  }
0x1: {  	s0 =	srdreg.scid  }
0x2: {  	s1 =	stileid.u32;
	s3 =	rddreg [dreg:$0x0]  }
0x3: {  	s20 =	rddreg [dreg:$0x1];
	s22 =	simm.s32 $0x0;
	s24 =	simm.s32 $0x14  }
0x4: {  	s31 =	simm.s32 $0x0;
	s0 =	sand.u32 $0x1, s0;
	s1 =	sshll.u32 s1, $0x1  }
0x5: {  	[smem:$0x7FF] =	sst s22;
	s23 =	sadd.s32 $0x4E00, s3;
	s1 =	sor.u32 s0, s1  }
0x6: {  	_ =	strace $0x80000047;
	[dreg:$0x17] =	wrdreg s31;
	s2 =	smul.u32 $0x13, s1  }
0x7: {  	s0 =	ssub.s32 $0x2, s0;
	[dreg:$0xe] =	wrdreg s23;
	s4 =	smin.u32 s1, $0x11  }
0x8: {  	s25 =	sshrl.u32 s0, $0x1;
	p0 =	slt.u32 s1, $0x11;
	s21 =	sadd.s32 s4, s2  }
0x9: {  	s0 =	ssub.s32 s0, s25;
	s24 =	simm.s32 @!p0 $0x13;
	s2 =	smul.u32 $0x50, s21  }
0xa: {  	s0 =	smax.u32 s0, $0x1;
	[dreg:$0xf] =	wrdreg s24  }
0xb: {  	[dreg:$0x16] =	wrdreg s0;
	s5 =	smin.u32 s2, $0xBD10  }
0xc: {  	[dreg:$0xd] =	wrdreg s21;
	s26 =	sshrl.u32 s5, $0x3;
	s25 =	ssub.s32 s2, s5  }
0xd: {  	s29 =	sadd.s32 s3, s26;
	[dreg:$0x11] =	wrdreg s25  }
.Ltmp0:
0xe: {  	s26 =	sadd.s32 $0x640, s25;
	[dreg:$0x10] =	wrdreg s29;
	(pc) =	sbr.rel .LBB2_1-.Ltmp0, $4  }
0xf: {  	s28 =	sadd.s32 $0xC80, s25;
	[dreg:$0x14] =	wrdreg s26  }
0x10: {  	s30 =	sadd.s32 $0x3400, s29;
	[dreg:$0x15] =	wrdreg s28  }
0x11: {  	s1 =	sadd.s32 $0x1A00, s29;
	[dreg:$0x12] =	wrdreg s30  }
0x12: {  	[dreg:$0x13] =	wrdreg s1  }
.LBB2_11:
0x13: {  	s0 =	simm.s32 $0x3  }
0x14: {  	_ =	swait.ge [sflag:s0], $0x5000  }
0x15: {  	[sflag:s0] =	ssyncset.done $0x0  }
0x16: {  	s1 =	simm.s32 $0x4;
	[sflag:s0] =	ssyncadd.s32 $0xFFFFB000  }
0x17: {  	_ =	swait.ge [sflag:s1], $0x5000  }
0x18: {  	s2 =	rddreg [dreg:$0x17]  }
0x19: {  	s31 =	rddreg [dreg:$0x16];
	s2 =	sadd.s32 $0x1, s2  }
0x1a: {  	p0 =	sne.s32 s2, s31  }
.Ltmp1:
0x1b: {  	_ = 	snop;
	(pc) =	sbr.rel @!p0 .LBB2_12-.Ltmp1, $3  }
0x1c: {  	_ =	sdelay $0x1  }
0x1d: {  	[sflag:s1] =	ssyncset.done $0x0  }
0x1e: {  	[sflag:s1] =	ssyncadd.s32 $0xFFFFB000;
	[dreg:$0x17] =	wrdreg s2  }
.LBB2_1:
0x1f: {  	s0 =	rddreg [dreg:$0x12];
	s1 =	simm.s32 $0x5  }
0x20: {  	[tilespmem:s22], [sflag:$0x5] =	stream.linear.gather [hbm4b:s0+s22], $0x640, $0x38;
	[tilespmem:$0x1A300] =	vst v63  }
0x21: {  	_ =	swait.ge [sflag:s1], $0x640  }
0x22: {  	[sflag:s1] =	ssyncset.done $0x0  }
0x23: {  	s2 =	simm.s32 $0x640;
	s15 =	rddreg [dreg:$0x13];
	[sflag:s1] =	ssyncadd.s32 $0xFFFFF9C0  }
0x24: {  	[tilespmem:s2], [sflag:$0x5] =	stream.linear.gather [hbm4b:s15+s22], $0x640, $0x38;
	[tilespmem:$0x1A300] =	vst v63  }
0x25: {  	_ =	swait.ge [sflag:s1], $0x640  }
0x26: {  	[sflag:s1] =	ssyncset.done $0x0  }
0x27: {  	s17 =	simm.s32 $0xC80;
	s16 =	rddreg [dreg:$0x10];
	[sflag:s1] =	ssyncadd.s32 $0xFFFFF9C0  }
0x28: {  	[tilespmem:s17], [sflag:$0x5] =	stream.linear.gather [hbm4b:s16+s22], $0x640, $0x38;
	[tilespmem:$0x1A300] =	vst v63  }
0x29: {  	_ =	swait.ge [sflag:s1], $0x640  }
0x2a: {  	[sflag:s1] =	ssyncset.done $0x0  }
0x2b: {  	s18 =	simm.s32 $0x50;
	s19 =	simm.s32 $0x1300;
	[sflag:s1] =	ssyncadd.s32 $0xFFFFF9C0  }
0x2c: {  	[tilespmem:s19], [sflag:$0x1] =	stream.indirect.gather [hbm4b:s23+s18], $0x80, s25, s18, $0xb8;
	[tilespmem:$0x1A300] =	vst v63  }
.Ltmp2:
0x2d: {  	_ = 	snop;
	(pc) =	sbr.rel .LBB2_2-.Ltmp2, $4  }
0x2e: {  	s30 =	simm.s32 $0x3B00  }
0x2f: {  	[tilespmem:s30], [sflag:$0x1] =	stream.indirect.gather [hbm4b:s23+s18], $0x80, s26, s18, $0xb8;
	[tilespmem:$0x1A300] =	vst v63  }
0x30: {  	s31 =	simm.s32 $0x6300;
	s29 =	simm.s32 $0x0  }
0x31: {  	[tilespmem:s31], [sflag:$0x1] =	stream.indirect.gather [hbm4b:s23+s18], $0x80, s28, s18, $0xb8;
	[tilespmem:$0x1A300] =	vst v63  }
.LBB2_10:
0x32: {  	s29 =	sadd.s32 $0x1, s29  }
0x33: {  	p0 =	sne.s32 s29, $0xA  }
.Ltmp3:
0x34: {  	_ = 	snop;
	(pc) =	sbr.rel @!p0 .LBB2_11-.Ltmp3, $1  }
0x35: {  	_ =	sdelay $0x3  }
.LBB2_2:
0x36: {  	s2 =	sshll.u32 s29, $0x1  }
0x37: {  	p1 =	sge.u32 s2, s24  }
.Ltmp4:
0x38: {  	_ = 	snop;
	(pc) =	sbr.rel @p1 .LBB2_6-.Ltmp4, $3  }
0x39: {  	_ =	sdelay $0x1  }
0x3a: {  	s30 =	sshllo.u32 s29, $0x1  }
0x3b: {  	p0 =	sge.u32 s30, s24  }
0x3c: {  	s0 =	smul.u32 @!p0 $0x50, s30  }
0x3d: {  	[dreg:$0x1a] =	wrdreg s2  }
0x3e: {  	s2 =	simm.s32 @!p0 $0x50;
	s3 =	simm.s32 @!p0 $0x8B00;
	s1 =	sadd.s32 @!p0 s0, s25  }
0x3f: {  	[tilespmem:s3], [sflag:$0x2] =	stream.indirect.gather @!p0 [hbm4b:s23+s2], $0x80, s1, s2, $0xb8;
	[tilespmem:$0x1A300] =	vst v63  }
0x40: {  	[dreg:$0x19] =	wrdreg s30;
	s1 =	sadd.s32 @!p0 s0, s26;
	s3 =	simm.s32 @!p0 $0xB300  }
0x41: {  	[tilespmem:s3], [sflag:$0x2] =	stream.indirect.gather @!p0 [hbm4b:s23+s2], $0x80, s1, s2, $0xb8;
	[tilespmem:$0x1A300] =	vst v63  }
0x42: {  	s10 =	simm.s32 $0x1;
	s0 =	sadd.s32 @!p0 s0, s28;
	s1 =	simm.s32 @!p0 $0xDB00  }
0x43: {  	[tilespmem:s1], [sflag:$0x2] =	stream.indirect.gather @!p0 [hbm4b:s23+s2], $0x80, s0, s2, $0xb8;
	[tilespmem:$0x1A300] =	vst v63  }
0x44: {  	_ =	swait.ge [sflag:s10], $0x2800  }
0x45: {  	[sflag:s10] =	ssyncset.done $0x0  }
0x46: {  	[sflag:s10] =	ssyncadd.s32 $0xFFFFD800  }
0x47: {  	_ =	swait.ge [sflag:s10], $0x2800  }
0x48: {  	[sflag:s10] =	ssyncset.done $0x0  }
0x49: {  	[sflag:s10] =	ssyncadd.s32 $0xFFFFD800  }
0x4a: {  	_ =	swait.ge [sflag:s10], $0x2800  }
0x4b: {  	p1 =	seq.s32 s29, $0x0;
	[sflag:s10] =	ssyncset.done $0x0  }
0x4c: {  	s0 =	simm.s32 @!p1 $0x3;
	[dreg:$0x18] =	wrdreg s29;
	[sflag:s10] =	ssyncadd.s32 $0xFFFFD800  }
0x4d: {  	_ =	swait.ge @!p1 [sflag:s0], $0x5000  }
0x4e: {  	[sflag:s0] =	ssyncset.done @!p1 $0x0  }
0x4f: {  	s18 =	simm.s32 $0x1300;
	[sflag:s0] =	ssyncadd.s32 @!p1 $0xFFFFB000  }
0x50: {  	v0 =	vld [tilespmem:s18+$0x180]  }
0x51: {  	v1 =	vld [tilespmem:s18+$0x2980];
	_ =	sdelay $0x1  }
0x52: {  	v2 =	vld [tilespmem:s18+$0x5180];
	_ =	sdelay $0x2  }
0x53: {  	v3 =	vshll.u32 v0, $0x10;
	v4 =	vshll.u32 v1, $0x10  }
0x54: {  	s11 =	simm.s32 $0x0;
	v5 =	vld [tilespmem:s18+$0x0];
	v0 =	vand.u32 $0xFFFF0000, v0;
	v1 =	vand.u32 $0xFFFF0000, v1;
	v3 =	vadd.f32 v4, v3  }
0x55: {  	s12 =	simm.s32 $0x180;
	s13 =	sand.u32 $0x7800, s11;
	v6 =	vshll.u32 v2, $0x10;
	v4 =	vld [tilespmem:s18+$0x2800];
	v0 =	vadd.f32 v1, v0  }
0x56: {  	s14 =	sor.u32 $0x10300, s13;
	s1 =	sand.u32 $0x380, s12;
	v2 =	vand.u32 $0xFFFF0000, v2;
	v1 =	vld [tilespmem:s18+$0x80];
	v3 =	vadd.f32 v6, v3  }
0x57: {  	s4 =	sadd.s32 s1, s14;
	v6 =	vld [tilespmem:s18+$0x2880];
	v0 =	vadd.f32 v2, v0  }
0x58: {  	v2 =	vld [tilespmem:s18+$0x100];
	[tilespmem:s4+$0x0] =	vst v3  }
0x59: {  	v3 =	vld [tilespmem:s18+$0x5000];
	[tilespmem:s4+$0x10] =	vst v0  }
0x5a: {  	v0 =	vld [tilespmem:s18+$0x190]  }
0x5b: {  	v7 =	vshll.u32 v5, $0x10;
	v5 =	vand.u32 $0xFFFF0000, v5;
	v9 =	vld [tilespmem:s18+$0x2990]  }
0x5c: {  	v8 =	vshll.u32 v4, $0x10;
	v4 =	vand.u32 $0xFFFF0000, v4;
	v10 =	vshll.u32 v1, $0x10  }
0x5d: {  	v1 =	vand.u32 $0xFFFF0000, v1;
	v7 =	vadd.f32 v8, v7;
	v8 =	vld [tilespmem:s18+$0x5190];
	v4 =	vadd.f32 v4, v5  }
0x5e: {  	s15 =	simm.s32 $0x0;
	v11 =	vshll.u32 v6, $0x10;
	v6 =	vand.u32 $0xFFFF0000, v6;
	v12 =	vshll.u32 v3, $0x10  }
0x5f: {  	s1 =	sand.u32 $0x200, s15;
	v5 =	vld [tilespmem:s18+$0x5080];
	v13 =	vshll.u32 v2, $0x10;
	v3 =	vand.u32 $0xFFFF0000, v3;
	v7 =	vadd.f32 v12, v7  }
0x60: {  	s1 =	sadd.s32 s1, s14;
	v12 =	vld [tilespmem:s18+$0x2900];
	v3 =	vadd.f32 v3, v4;
	v4 =	vshll.u32 v0, $0x10;
	v14 =	vshll.u32 v9, $0x10  }
0x61: {  	v0 =	vand.u32 $0xFFFF0000, v0;
	v4 =	vadd.f32 v14, v4;
	[tilespmem:s1+$0x0] =	vst v7;
	v7 =	vand.u32 $0xFFFF0000, v9  }
0x62: {  	v1 =	vadd.f32 v6, v1;
	v9 =	vld [tilespmem:s18+$0x5100];
	[tilespmem:s1+$0x10] =	vst v3;
	v3 =	vshll.u32 v8, $0x10;
	v0 =	vadd.f32 v7, v0  }
0x63: {  	v7 =	vadd.f32 v11, v10;
	v10 =	vld [tilespmem:s18+$0x10];
	v3 =	vadd.f32 v3, v4;
	v4 =	vand.u32 $0xFFFF0000, v8  }
0x64: {  	s16 =	simm.s32 $0x80;
	v6 =	vshll.u32 v5, $0x10;
	v5 =	vand.u32 $0xFFFF0000, v5;
	v8 =	vld [tilespmem:s18+$0x2810];
	v0 =	vadd.f32 v4, v0  }
0x65: {  	s2 =	sand.u32 $0x280, s16;
	v2 =	vand.u32 $0xFFFF0000, v2;
	v1 =	vadd.f32 v5, v1;
	v4 =	vshll.u32 v12, $0x10;
	[tilespmem:s4+$0x20] =	vst v3  }
0x66: {  	s2 =	sadd.s32 s2, s14;
	v5 =	vld [tilespmem:s18+$0x5010];
	v6 =	vadd.f32 v6, v7;
	v3 =	vand.u32 $0xFFFF0000, v12;
	v4 =	vadd.f32 v4, v13;
	[tilespmem:s4+$0x30] =	vst v0  }
0x67: {  	[tilespmem:s2+$0x10] =	vst v1;
	v0 =	vadd.f32 v3, v2;
	v2 =	vshll.u32 v9, $0x10;
	v3 =	vld [tilespmem:s18+$0x1A0]  }
0x68: {  	s5 =	simm.s32 $0x100;
	[tilespmem:s2+$0x0] =	vst v6;
	v6 =	vand.u32 $0xFFFF0000, v9;
	v2 =	vadd.f32 v2, v4;
	v1 =	vld [tilespmem:s18+$0x29A0]  }
0x69: {  	s5 =	sand.u32 $0x300, s5;
	v4 =	vld [tilespmem:s18+$0x90];
	v7 =	vshll.u32 v8, $0x10;
	v0 =	vadd.f32 v6, v0;
	v6 =	vshll.u32 v10, $0x10  }
0x6a: {  	s3 =	sadd.s32 s5, s14;
	v9 =	vand.u32 $0xFFFF0000, v10;
	v8 =	vand.u32 $0xFFFF0000, v8;
	v6 =	vadd.f32 v7, v6;
	v7 =	vld [tilespmem:s18+$0x51A0]  }
0x6b: {  	[tilespmem:s3+$0x0] =	vst v2;
	v2 =	vadd.f32 v8, v9;
	v8 =	vshll.u32 v5, $0x10  }
0x6c: {  	v9 =	vld [tilespmem:s18+$0x2890];
	v5 =	vand.u32 $0xFFFF0000, v5;
	[tilespmem:s3+$0x10] =	vst v0;
	v0 =	vadd.f32 v8, v6  }
0x6d: {  	v6 =	vld [tilespmem:s18+$0x110];
	v2 =	vadd.f32 v5, v2;
	v5 =	vshll.u32 v3, $0x10;
	v8 =	vshll.u32 v1, $0x10  }
0x6e: {  	v10 =	vld [tilespmem:s18+$0x2910];
	v3 =	vand.u32 $0xFFFF0000, v3;
	v1 =	vand.u32 $0xFFFF0000, v1;
	v5 =	vadd.f32 v8, v5  }
0x6f: {  	v11 =	vld [tilespmem:s18+$0x5090];
	v8 =	vshll.u32 v4, $0x10;
	[tilespmem:s1+$0x20] =	vst v0;
	v1 =	vadd.f32 v1, v3;
	v0 =	vshll.u32 v7, $0x10  }
0x70: {  	v3 =	vand.u32 $0xFFFF0000, v4;
	v4 =	vld [tilespmem:s18+$0x5110];
	[tilespmem:s1+$0x30] =	vst v2;
	v2 =	vand.u32 $0xFFFF0000, v7;
	v0 =	vadd.f32 v0, v5  }
0x71: {  	v7 =	vand.u32 $0xFFFF0000, v9;
	v5 =	vshll.u32 v9, $0x10;
	v9 =	vld [tilespmem:s18+$0x20];
	v1 =	vadd.f32 v2, v1  }
0x72: {  	v3 =	vadd.f32 v7, v3;
	v7 =	vld [tilespmem:s18+$0x2820];
	v2 =	vadd.f32 v5, v8;
	v5 =	vshll.u32 v6, $0x10;
	[tilespmem:s4+$0x40] =	vst v0  }
0x73: {  	v6 =	vand.u32 $0xFFFF0000, v6;
	v8 =	vand.u32 $0xFFFF0000, v10;
	v0 =	vshll.u32 v10, $0x10;
	v10 =	vld [tilespmem:s18+$0x5020];
	[tilespmem:s4+$0x50] =	vst v1  }
0x74: {  	v1 =	vshll.u32 v11, $0x10;
	v0 =	vadd.f32 v0, v5;
	v5 =	vadd.f32 v8, v6;
	v6 =	vld [tilespmem:s18+$0x1B0]  }
0x75: {  	v8 =	vand.u32 $0xFFFF0000, v11;
	v11 =	vshll.u32 v4, $0x10;
	v1 =	vadd.f32 v1, v2;
	v2 =	vld [tilespmem:s18+$0x29B0]  }
0x76: {  	v4 =	vand.u32 $0xFFFF0000, v4;
	v3 =	vadd.f32 v8, v3;
	v8 =	vshll.u32 v9, $0x10  }
0x77: {  	v0 =	vadd.f32 v11, v0;
	v4 =	vadd.f32 v4, v5;
	v5 =	vshll.u32 v7, $0x10;
	[tilespmem:s2+$0x20] =	vst v1;
	v1 =	vld [tilespmem:s18+$0x51B0]  }
0x78: {  	v9 =	vand.u32 $0xFFFF0000, v9;
	v7 =	vand.u32 $0xFFFF0000, v7;
	v5 =	vadd.f32 v5, v8;
	[tilespmem:s2+$0x30] =	vst v3  }
0x79: {  	v7 =	vadd.f32 v7, v9;
	v3 =	vshll.u32 v10, $0x10;
	v8 =	vand.u32 $0xFFFF0000, v10;
	v9 =	vld [tilespmem:s18+$0xA0];
	[tilespmem:s3+$0x20] =	vst v0  }
0x7a: {  	[tilespmem:s3+$0x30] =	vst v4;
	v0 =	vadd.f32 v3, v5;
	v3 =	vld [tilespmem:s18+$0x28A0];
	v4 =	vshll.u32 v6, $0x10;
	v5 =	vshll.u32 v2, $0x10  }
0x7b: {  	v10 =	vld [tilespmem:s18+$0x120];
	v2 =	vand.u32 $0xFFFF0000, v2;
	v4 =	vadd.f32 v5, v4;
	v5 =	vand.u32 $0xFFFF0000, v6  }
0x7c: {  	v6 =	vadd.f32 v8, v7;
	v7 =	vld [tilespmem:s18+$0x2920];
	v8 =	vshll.u32 v1, $0x10;
	v2 =	vadd.f32 v2, v5  }
0x7d: {  	[tilespmem:s1+$0x40] =	vst v0;
	v0 =	vld [tilespmem:s18+$0x50A0];
	v1 =	vand.u32 $0xFFFF0000, v1;
	v4 =	vadd.f32 v8, v4  }
0x7e: {  	v5 =	vld [tilespmem:s18+$0x5120];
	[tilespmem:s1+$0x50] =	vst v6;
	v1 =	vadd.f32 v1, v2  }
0x7f: {  	v2 =	vshll.u32 v9, $0x10;
	v6 =	vld [tilespmem:s18+$0x30];
	[tilespmem:s4+$0x60] =	vst v4  }
0x80: {  	v8 =	vand.u32 $0xFFFF0000, v9;
	v9 =	vld [tilespmem:s18+$0x2830];
	v4 =	vshll.u32 v3, $0x10;
	v3 =	vand.u32 $0xFFFF0000, v3;
	[tilespmem:s4+$0x70] =	vst v1  }
0x81: {  	v1 =	vshll.u32 v10, $0x10;
	v10 =	vand.u32 $0xFFFF0000, v10;
	v2 =	vadd.f32 v4, v2;
	v4 =	vld [tilespmem:s18+$0x1C0]  }
0x82: {  	v11 =	vshll.u32 v7, $0x10;
	v7 =	vand.u32 $0xFFFF0000, v7;
	v3 =	vadd.f32 v3, v8;
	v13 =	vld [tilespmem:s18+$0x29C0]  }
0x83: {  	v12 =	vshll.u32 v0, $0x10;
	v1 =	vadd.f32 v11, v1;
	v0 =	vand.u32 $0xFFFF0000, v0  }
0x84: {  	v8 =	vshll.u32 v5, $0x10;
	v7 =	vadd.f32 v7, v10;
	v10 =	vld [tilespmem:s18+$0x51C0];
	v2 =	vadd.f32 v12, v2  }
0x85: {  	v0 =	vadd.f32 v0, v3;
	v3 =	vand.u32 $0xFFFF0000, v5;
	v5 =	vshll.u32 v6, $0x10  }
0x86: {  	v1 =	vadd.f32 v8, v1;
	v3 =	vadd.f32 v3, v7;
	v7 =	vshll.u32 v9, $0x10;
	[tilespmem:s2+$0x40] =	vst v2  }
0x87: {  	s17 =	sand.u32 $0x7, s11;
	v6 =	vand.u32 $0xFFFF0000, v6;
	v2 =	vld [tilespmem:s18+$0x5030];
	[tilespmem:s2+$0x50] =	vst v0;
	v0 =	vshll.u32 v4, $0x10;
	v8 =	vshll.u32 v13, $0x10  }
0x88: {  	s4 =	sshll.u32 s17, $0x7;
	v11 =	vld [tilespmem:s18+$0xB0];
	[tilespmem:s3+$0x40] =	vst v1;
	v1 =	vand.u32 $0xFFFF0000, v4;
	v4 =	vand.u32 $0xFFFF0000, v13;
	v0 =	vadd.f32 v8, v0  }
0x89: {  	s4 =	sadd.s32 $0x0, s4;
	[tilespmem:s3+$0x50] =	vst v3;
	v3 =	vshll.u32 v10, $0x10;
	v8 =	vand.u32 $0xFFFF0000, v9;
	v9 =	vld [tilespmem:s18+$0x28B0];
	v1 =	vadd.f32 v4, v1  }
0x8a: {  	s9 =	sadd.s32 $0x180, s4;
	v4 =	vadd.f32 v7, v5;
	v5 =	vld [tilespmem:s18+$0x130];
	v0 =	vadd.f32 v3, v0;
	v3 =	vand.u32 $0xFFFF0000, v10  }
0x8b: {  	s19 =	sor.u32 $0x400, s9;
	v7 =	vld [tilespmem:s18+$0x2930];
	v6 =	vadd.f32 v8, v6;
	v1 =	vadd.f32 v3, v1  }
0x8c: {  	s20 =	sor.u32 $0x410, s9;
	v8 =	vld [tilespmem:s18+$0x50B0];
	v3 =	vshll.u32 v2, $0x10;
	v2 =	vand.u32 $0xFFFF0000, v2;
	[tilespmem:s19+$0x10300] =	vst v0  }
0x8d: {  	v0 =	vadd.f32 v3, v4;
	v2 =	vadd.f32 v2, v6;
	v3 =	vshll.u32 v11, $0x10;
	v4 =	vld [tilespmem:s18+$0x5130];
	[tilespmem:s20+$0x10300] =	vst v1  }
0x8e: {  	v1 =	vand.u32 $0xFFFF0000, v11;
	v6 =	vshll.u32 v9, $0x10;
	v9 =	vand.u32 $0xFFFF0000, v9;
	v10 =	vld [tilespmem:s18+$0x1D0]  }
0x8f: {  	v3 =	vadd.f32 v6, v3;
	v6 =	vshll.u32 v5, $0x10;
	v5 =	vand.u32 $0xFFFF0000, v5;
	v11 =	vld [tilespmem:s18+$0x29D0]  }
0x90: {  	v1 =	vadd.f32 v9, v1;
	v9 =	vshll.u32 v7, $0x10;
	v7 =	vand.u32 $0xFFFF0000, v7  }
0x91: {  	[tilespmem:s1+$0x60] =	vst v0;
	v0 =	vshll.u32 v8, $0x10;
	v6 =	vadd.f32 v9, v6;
	v5 =	vadd.f32 v7, v5;
	v7 =	vld [tilespmem:s18+$0x51D0]  }
0x92: {  	[tilespmem:s1+$0x70] =	vst v2;
	v2 =	vand.u32 $0xFFFF0000, v8;
	v0 =	vadd.f32 v0, v3;
	v8 =	vshll.u32 v4, $0x10  }
0x93: {  	v3 =	vld [tilespmem:s18+$0x40];
	v1 =	vadd.f32 v2, v1;
	v4 =	vand.u32 $0xFFFF0000, v4;
	v2 =	vadd.f32 v8, v6  }
0x94: {  	v6 =	vld [tilespmem:s18+$0x2840];
	v4 =	vadd.f32 v4, v5;
	[tilespmem:s2+$0x60] =	vst v0;
	v0 =	vshll.u32 v10, $0x10;
	v5 =	vshll.u32 v11, $0x10  }
0x95: {  	v8 =	vld [tilespmem:s18+$0x5040];
	[tilespmem:s2+$0x70] =	vst v1;
	v1 =	vand.u32 $0xFFFF0000, v10;
	v0 =	vadd.f32 v5, v0;
	v5 =	vand.u32 $0xFFFF0000, v11  }
0x96: {  	v9 =	vld [tilespmem:s18+$0xC0];
	[tilespmem:s3+$0x60] =	vst v2;
	v2 =	vshll.u32 v7, $0x10;
	v1 =	vadd.f32 v5, v1  }
0x97: {  	[tilespmem:s3+$0x70] =	vst v4;
	v5 =	vld [tilespmem:s18+$0x28C0];
	v0 =	vadd.f32 v2, v0;
	v2 =	vand.u32 $0xFFFF0000, v7  }
0x98: {  	s21 =	sor.u32 $0x420, s9;
	v4 =	vld [tilespmem:s18+$0x140];
	v1 =	vadd.f32 v2, v1  }
0x99: {  	p1 =	por $0x0, $0x0;
	s22 =	sor.u32 $0x430, s9;
	s2 =	simm.s32 $0x1;
	v10 =	vld [tilespmem:s18+$0x2940];
	v2 =	vshll.u32 v3, $0x10;
	v7 =	vshll.u32 v6, $0x10;
	[tilespmem:s21+$0x10300] =	vst v0  }
0x9a: {  	s2 =	simm.s32 @!p1 $0x0;
	v0 =	vand.u32 $0xFFFF0000, v3;
	v3 =	vand.u32 $0xFFFF0000, v6;
	v2 =	vadd.f32 v7, v2;
	v6 =	vld [tilespmem:s18+$0x50C0];
	[tilespmem:s22+$0x10300] =	vst v1  }
0x9b: {  	s23 =	sshll.u32 s2, $0x9;
	v7 =	vand.u32 $0xFFFF0000, v8;
	v1 =	vshll.u32 v8, $0x10;
	v0 =	vadd.f32 v3, v0;
	v3 =	vld [tilespmem:s18+$0x1E0]  }
0x9c: {  	s7 =	sadd.s32 $0x0, s23;
	v1 =	vadd.f32 v1, v2;
	v2 =	vshll.u32 v9, $0x10;
	v8 =	vld [tilespmem:s18+$0x29E0];
	v9 =	vand.u32 $0xFFFF0000, v9  }
0x9d: {  	s1 =	sor.u32 $0x400, s7;
	v0 =	vadd.f32 v7, v0;
	v7 =	vshll.u32 v5, $0x10;
	v5 =	vand.u32 $0xFFFF0000, v5  }
0x9e: {  	s24 =	sor.u32 $0x410, s7;
	v11 =	vld [tilespmem:s18+$0x51E0];
	v2 =	vadd.f32 v7, v2;
	v7 =	vshll.u32 v4, $0x10;
	[tilespmem:s1+$0x10300] =	vst v1;
	v1 =	vand.u32 $0xFFFF0000, v4  }
0x9f: {  	v4 =	vadd.f32 v5, v9;
	v9 =	vld [tilespmem:s18+$0x5140];
	v5 =	vshll.u32 v6, $0x10;
	[tilespmem:s24+$0x10300] =	vst v0;
	v0 =	vshll.u32 v10, $0x10  }
0xa0: {  	s10 =	sadd.s32 $0x80, s4;
	v10 =	vand.u32 $0xFFFF0000, v10;
	v2 =	vadd.f32 v5, v2;
	v5 =	vand.u32 $0xFFFF0000, v6;
	v6 =	vld [tilespmem:s18+$0x50]  }
0xa1: {  	s25 =	sor.u32 $0x400, s10;
	v13 =	vld [tilespmem:s18+$0x2850];
	v4 =	vadd.f32 v5, v4;
	v5 =	vshll.u32 v3, $0x10;
	v12 =	vshll.u32 v8, $0x10  }
0xa2: {  	s26 =	sor.u32 $0x410, s10;
	v3 =	vand.u32 $0xFFFF0000, v3;
	v8 =	vand.u32 $0xFFFF0000, v8;
	v5 =	vadd.f32 v12, v5;
	[tilespmem:s25+$0x10300] =	vst v2  }
0xa3: {  	s0 =	sand.u32 $0x3, s11;
	v0 =	vadd.f32 v0, v7;
	v7 =	vld [tilespmem:s18+$0x5050];
	v2 =	vshll.u32 v11, $0x10;
	v3 =	vadd.f32 v8, v3;
	[tilespmem:s26+$0x10300] =	vst v4  }
0xa4: {  	s0 =	sshll.u32 s0, $0x8;
	v1 =	vadd.f32 v10, v1;
	v4 =	vand.u32 $0xFFFF0000, v11;
	v2 =	vadd.f32 v2, v5;
	v8 =	vld [tilespmem:s18+$0xD0]  }
0xa5: {  	s0 =	sadd.s32 $0x0, s0;
	s31 =	sor.u32 $0x440, s9;
	v5 =	vshll.u32 v9, $0x10;
	v3 =	vadd.f32 v4, v3;
	v4 =	vand.u32 $0xFFFF0000, v9;
	v9 =	vld [tilespmem:s18+$0x28D0]  }
0xa6: {  	s3 =	sadd.s32 $0x100, s0;
	s1 =	sor.u32 $0x450, s9;
	v0 =	vadd.f32 v5, v0;
	v5 =	vshll.u32 v13, $0x10;
	[tilespmem:s31+$0x10300] =	vst v2;
	v2 =	vshll.u32 v6, $0x10  }
0xa7: {  	s2 =	sor.u32 $0x400, s3;
	v10 =	vld [tilespmem:s18+$0x50D0];
	v1 =	vadd.f32 v4, v1;
	[tilespmem:s1+$0x10300] =	vst v3;
	v2 =	vadd.f32 v5, v2  }
0xa8: {  	s4 =	sor.u32 $0x410, s3;
	v4 =	vshll.u32 v7, $0x10;
	[tilespmem:s2+$0x10300] =	vst v0;
	v3 =	vand.u32 $0xFFFF0000, v6;
	v5 =	vand.u32 $0xFFFF0000, v13;
	v0 =	vld [tilespmem:s18+$0x1F0]  }
0xa9: {  	[tilespmem:s4+$0x10300] =	vst v1;
	v1 =	vld [tilespmem:s18+$0x29F0];
	v3 =	vadd.f32 v5, v3;
	v5 =	vand.u32 $0xFFFF0000, v7;
	v2 =	vadd.f32 v4, v2  }
0xaa: {  	v11 =	vld [tilespmem:s18+$0x51F0];
	v6 =	vshll.u32 v8, $0x10;
	v7 =	vand.u32 $0xFFFF0000, v8;
	v8 =	vshll.u32 v9, $0x10  }
0xab: {  	s5 =	sor.u32 $0x420, s7;
	v4 =	vld [tilespmem:s18+$0x150];
	v3 =	vadd.f32 v5, v3;
	v5 =	vand.u32 $0xFFFF0000, v9;
	v6 =	vadd.f32 v8, v6  }
0xac: {  	v8 =	vld [tilespmem:s18+$0x2950];
	[tilespmem:s5+$0x10300] =	vst v2;
	v2 =	vshll.u32 v10, $0x10;
	v5 =	vadd.f32 v5, v7  }
0xad: {  	s6 =	sor.u32 $0x430, s7;
	v7 =	vand.u32 $0xFFFF0000, v10;
	v2 =	vadd.f32 v2, v6  }
0xae: {  	[tilespmem:s6+$0x10300] =	vst v3;
	v3 =	vld [tilespmem:s18+$0x5150];
	v6 =	vshll.u32 v0, $0x10;
	v9 =	vshll.u32 v1, $0x10;
	v5 =	vadd.f32 v7, v5  }
0xaf: {  	s8 =	sor.u32 $0x420, s10;
	v7 =	vld [tilespmem:s18+$0x60];
	v0 =	vand.u32 $0xFFFF0000, v0;
	v1 =	vand.u32 $0xFFFF0000, v1;
	v6 =	vadd.f32 v9, v6  }
0xb0: {  	s11 =	sor.u32 $0x430, s10;
	v9 =	vld [tilespmem:s18+$0x2860];
	[tilespmem:s8+$0x10300] =	vst v2;
	v2 =	vshll.u32 v4, $0x10;
	v0 =	vadd.f32 v1, v0;
	v4 =	vand.u32 $0xFFFF0000, v4  }
0xb1: {  	v10 =	vld [tilespmem:s18+$0x5060];
	[tilespmem:s11+$0x10300] =	vst v5;
	v5 =	vshll.u32 v11, $0x10;
	v12 =	vshll.u32 v8, $0x10;
	v8 =	vand.u32 $0xFFFF0000, v8  }
0xb2: {  	v13 =	vld [tilespmem:s18+$0xE0];
	v1 =	vadd.f32 v5, v6;
	v5 =	vand.u32 $0xFFFF0000, v11;
	v2 =	vadd.f32 v12, v2  }
0xb3: {  	v6 =	vld [tilespmem:s18+$0x28E0];
	v4 =	vadd.f32 v8, v4;
	v0 =	vadd.f32 v5, v0;
	v5 =	vshll.u32 v3, $0x10  }
0xb4: {  	s1 =	simm.s32 $0x1500;
	v11 =	vld [tilespmem:s18+$0x50E0];
	v3 =	vand.u32 $0xFFFF0000, v3;
	v8 =	vshll.u32 v7, $0x10;
	v7 =	vand.u32 $0xFFFF0000, v7  }
0xb5: {  	v16 =	vld [tilespmem:s1+$0x0];
	v5 =	vadd.f32 v5, v2;
	v4 =	vadd.f32 v3, v4;
	v12 =	vshll.u32 v9, $0x10  }
0xb6: {  	v15 =	vshll.u32 v10, $0x10;
	v2 =	vand.u32 $0xFFFF0000, v9;
	v9 =	vld [tilespmem:s1+$0x180];
	v8 =	vadd.f32 v12, v8  }
0xb7: {  	v12 =	vld [tilespmem:s1+$0x2980];
	v2 =	vadd.f32 v2, v7;
	v7 =	vand.u32 $0xFFFF0000, v10;
	v3 =	vshll.u32 v13, $0x10  }
0xb8: {  	s12 =	sor.u32 $0x420, s3;
	v10 =	vld [tilespmem:s1+$0x5180];
	v13 =	vand.u32 $0xFFFF0000, v13;
	v14 =	vshll.u32 v6, $0x10;
	v6 =	vand.u32 $0xFFFF0000, v6  }
0xb9: {  	[tilespmem:s12+$0x10300] =	vst v5;
	v5 =	vld [tilespmem:s1+$0x5000];
	v3 =	vadd.f32 v14, v3;
	v14 =	vshll.u32 v11, $0x10;
	v6 =	vadd.f32 v6, v13  }
0xba: {  	s6 =	sor.u32 $0x430, s3;
	v8 =	vadd.f32 v15, v8;
	v13 =	vld [tilespmem:s1+$0x2800];
	v7 =	vadd.f32 v7, v2;
	v2 =	vand.u32 $0xFFFF0000, v11  }
0xbb: {  	v18 =	vld [tilespmem:s1+$0x2900];
	[tilespmem:s6+$0x10300] =	vst v4;
	v4 =	vand.u32 $0xFFFF0000, v16;
	v3 =	vadd.f32 v14, v3;
	v2 =	vadd.f32 v2, v6  }
0xbc: {  	v11 =	vld [tilespmem:s1+$0x80];
	v14 =	vshll.u32 v9, $0x10;
	v9 =	vand.u32 $0xFFFF0000, v9;
	v15 =	vshll.u32 v12, $0x10  }
0xbd: {  	v6 =	vld [tilespmem:s1+$0x2880];
	v12 =	vand.u32 $0xFFFF0000, v12;
	v19 =	vshll.u32 v10, $0x10;
	v10 =	vand.u32 $0xFFFF0000, v10  }
0xbe: {  	s0 =	simm.s32 $0x400;
	v22 =	vshll.u32 v5, $0x10;
	v14 =	vadd.f32 v15, v14;
	v9 =	vadd.f32 v12, v9  }
0xbf: {  	s15 =	simm.s32 $0x380;
	s13 =	sand.u32 $0x7800, s0;
	v17 =	vld [tilespmem:s1+$0x100];
	v5 =	vand.u32 $0xFFFF0000, v5;
	v15 =	vshll.u32 v16, $0x10;
	v12 =	vshll.u32 v13, $0x10  }
0xc0: {  	s16 =	sand.u32 $0x380, s15;
	s14 =	sor.u32 $0x10300, s13;
	v16 =	vld [tilespmem:s1+$0x5080];
	v13 =	vand.u32 $0xFFFF0000, v13;
	v14 =	vadd.f32 v19, v14;
	v9 =	vadd.f32 v10, v9  }
0xc1: {  	s17 =	sadd.s32 s16, s14;
	v10 =	vshll.u32 v11, $0x10;
	v11 =	vand.u32 $0xFFFF0000, v11;
	v12 =	vadd.f32 v12, v15  }
0xc2: {  	v15 =	vshll.u32 v18, $0x10;
	v18 =	vand.u32 $0xFFFF0000, v18;
	v19 =	vshll.u32 v6, $0x10;
	[tilespmem:s17+$0x0] =	vst v14  }
0xc3: {  	s20 =	simm.s32 $0x200;
	s19 =	sor.u32 $0x440, s7;
	v20 =	vld [tilespmem:s1+$0x5100];
	v4 =	vadd.f32 v13, v4;
	v6 =	vand.u32 $0xFFFF0000, v6;
	[tilespmem:s17+$0x10] =	vst v9;
	v10 =	vadd.f32 v19, v10  }
0xc4: {  	s21 =	sand.u32 $0x200, s20;
	s25 =	sor.u32 $0x440, s10;
	[tilespmem:s19+$0x10300] =	vst v8;
	v14 =	vshll.u32 v17, $0x10;
	v6 =	vadd.f32 v6, v11;
	v12 =	vadd.f32 v22, v12;
	v21 =	vld [tilespmem:s1+$0x190]  }
0xc5: {  	s22 =	simm.s32 $0x280;
	s4 =	sadd.s32 s21, s14;
	[tilespmem:s25+$0x10300] =	vst v3;
	v4 =	vadd.f32 v5, v4;
	v13 =	vld [tilespmem:s1+$0x2990];
	v11 =	vadd.f32 v15, v14;
	v14 =	vshll.u32 v16, $0x10  }
0xc6: {  	s23 =	sand.u32 $0x280, s22;
	v17 =	vand.u32 $0xFFFF0000, v17;
	v9 =	vld [tilespmem:s18+$0x160];
	v15 =	vand.u32 $0xFFFF0000, v16;
	v5 =	vadd.f32 v14, v10;
	[tilespmem:s4+$0x0] =	vst v12  }
0xc7: {  	s2 =	sadd.s32 s23, s14;
	v16 =	vadd.f32 v18, v17;
	v17 =	vld [tilespmem:s1+$0x5190];
	v6 =	vadd.f32 v15, v6;
	[tilespmem:s4+$0x10] =	vst v4  }
0xc8: {  	v8 =	vld [tilespmem:s18+$0x2960];
	v18 =	vshll.u32 v20, $0x10;
	[tilespmem:s2+$0x0] =	vst v5  }
0xc9: {  	s11 =	sor.u32 $0x450, s10;
	v19 =	vand.u32 $0xFFFF0000, v20;
	v5 =	vadd.f32 v18, v11;
	[tilespmem:s2+$0x10] =	vst v6;
	v18 =	vld [tilespmem:s1+$0x5010]  }
0xca: {  	s8 =	sor.u32 $0x450, s7;
	[tilespmem:s11+$0x10300] =	vst v2;
	v6 =	vadd.f32 v19, v16;
	v2 =	vld [tilespmem:s1+$0x5090];
	v12 =	vshll.u32 v21, $0x10;
	v15 =	vshll.u32 v13, $0x10  }
0xcb: {  	[tilespmem:s8+$0x10300] =	vst v7;
	v7 =	vld [tilespmem:s18+$0x5160];
	v13 =	vand.u32 $0xFFFF0000, v13;
	v4 =	vadd.f32 v15, v12;
	v12 =	vand.u32 $0xFFFF0000, v21  }
0xcc: {  	v10 =	vshll.u32 v9, $0x10;
	v11 =	vshll.u32 v17, $0x10;
	v15 =	vld [tilespmem:s1+$0x10];
	v12 =	vadd.f32 v13, v12  }
0xcd: {  	v9 =	vand.u32 $0xFFFF0000, v9;
	v13 =	vld [tilespmem:s1+$0x2810];
	v4 =	vadd.f32 v11, v4;
	v11 =	vand.u32 $0xFFFF0000, v17  }
0xce: {  	s24 =	simm.s32 $0x300;
	v16 =	vld [tilespmem:s1+$0x90];
	v19 =	vshll.u32 v18, $0x10;
	v11 =	vadd.f32 v11, v12;
	v12 =	vshll.u32 v8, $0x10  }
0xcf: {  	s8 =	sand.u32 $0x300, s24;
	v17 =	vld [tilespmem:s1+$0x2890];
	v8 =	vand.u32 $0xFFFF0000, v8;
	v46 =	vshll.u32 v2, $0x10;
	[tilespmem:s17+$0x20] =	vst v4;
	v10 =	vadd.f32 v12, v10  }
0xd0: {  	s5 =	sadd.s32 s8, s14;
	v12 =	vshll.u32 v7, $0x10;
	v8 =	vadd.f32 v8, v9;
	v7 =	vand.u32 $0xFFFF0000, v7;
	[tilespmem:s17+$0x30] =	vst v11  }
0xd1: {  	[tilespmem:s5+$0x0] =	vst v5;
	v5 =	vshll.u32 v15, $0x10;
	v9 =	vand.u32 $0xFFFF0000, v15;
	v11 =	vld [tilespmem:s1+$0x1A0];
	v12 =	vadd.f32 v12, v10  }
0xd2: {  	[tilespmem:s5+$0x10] =	vst v6;
	v6 =	vshll.u32 v13, $0x10;
	v10 =	vand.u32 $0xFFFF0000, v13;
	v13 =	vld [tilespmem:s1+$0x29A0];
	v15 =	vadd.f32 v7, v8  }
0xd3: {  	v7 =	vand.u32 $0xFFFF0000, v16;
	v8 =	vld [tilespmem:s1+$0x110];
	v5 =	vadd.f32 v6, v5;
	v6 =	vshll.u32 v16, $0x10  }
0xd4: {  	v9 =	vadd.f32 v10, v9;
	v10 =	vshll.u32 v17, $0x10;
	v16 =	vand.u32 $0xFFFF0000, v17;
	v17 =	vld [tilespmem:s1+$0x51A0]  }
0xd5: {  	v20 =	vld [tilespmem:s18+$0x2870];
	v6 =	vadd.f32 v10, v6;
	v7 =	vadd.f32 v16, v7;
	v16 =	vand.u32 $0xFFFF0000, v18  }
0xd6: {  	v2 =	vand.u32 $0xFFFF0000, v2;
	v10 =	vld [tilespmem:s1+$0x2910];
	v3 =	vadd.f32 v19, v5;
	v9 =	vadd.f32 v16, v9  }
0xd7: {  	v14 =	vld [tilespmem:s18+$0x70];
	v2 =	vadd.f32 v2, v7;
	v16 =	vshll.u32 v11, $0x10;
	v18 =	vshll.u32 v13, $0x10  }
0xd8: {  	v19 =	vld [tilespmem:s1+$0x5110];
	[tilespmem:s4+$0x20] =	vst v3;
	v11 =	vand.u32 $0xFFFF0000, v11;
	v13 =	vand.u32 $0xFFFF0000, v13;
	v3 =	vadd.f32 v18, v16  }
0xd9: {  	[tilespmem:s4+$0x30] =	vst v9;
	v9 =	vshll.u32 v8, $0x10;
	v16 =	vld [tilespmem:s18+$0xF0];
	v18 =	vshll.u32 v17, $0x10;
	v11 =	vadd.f32 v13, v11  }
0xda: {  	v8 =	vand.u32 $0xFFFF0000, v8;
	v13 =	vld [tilespmem:s1+$0x20];
	v17 =	vand.u32 $0xFFFF0000, v17;
	v3 =	vadd.f32 v18, v3  }
0xdb: {  	v45 =	vshll.u32 v10, $0x10;
	v10 =	vand.u32 $0xFFFF0000, v10;
	v18 =	vld [tilespmem:s1+$0x2820];
	v11 =	vadd.f32 v17, v11  }
0xdc: {  	v4 =	vshll.u32 v14, $0x10;
	v17 =	vld [tilespmem:s1+$0x5020];
	v9 =	vadd.f32 v45, v9;
	v8 =	vadd.f32 v10, v8;
	[tilespmem:s17+$0x40] =	vst v3  }
0xdd: {  	v10 =	vshll.u32 v19, $0x10;
	v19 =	vand.u32 $0xFFFF0000, v19;
	v3 =	vld [tilespmem:s18+$0x28F0];
	[tilespmem:s17+$0x50] =	vst v11;
	v11 =	vadd.f32 v46, v6  }
0xde: {  	v5 =	vshll.u32 v20, $0x10;
	[tilespmem:s2+$0x30] =	vst v2;
	v6 =	vand.u32 $0xFFFF0000, v14;
	v8 =	vadd.f32 v19, v8;
	v47 =	vld [tilespmem:s1+$0x1B0]  }
0xdf: {  	v9 =	vadd.f32 v10, v9;
	v7 =	vshll.u32 v13, $0x10;
	v14 =	vld [tilespmem:s1+$0x29B0];
	v13 =	vand.u32 $0xFFFF0000, v13;
	[tilespmem:s2+$0x20] =	vst v11  }
0xe0: {  	v2 =	vld [tilespmem:s1+$0x51B0];
	[tilespmem:s5+$0x30] =	vst v8;
	v8 =	vand.u32 $0xFFFF0000, v16;
	v10 =	vshll.u32 v18, $0x10;
	v18 =	vand.u32 $0xFFFF0000, v18  }
0xe1: {  	v19 =	vshll.u32 v17, $0x10;
	v49 =	vld [tilespmem:s1+$0x50A0];
	v11 =	vadd.f32 v10, v7;
	v13 =	vadd.f32 v18, v13  }
0xe2: {  	[tilespmem:s5+$0x20] =	vst v9;
	v17 =	vand.u32 $0xFFFF0000, v17;
	v18 =	vld [tilespmem:s1+$0xA0];
	v7 =	vand.u32 $0xFFFF0000, v20;
	v10 =	vshll.u32 v16, $0x10  }
0xe3: {  	v16 =	vld [tilespmem:s1+$0x2920];
	v9 =	vadd.f32 v19, v11;
	v13 =	vadd.f32 v17, v13;
	v11 =	vshll.u32 v3, $0x10  }
0xe4: {  	v17 =	vld [tilespmem:s1+$0x28A0];
	v20 =	vshll.u32 v47, $0x10;
	v48 =	vshll.u32 v14, $0x10;
	v21 =	vand.u32 $0xFFFF0000, v47  }
0xe5: {  	v19 =	vld [tilespmem:s1+$0x120];
	v14 =	vand.u32 $0xFFFF0000, v14;
	v23 =	vshll.u32 v2, $0x10;
	v20 =	vadd.f32 v48, v20  }
0xe6: {  	v2 =	vand.u32 $0xFFFF0000, v2;
	v14 =	vadd.f32 v14, v21;
	[tilespmem:s4+$0x40] =	vst v9;
	v9 =	vand.u32 $0xFFFF0000, v3  }
0xe7: {  	[tilespmem:s4+$0x50] =	vst v13;
	v13 =	vld [tilespmem:s1+$0x5120];
	v22 =	vand.u32 $0xFFFF0000, v49;
	v3 =	vshll.u32 v18, $0x10;
	v20 =	vadd.f32 v23, v20  }
0xe8: {  	v50 =	vld [tilespmem:s1+$0x30];
	v18 =	vand.u32 $0xFFFF0000, v18;
	v2 =	vadd.f32 v2, v14;
	v52 =	vshll.u32 v16, $0x10  }
0xe9: {  	v14 =	vld [tilespmem:s1+$0x2830];
	v16 =	vand.u32 $0xFFFF0000, v16;
	v51 =	vshll.u32 v17, $0x10;
	v17 =	vand.u32 $0xFFFF0000, v17;
	[tilespmem:s17+$0x60] =	vst v20  }
0xea: {  	v24 =	vshll.u32 v19, $0x10;
	v19 =	vand.u32 $0xFFFF0000, v19;
	v20 =	vld [tilespmem:s1+$0x5030];
	[tilespmem:s17+$0x70] =	vst v2;
	v3 =	vadd.f32 v51, v3  }
0xeb: {  	s26 =	sor.u32 $0x440, s3;
	v2 =	vshll.u32 v49, $0x10;
	v17 =	vadd.f32 v17, v18;
	v53 =	vld [tilespmem:s1+$0x1C0];
	v16 =	vadd.f32 v16, v19  }
0xec: {  	s31 =	sor.u32 $0x450, s3;
	[tilespmem:s26+$0x10300] =	vst v12;
	v18 =	vadd.f32 v52, v24;
	v19 =	vld [tilespmem:s1+$0x29C0];
	v12 =	vand.u32 $0xFFFF0000, v13;
	v2 =	vadd.f32 v2, v3  }
0xed: {  	[tilespmem:s31+$0x10300] =	vst v15;
	v54 =	vshll.u32 v13, $0x10;
	v3 =	vadd.f32 v22, v17;
	v12 =	vadd.f32 v12, v16;
	v16 =	vld [tilespmem:s1+$0x51C0]  }
0xee: {  	v13 =	vshll.u32 v50, $0x10;
	v15 =	vadd.f32 v54, v18;
	v17 =	vld [tilespmem:s18+$0x170];
	[tilespmem:s2+$0x40] =	vst v2  }
0xef: {  	v18 =	vshll.u32 v14, $0x10;
	v21 =	vand.u32 $0xFFFF0000, v50;
	v14 =	vand.u32 $0xFFFF0000, v14;
	v2 =	vld [tilespmem:s18+$0x2970];
	[tilespmem:s2+$0x50] =	vst v3  }
0xf0: {  	s16 =	simm.s32 $0x4;
	v13 =	vadd.f32 v18, v13;
	v18 =	vshll.u32 v20, $0x10;
	v3 =	vand.u32 $0xFFFF0000, v20;
	[tilespmem:s5+$0x40] =	vst v15;
	v20 =	vld [tilespmem:s1+$0xB0]  }
0xf1: {  	s11 =	sand.u32 $0x7, s16;
	v14 =	vadd.f32 v14, v21;
	[tilespmem:s5+$0x50] =	vst v12;
	v15 =	vshll.u32 v53, $0x10;
	v55 =	vshll.u32 v19, $0x10;
	v56 =	vld [tilespmem:s1+$0x28B0]  }
0xf2: {  	s6 =	sshll.u32 s11, $0x7;
	v19 =	vand.u32 $0xFFFF0000, v19;
	v57 =	vld [tilespmem:s1+$0x130];
	v12 =	vadd.f32 v55, v15;
	v15 =	vand.u32 $0xFFFF0000, v53  }
0xf3: {  	s12 =	sadd.s32 $0x400, s6;
	v18 =	vadd.f32 v18, v13;
	v59 =	vld [tilespmem:s1+$0x5130];
	v13 =	vshll.u32 v16, $0x10;
	v15 =	vadd.f32 v19, v15  }
0xf4: {  	s6 =	sadd.s32 $0x180, s12;
	v4 =	vadd.f32 v5, v4;
	v19 =	vld [tilespmem:s1+$0x2930];
	v12 =	vadd.f32 v13, v12;
	v13 =	vand.u32 $0xFFFF0000, v16  }
0xf5: {  	s13 =	sor.u32 $0x400, s6;
	v3 =	vadd.f32 v3, v14;
	v14 =	vshll.u32 v17, $0x10;
	v16 =	vld [tilespmem:s1+$0x50B0];
	v13 =	vadd.f32 v13, v15  }
0xf6: {  	s14 =	sor.u32 $0x410, s6;
	v15 =	vshll.u32 v2, $0x10;
	v58 =	vshll.u32 v20, $0x10;
	v20 =	vand.u32 $0xFFFF0000, v20;
	[tilespmem:s13+$0x10300] =	vst v12  }
0xf7: {  	v12 =	vand.u32 $0xFFFF0000, v17;
	v17 =	vld [tilespmem:s18+$0x5070];
	v25 =	vshll.u32 v56, $0x10;
	v22 =	vand.u32 $0xFFFF0000, v56;
	[tilespmem:s14+$0x10300] =	vst v13  }
0xf8: {  	[tilespmem:s4+$0x60] =	vst v18;
	v18 =	vshll.u32 v57, $0x10;
	v21 =	vand.u32 $0xFFFF0000, v57;
	v63 =	vand.u32 $0xFFFF0000, v59;
	v60 =	vld [tilespmem:s1+$0x1D0]  }
0xf9: {  	[tilespmem:s4+$0x70] =	vst v3;
	v13 =	vand.u32 $0xFFFF0000, v2;
	v2 =	vadd.f32 v25, v58;
	v3 =	vadd.f32 v22, v20;
	v61 =	vld [tilespmem:s1+$0x29D0]  }
0xfa: {  	v20 =	vshll.u32 v19, $0x10;
	v19 =	vand.u32 $0xFFFF0000, v19;
	v26 =	vshll.u32 v16, $0x10  }
0xfb: {  	v30 =	vld [tilespmem:s1+$0x51D0];
	v18 =	vadd.f32 v20, v18;
	v19 =	vadd.f32 v19, v21;
	v16 =	vand.u32 $0xFFFF0000, v16  }
0xfc: {  	v62 =	vld [tilespmem:s1+$0x40];
	v20 =	vshll.u32 v59, $0x10;
	v26 =	vadd.f32 v26, v2;
	v16 =	vadd.f32 v16, v3  }
0xfd: {  	v27 =	vld [tilespmem:s1+$0x2840];
	v2 =	vshll.u32 v17, $0x10;
	v18 =	vadd.f32 v20, v18;
	v19 =	vadd.f32 v63, v19  }
0xfe: {  	v3 =	vand.u32 $0xFFFF0000, v17;
	[tilespmem:s2+$0x60] =	vst v26;
	v20 =	vshll.u32 v60, $0x10;
	v31 =	vshll.u32 v61, $0x10  }
0xff: {  	v17 =	vld [tilespmem:s1+$0x5040];
	[tilespmem:s2+$0x70] =	vst v16;
	v16 =	vand.u32 $0xFFFF0000, v60;
	v5 =	vadd.f32 v31, v20;
	v20 =	vand.u32 $0xFFFF0000, v61  }
0x100: {  	v7 =	vadd.f32 v7, v6;
	v33 =	vld [tilespmem:s1+$0xC0];
	[tilespmem:s5+$0x60] =	vst v18;
	v18 =	vshll.u32 v30, $0x10;
	v16 =	vadd.f32 v20, v16  }
0x101: {  	v6 =	vadd.f32 v11, v10;
	v34 =	vld [tilespmem:s1+$0x28C0];
	[tilespmem:s5+$0x70] =	vst v19;
	v5 =	vadd.f32 v18, v5;
	v18 =	vand.u32 $0xFFFF0000, v30  }
0x102: {  	s17 =	sor.u32 $0x420, s6;
	v32 =	vshll.u32 v62, $0x10;
	v36 =	vld [tilespmem:s1+$0x140];
	v20 =	vshll.u32 v27, $0x10;
	v16 =	vadd.f32 v18, v16  }
0x103: {  	p1 =	por !p1, !p1;
	s19 =	sor.u32 $0x430, s6;
	s4 =	simm.s32 $0x1;
	v35 =	vand.u32 $0xFFFF0000, v27;
	v19 =	vand.u32 $0xFFFF0000, v62;
	v37 =	vld [tilespmem:s1+$0x2940];
	v18 =	vadd.f32 v20, v32;
	[tilespmem:s17+$0x10300] =	vst v5  }
0x104: {  	s4 =	simm.s32 @!p1 $0x0;
	v19 =	vadd.f32 v35, v19;
	v20 =	vshll.u32 v17, $0x10;
	v5 =	vand.u32 $0xFFFF0000, v17;
	v17 =	vld [tilespmem:s1+$0x50C0];
	[tilespmem:s19+$0x10300] =	vst v16  }
0x105: {  	v8 =	vadd.f32 v9, v8;
	s20 =	sshll.u32 s4, $0x9;
	v11 =	vshll.u32 v33, $0x10;
	v10 =	vadd.f32 v20, v18;
	v18 =	vld [tilespmem:s1+$0x1E0]  }
0x106: {  	s5 =	sadd.s32 $0x400, s20;
	v16 =	vand.u32 $0xFFFF0000, v33;
	v5 =	vadd.f32 v5, v19;
	v19 =	vshll.u32 v34, $0x10;
	v38 =	vld [tilespmem:s1+$0x29E0]  }
0x107: {  	s2 =	sor.u32 $0x400, s5;
	v20 =	vand.u32 $0xFFFF0000, v34;
	v39 =	vshll.u32 v36, $0x10;
	v40 =	vand.u32 $0xFFFF0000, v36  }
0x108: {  	s21 =	sor.u32 $0x410, s5;
	v11 =	vadd.f32 v19, v11;
	v41 =	vld [tilespmem:s1+$0x51E0];
	[tilespmem:s2+$0x10300] =	vst v10;
	v10 =	vadd.f32 v20, v16;
	v16 =	vshll.u32 v37, $0x10  }
0x109: {  	v19 =	vld [tilespmem:s1+$0x5140];
	v20 =	vand.u32 $0xFFFF0000, v37;
	[tilespmem:s21+$0x10300] =	vst v5;
	v16 =	vadd.f32 v16, v39;
	v5 =	vshll.u32 v17, $0x10  }
0x10a: {  	s8 =	sadd.s32 $0x80, s12;
	v20 =	vadd.f32 v20, v40;
	v42 =	vld [tilespmem:s1+$0x50];
	v5 =	vadd.f32 v5, v11;
	v11 =	vand.u32 $0xFFFF0000, v17  }
0x10b: {  	s22 =	sor.u32 $0x400, s8;
	v9 =	vld [tilespmem:s1+$0x2850];
	v10 =	vadd.f32 v11, v10;
	v11 =	vshll.u32 v18, $0x10;
	v17 =	vshll.u32 v38, $0x10  }
0x10c: {  	s23 =	sor.u32 $0x410, s8;
	s19 =	simm.s32 $0x2;
	v43 =	vld [tilespmem:s1+$0x5050];
	[tilespmem:s22+$0x10300] =	vst v5;
	v5 =	vadd.f32 v17, v11;
	v11 =	vand.u32 $0xFFFF0000, v18;
	v17 =	vand.u32 $0xFFFF0000, v38  }
0x10d: {  	s24 =	sand.u32 $0x3, s19;
	v44 =	vshll.u32 v41, $0x10;
	v21 =	vand.u32 $0xFFFF0000, v41;
	v18 =	vld [tilespmem:s18+$0x50F0];
	[tilespmem:s23+$0x10300] =	vst v10;
	v11 =	vadd.f32 v17, v11  }
0x10e: {  	s2 =	sshll.u32 s24, $0x8;
	v10 =	vshll.u32 v19, $0x10;
	v19 =	vand.u32 $0xFFFF0000, v19;
	v17 =	vld [tilespmem:s1+$0xD0];
	v5 =	vadd.f32 v44, v5  }
0x10f: {  	s25 =	sor.u32 $0x440, s6;
	s2 =	sadd.s32 $0x400, s2;
	v45 =	vshll.u32 v42, $0x10;
	v46 =	vld [tilespmem:s1+$0x28D0];
	v10 =	vadd.f32 v10, v16;
	v11 =	vadd.f32 v21, v11  }
0x110: {  	s26 =	sor.u32 $0x450, s6;
	s11 =	sadd.s32 $0x100, s2;
	v16 =	vshll.u32 v9, $0x10;
	v47 =	vand.u32 $0xFFFF0000, v42;
	v48 =	vld [tilespmem:s1+$0x50D0];
	v19 =	vadd.f32 v19, v20;
	[tilespmem:s25+$0x10300] =	vst v5  }
0x111: {  	s31 =	sor.u32 $0x400, s11;
	v20 =	vshll.u32 v43, $0x10;
	v9 =	vand.u32 $0xFFFF0000, v9;
	v16 =	vadd.f32 v16, v45;
	v5 =	vld [tilespmem:s18+$0x5170];
	[tilespmem:s26+$0x10300] =	vst v11  }
0x112: {  	s12 =	sor.u32 $0x410, s11;
	v49 =	vand.u32 $0xFFFF0000, v43;
	[tilespmem:s31+$0x10300] =	vst v10;
	v11 =	vadd.f32 v9, v47;
	v9 =	vadd.f32 v15, v14;
	v50 =	vld [tilespmem:s1+$0x1F0]  }
0x113: {  	v10 =	vadd.f32 v20, v16;
	[tilespmem:s12+$0x10300] =	vst v19;
	v16 =	vld [tilespmem:s1+$0x29F0];
	v14 =	vshll.u32 v17, $0x10;
	v15 =	vand.u32 $0xFFFF0000, v17  }
0x114: {  	v52 =	vld [tilespmem:s1+$0x2950];
	v17 =	vadd.f32 v49, v11;
	v11 =	vshll.u32 v46, $0x10;
	v19 =	vand.u32 $0xFFFF0000, v46  }
0x115: {  	s13 =	sor.u32 $0x420, s5;
	v20 =	vld [tilespmem:s1+$0x150];
	v51 =	vshll.u32 v48, $0x10;
	v23 =	vand.u32 $0xFFFF0000, v48;
	v14 =	vadd.f32 v11, v14  }
0x116: {  	s14 =	sor.u32 $0x430, s5;
	[tilespmem:s13+$0x10300] =	vst v10;
	v10 =	vadd.f32 v13, v12;
	v12 =	vand.u32 $0xFFFF0000, v18;
	v15 =	vadd.f32 v19, v15;
	v19 =	vld [tilespmem:s1+$0x51F0]  }
0x117: {  	s21 =	sor.u32 $0x460, s9;
	v11 =	vshll.u32 v18, $0x10;
	[tilespmem:s14+$0x10300] =	vst v17;
	v17 =	vld [tilespmem:s1+$0x5150];
	v13 =	vshll.u32 v5, $0x10;
	v14 =	vadd.f32 v51, v14  }
0x118: {  	s17 =	sor.u32 $0x420, s8;
	[tilespmem:s21+$0x10300] =	vst v1;
	v15 =	vadd.f32 v23, v15;
	v18 =	vld [tilespmem:s1+$0x60];
	v53 =	vshll.u32 v50, $0x10;
	v54 =	vshll.u32 v16, $0x10  }
0x119: {  	s18 =	sor.u32 $0x430, s8;
	v55 =	vld [tilespmem:s1+$0x2860];
	v56 =	vand.u32 $0xFFFF0000, v50;
	v16 =	vand.u32 $0xFFFF0000, v16;
	v59 =	vshll.u32 v52, $0x10;
	[tilespmem:s17+$0x10300] =	vst v14  }
0x11a: {  	s28 =	sor.u32 $0x470, s7;
	v1 =	vld [tilespmem:s1+$0x5060];
	v24 =	vand.u32 $0xFFFF0000, v52;
	v14 =	vadd.f32 v54, v53;
	v16 =	vadd.f32 v16, v56;
	[tilespmem:s18+$0x10300] =	vst v15  }
0x11b: {  	s30 =	sor.u32 $0x440, s8;
	s20 =	sor.u32 $0x460, s3;
	s4 =	sor.u32 $0x450, s5;
	v15 =	vshll.u32 v20, $0x10;
	v57 =	vshll.u32 v19, $0x10;
	v19 =	vand.u32 $0xFFFF0000, v19;
	v58 =	vld [tilespmem:s1+$0xE0]  }
0x11c: {  	s24 =	sor.u32 $0x460, s10;
	s2 =	sor.u32 $0x460, s7;
	s22 =	sor.u32 $0x470, s9;
	v20 =	vand.u32 $0xFFFF0000, v20;
	v14 =	vadd.f32 v57, v14;
	v60 =	vld [tilespmem:s1+$0x28E0];
	v15 =	vadd.f32 v59, v15  }
0x11d: {  	s7 =	sor.u32 $0x470, s3;
	s3 =	sor.u32 $0x440, s5;
	[tilespmem:s22+$0x10300] =	vst v0;
	s31 =	sor.u32 $0x460, s6;
	v16 =	vadd.f32 v19, v16;
	v19 =	vshll.u32 v17, $0x10;
	v20 =	vadd.f32 v24, v20  }
0x11e: {  	s21 =	sor.u32 $0x460, s8;
	s29 =	sor.u32 $0x470, s11;
	s6 =	sor.u32 $0x470, s6;
	v17 =	vand.u32 $0xFFFF0000, v17;
	v0 =	vshll.u32 v18, $0x10;
	[tilespmem:s31+$0x10300] =	vst v14;
	v19 =	vadd.f32 v19, v15  }
0x11f: {  	s9 =	sor.u32 $0x460, s5;
	s23 =	sor.u32 $0x430, s11;
	s12 =	sor.u32 $0x420, s11;
	v61 =	vshll.u32 v55, $0x10;
	v18 =	vand.u32 $0xFFFF0000, v18;
	v20 =	vadd.f32 v17, v20;
	[tilespmem:s6+$0x10300] =	vst v16  }
0x120: {  	s22 =	simm.s32 $0x1700;
	s25 =	sor.u32 $0x450, s11;
	s26 =	simm.s32 $0x4;
	v15 =	vadd.f32 v61, v0;
	v16 =	vand.u32 $0xFFFF0000, v55;
	[tilespmem:s12+$0x10300] =	vst v19;
	v19 =	vshll.u32 v1, $0x10  }
0x121: {  	s13 =	sor.u32 $0x460, s11;
	s14 =	sor.u32 $0x470, s10;
	s10 =	sor.u32 $0x470, s5;
	v18 =	vadd.f32 v16, v18;
	v62 =	vshll.u32 v58, $0x10;
	v63 =	vshll.u32 v60, $0x10  }
0x122: {  	s17 =	sor.u32 $0x440, s11;
	v0 =	vld [tilespmem:s1+$0x50E0];
	s6 =	sor.u32 $0x450, s8;
	s8 =	sor.u32 $0x470, s8;
	v14 =	vand.u32 $0xFFFF0000, v58;
	v17 =	vand.u32 $0xFFFF0000, v60;
	[tilespmem:s23+$0x10300] =	vst v20;
	v16 =	vadd.f32 v63, v62  }
.LBB2_4:
0x123: {  	_ = 	snop  }
0x124: {  	v20 =	vld [tilespmem:s22+$0x180];
	v15 =	vadd.f32 v19, v15  }
0x125: {  	v1 =	vand.u32 $0xFFFF0000, v1;
	v14 =	vadd.f32 v17, v14;
	v17 =	vld [tilespmem:s22+$0x2980]  }
0x126: {  	v5 =	vand.u32 $0xFFFF0000, v5;
	v2 =	vadd.f32 v2, v4;
	v1 =	vadd.f32 v1, v18;
	v18 =	vld [tilespmem:s22+$0x0];
	[tilespmem:s3+$0x10300] =	vst v15  }
0x127: {  	v3 =	vadd.f32 v3, v7;
	v21 =	vshll.u32 v0, $0x10;
	v0 =	vand.u32 $0xFFFF0000, v0;
	v4 =	vld [tilespmem:s22+$0x2800]  }
0x128: {  	v5 =	vadd.f32 v5, v10;
	v0 =	vadd.f32 v0, v14;
	v14 =	vld [tilespmem:s22+$0x5180]  }
0x129: {  	[tilespmem:s4+$0x10300] =	vst v1;
	v1 =	vadd.f32 v11, v6;
	v16 =	vadd.f32 v21, v16  }
0x12a: {  	v7 =	vld [tilespmem:s22+$0x80];
	v6 =	vadd.f32 v12, v8;
	v8 =	vadd.f32 v13, v9;
	[tilespmem:s2+$0x10300] =	vst v2  }
0x12b: {  	s19 =	sadd.s32 $0x2, s19;
	v13 =	vld [tilespmem:s22+$0x2900];
	v10 =	vshll.u32 v20, $0x10;
	v11 =	vshll.u32 v17, $0x10;
	v12 =	vand.u32 $0xFFFF0000, v17;
	[tilespmem:s30+$0x10300] =	vst v16  }
0x12c: {  	s0 =	sadd.s32 $0x400, s0;
	s18 =	sand.u32 $0x3, s19;
	v10 =	vadd.f32 v11, v10;
	v11 =	vand.u32 $0xFFFF0000, v20;
	v2 =	vshll.u32 v18, $0x10;
	[tilespmem:s28+$0x10300] =	vst v3;
	v9 =	vld [tilespmem:s22+$0x2880]  }
0x12d: {  	s15 =	sadd.s32 $0x200, s15;
	s23 =	sand.u32 $0x7800, s0;
	s3 =	sshll.u32 s18, $0x8;
	v11 =	vadd.f32 v12, v11;
	[tilespmem:s6+$0x10300] =	vst v0;
	v0 =	vld [tilespmem:s22+$0x100];
	v12 =	vshll.u32 v4, $0x10;
	v15 =	vshll.u32 v14, $0x10  }
0x12e: {  	s31 =	sand.u32 $0x380, s15;
	s2 =	sadd.s32 s0, s3;
	s3 =	sor.u32 $0x10300, s23;
	v3 =	vld [tilespmem:s22+$0x5000];
	[tilespmem:s24+$0x10300] =	vst v1;
	v1 =	vand.u32 $0xFFFF0000, v18;
	v14 =	vand.u32 $0xFFFF0000, v14;
	v10 =	vadd.f32 v15, v10  }
0x12f: {  	s6 =	sadd.s32 s31, s3;
	v4 =	vand.u32 $0xFFFF0000, v4;
	v2 =	vadd.f32 v12, v2;
	v15 =	vld [tilespmem:s22+$0x5080];
	v11 =	vadd.f32 v14, v11;
	[tilespmem:s14+$0x10300] =	vst v6  }
0x130: {  	v16 =	vld [tilespmem:s22+$0x5100];
	v12 =	vshll.u32 v13, $0x10;
	v13 =	vand.u32 $0xFFFF0000, v13;
	v1 =	vadd.f32 v4, v1;
	[tilespmem:s6+$0x0] =	vst v10  }
0x131: {  	v6 =	vshll.u32 v7, $0x10;
	v7 =	vand.u32 $0xFFFF0000, v7;
	v14 =	vshll.u32 v9, $0x10;
	[tilespmem:s6+$0x10] =	vst v11;
	v11 =	vld [tilespmem:s1+$0x160]  }
0x132: {  	v9 =	vand.u32 $0xFFFF0000, v9;
	v10 =	vshll.u32 v0, $0x10;
	v0 =	vand.u32 $0xFFFF0000, v0;
	[tilespmem:s20+$0x10300] =	vst v8;
	v17 =	vld [tilespmem:s22+$0x190]  }
0x133: {  	v8 =	vshll.u32 v3, $0x10;
	v4 =	vadd.f32 v14, v6;
	v6 =	vld [tilespmem:s22+$0x2990];
	[tilespmem:s7+$0x10300] =	vst v5;
	v5 =	vadd.f32 v9, v7  }
0x134: {  	s5 =	sadd.s32 $0xFFFFFE80, s15;
	v3 =	vand.u32 $0xFFFF0000, v3;
	v7 =	vadd.f32 v12, v10;
	v0 =	vadd.f32 v13, v0;
	v13 =	vld [tilespmem:s22+$0x5190]  }
0x135: {  	s12 =	sadd.s32 $0xFFFFFF80, s15;
	s5 =	sand.u32 $0x200, s5;
	v2 =	vadd.f32 v8, v2;
	v1 =	vadd.f32 v3, v1;
	v3 =	vld [tilespmem:s1+$0x70]  }
0x136: {  	s18 =	sand.u32 $0x300, s12;
	s12 =	sadd.s32 s5, s3;
	v8 =	vshll.u32 v16, $0x10;
	v9 =	vld [tilespmem:s1+$0x2960];
	v10 =	vshll.u32 v15, $0x10;
	v12 =	vand.u32 $0xFFFF0000, v15  }
0x137: {  	s11 =	sadd.s32 $0xFFFFFF00, s15;
	v14 =	vand.u32 $0xFFFF0000, v16;
	v15 =	vld [tilespmem:s1+$0x5160];
	[tilespmem:s12+$0x0] =	vst v2;
	v4 =	vadd.f32 v10, v4;
	v2 =	vadd.f32 v12, v5  }
0x138: {  	s11 =	sand.u32 $0x280, s11;
	v5 =	vld [tilespmem:s1+$0x2870];
	v10 =	vshll.u32 v11, $0x10;
	v12 =	vshll.u32 v17, $0x10;
	v16 =	vshll.u32 v6, $0x10  }
0x139: {  	s11 =	sadd.s32 s11, s3;
	[tilespmem:s12+$0x10] =	vst v1;
	v1 =	vld [tilespmem:s1+$0xF0];
	v6 =	vand.u32 $0xFFFF0000, v6;
	v12 =	vadd.f32 v16, v12;
	v16 =	vand.u32 $0xFFFF0000, v17  }
0x13a: {  	[tilespmem:s11+$0x0] =	vst v4;
	v4 =	vadd.f32 v8, v7;
	v7 =	vshll.u32 v13, $0x10;
	v17 =	vld [tilespmem:s22+$0x10];
	v6 =	vadd.f32 v6, v16  }
0x13b: {  	s18 =	sadd.s32 s18, s3;
	v8 =	vld [tilespmem:s22+$0x2810];
	[tilespmem:s11+$0x10] =	vst v2;
	v2 =	vadd.f32 v14, v0;
	v0 =	vadd.f32 v7, v12;
	v7 =	vand.u32 $0xFFFF0000, v13  }
0x13c: {  	[tilespmem:s18+$0x0] =	vst v4;
	v12 =	vld [tilespmem:s22+$0x90];
	v4 =	vadd.f32 v7, v6;
	v6 =	vshll.u32 v9, $0x10;
	v7 =	vand.u32 $0xFFFF0000, v11  }
0x13d: {  	v11 =	vld [tilespmem:s22+$0x2890];
	v9 =	vand.u32 $0xFFFF0000, v9;
	[tilespmem:s6+$0x20] =	vst v0;
	v6 =	vadd.f32 v6, v10;
	v10 =	vshll.u32 v15, $0x10  }
0x13e: {  	v13 =	vld [tilespmem:s22+$0x5010];
	v0 =	vshll.u32 v3, $0x10;
	[tilespmem:s6+$0x30] =	vst v4;
	v4 =	vadd.f32 v9, v7;
	v7 =	vand.u32 $0xFFFF0000, v15  }
0x13f: {  	[tilespmem:s18+$0x10] =	vst v2;
	v9 =	vshll.u32 v17, $0x10;
	v14 =	vand.u32 $0xFFFF0000, v17;
	v2 =	vld [tilespmem:s22+$0x1A0];
	v6 =	vadd.f32 v10, v6  }
0x140: {  	v10 =	vshll.u32 v8, $0x10;
	v8 =	vand.u32 $0xFFFF0000, v8;
	v15 =	vld [tilespmem:s22+$0x29A0];
	v4 =	vadd.f32 v7, v4  }
0x141: {  	v7 =	vadd.f32 v10, v9;
	v9 =	vshll.u32 v12, $0x10;
	v10 =	vand.u32 $0xFFFF0000, v12  }
0x142: {  	v12 =	vld [tilespmem:s22+$0x110];
	[tilespmem:s17+$0x10300] =	vst v6;
	v6 =	vadd.f32 v8, v14;
	v8 =	vshll.u32 v11, $0x10;
	v11 =	vand.u32 $0xFFFF0000, v11  }
0x143: {  	v14 =	vld [tilespmem:s22+$0x51A0];
	[tilespmem:s25+$0x10300] =	vst v4;
	v4 =	vshll.u32 v13, $0x10;
	v8 =	vadd.f32 v8, v9;
	v9 =	vadd.f32 v11, v10  }
0x144: {  	v11 =	vand.u32 $0xFFFF0000, v13;
	v13 =	vld [tilespmem:s22+$0x5090];
	v7 =	vadd.f32 v4, v7;
	v4 =	vshll.u32 v5, $0x10  }
0x145: {  	v10 =	vld [tilespmem:s22+$0x2910];
	v6 =	vadd.f32 v11, v6;
	v16 =	vshll.u32 v2, $0x10;
	v17 =	vshll.u32 v15, $0x10  }
0x146: {  	v11 =	vld [tilespmem:s22+$0x5110];
	v2 =	vand.u32 $0xFFFF0000, v2;
	v15 =	vand.u32 $0xFFFF0000, v15;
	v4 =	vadd.f32 v4, v0;
	[tilespmem:s12+$0x20] =	vst v7  }
0x147: {  	v7 =	vadd.f32 v17, v16;
	v16 =	vld [tilespmem:s1+$0x28F0];
	[tilespmem:s12+$0x30] =	vst v6;
	v6 =	vshll.u32 v12, $0x10;
	v15 =	vadd.f32 v15, v2  }
0x148: {  	v12 =	vand.u32 $0xFFFF0000, v12;
	v17 =	vshll.u32 v14, $0x10;
	v18 =	vld [tilespmem:s22+$0x20];
	v14 =	vand.u32 $0xFFFF0000, v14  }
0x149: {  	v7 =	vadd.f32 v17, v7;
	v17 =	vld [tilespmem:s22+$0x2820];
	v14 =	vadd.f32 v14, v15;
	v20 =	vshll.u32 v13, $0x10  }
0x14a: {  	v15 =	vld [tilespmem:s22+$0x5020];
	v19 =	vshll.u32 v10, $0x10;
	v10 =	vand.u32 $0xFFFF0000, v10;
	v8 =	vadd.f32 v20, v8  }
0x14b: {  	v2 =	vld [tilespmem:s1+$0x170];
	v19 =	vadd.f32 v19, v6;
	v10 =	vadd.f32 v10, v12;
	[tilespmem:s6+$0x40] =	vst v7  }
0x14c: {  	v6 =	vand.u32 $0xFFFF0000, v13;
	v7 =	vshll.u32 v11, $0x10;
	v11 =	vand.u32 $0xFFFF0000, v11;
	[tilespmem:s6+$0x50] =	vst v14;
	v13 =	vld [tilespmem:s1+$0x2970]  }
0x14d: {  	v9 =	vadd.f32 v6, v9;
	v12 =	vld [tilespmem:s22+$0x1B0];
	v6 =	vand.u32 $0xFFFF0000, v3;
	v14 =	vshll.u32 v18, $0x10  }
0x14e: {  	[tilespmem:s11+$0x20] =	vst v8;
	v7 =	vadd.f32 v7, v19;
	v11 =	vadd.f32 v11, v10;
	v19 =	vld [tilespmem:s22+$0x29B0];
	v18 =	vand.u32 $0xFFFF0000, v18  }
0x14f: {  	v3 =	vld [tilespmem:s1+$0x5070];
	v10 =	vshll.u32 v17, $0x10;
	v17 =	vand.u32 $0xFFFF0000, v17;
	[tilespmem:s11+$0x30] =	vst v9;
	v9 =	vand.u32 $0xFFFF0000, v15  }
0x150: {  	v8 =	vadd.f32 v10, v14;
	v17 =	vadd.f32 v17, v18;
	v18 =	vld [tilespmem:s22+$0x51B0];
	[tilespmem:s18+$0x20] =	vst v7;
	v7 =	vand.u32 $0xFFFF0000, v5  }
0x151: {  	v14 =	vshll.u32 v15, $0x10;
	v15 =	vld [tilespmem:s22+$0xA0];
	v10 =	vshll.u32 v1, $0x10;
	v7 =	vadd.f32 v7, v6  }
0x152: {  	[tilespmem:s18+$0x30] =	vst v11;
	v11 =	vshll.u32 v16, $0x10;
	v5 =	vadd.f32 v14, v8;
	v9 =	vadd.f32 v9, v17;
	v14 =	vld [tilespmem:s22+$0x28A0]  }
0x153: {  	v17 =	vld [tilespmem:s22+$0x120];
	v20 =	vshll.u32 v12, $0x10;
	v8 =	vand.u32 $0xFFFF0000, v1;
	v56 =	vshll.u32 v19, $0x10  }
0x154: {  	v1 =	vld [tilespmem:s22+$0x2920];
	v12 =	vand.u32 $0xFFFF0000, v12;
	v19 =	vand.u32 $0xFFFF0000, v19;
	[tilespmem:s12+$0x40] =	vst v5;
	v5 =	vadd.f32 v56, v20  }
0x155: {  	[tilespmem:s12+$0x50] =	vst v9;
	v20 =	vld [tilespmem:s22+$0x50A0];
	v12 =	vadd.f32 v19, v12;
	v9 =	vand.u32 $0xFFFF0000, v16;
	v57 =	vshll.u32 v18, $0x10  }
0x156: {  	v19 =	vld [tilespmem:s22+$0x5120];
	v16 =	vshll.u32 v15, $0x10;
	v18 =	vand.u32 $0xFFFF0000, v18;
	v5 =	vadd.f32 v57, v5  }
0x157: {  	v58 =	vld [tilespmem:s22+$0x30];
	v15 =	vand.u32 $0xFFFF0000, v15;
	v12 =	vadd.f32 v18, v12;
	v22 =	vshll.u32 v14, $0x10  }
0x158: {  	p1 =	por !p1, !p1;
	s4 =	simm.s32 $0x1;
	v24 =	vld [tilespmem:s22+$0x5030];
	v14 =	vand.u32 $0xFFFF0000, v14;
	v23 =	vshll.u32 v17, $0x10;
	v17 =	vand.u32 $0xFFFF0000, v17;
	[tilespmem:s6+$0x60] =	vst v5  }
0x159: {  	s4 =	simm.s32 @!p1 $0x0;
	s23 =	smov.u32 s13;
	s2 =	sadd.s32 $0x100, s2;
	v18 =	vld [tilespmem:s22+$0x2830];
	v5 =	vadd.f32 v22, v16;
	v16 =	vshll.u32 v1, $0x10;
	v1 =	vand.u32 $0xFFFF0000, v1;
	[tilespmem:s6+$0x70] =	vst v12  }
0x15a: {  	s4 =	sshll.u32 s4, $0x9;
	[dreg:$0x9] =	wrdreg s23;
	s13 =	sor.u32 $0x430, s2;
	v14 =	vadd.f32 v14, v15;
	v12 =	vshll.u32 v20, $0x10;
	v15 =	vadd.f32 v16, v23;
	v16 =	vld [tilespmem:s22+$0x1C0]  }
0x15b: {  	s31 =	sor.u32 $0x400, s2;
	[dreg:$0x3] =	wrdreg s13;
	s14 =	sadd.s32 s4, s0;
	v20 =	vand.u32 $0xFFFF0000, v20;
	v59 =	vshll.u32 v19, $0x10;
	v17 =	vadd.f32 v1, v17;
	v60 =	vld [tilespmem:s22+$0x29C0]  }
0x15c: {  	[dreg:$0x8] =	wrdreg s31;
	s24 =	sor.u32 $0x400, s14;
	v5 =	vadd.f32 v12, v5;
	v12 =	vadd.f32 v20, v14;
	v14 =	vand.u32 $0xFFFF0000, v19  }
0x15d: {  	s16 =	sadd.s32 $0x4, s16;
	s5 =	sor.u32 $0x410, s14;
	[dreg:$0xa] =	wrdreg s24;
	v19 =	vshll.u32 v58, $0x10;
	v21 =	vand.u32 $0xFFFF0000, v58;
	v14 =	vadd.f32 v14, v17;
	v17 =	vld [tilespmem:s22+$0x51C0]  }
0x15e: {  	s13 =	sor.u32 $0x460, s2;
	s23 =	sor.u32 $0x430, s14;
	[dreg:$0xb] =	wrdreg s5;
	v1 =	vld [tilespmem:s1+$0x50F0];
	v15 =	vadd.f32 v59, v15;
	v20 =	vshll.u32 v18, $0x10;
	v18 =	vand.u32 $0xFFFF0000, v18;
	[tilespmem:s11+$0x40] =	vst v5  }
0x15f: {  	s4 =	sor.u32 $0x410, s2;
	[dreg:$0x5] =	wrdreg s23;
	s23 =	sor.u32 $0x470, s2;
	v5 =	vld [tilespmem:s1+$0x5170];
	v19 =	vadd.f32 v20, v19;
	v20 =	vshll.u32 v24, $0x10;
	v18 =	vadd.f32 v18, v21;
	[tilespmem:s11+$0x50] =	vst v12  }
0x160: {  	s5 =	sor.u32 $0x450, s2;
	s31 =	smov.u32 s23;
	s23 =	sand.u32 $0x7, s16;
	v12 =	vand.u32 $0xFFFF0000, v24;
	v61 =	vld [tilespmem:s22+$0xB0];
	[tilespmem:s18+$0x40] =	vst v15;
	v15 =	vshll.u32 v16, $0x10;
	v62 =	vshll.u32 v60, $0x10  }
0x161: {  	s20 =	sor.u32 $0x420, s14;
	s25 =	smov.u32 s5;
	s5 =	sshll.u32 s23, $0x7;
	v63 =	vld [tilespmem:s22+$0x28B0];
	[tilespmem:s18+$0x50] =	vst v14;
	v14 =	vadd.f32 v62, v15;
	v15 =	vand.u32 $0xFFFF0000, v16;
	v16 =	vand.u32 $0xFFFF0000, v60  }
0x162: {  	s24 =	sor.u32 $0x460, s14;
	s7 =	sor.u32 $0x420, s2;
	s5 =	sadd.s32 s0, s5;
	v19 =	vadd.f32 v20, v19;
	v20 =	vld [tilespmem:s22+$0x130];
	v27 =	vshll.u32 v17, $0x10;
	v15 =	vadd.f32 v16, v15  }
0x163: {  	[dreg:$0x7] =	wrdreg s20;
	s20 =	sor.u32 $0x440, s2;
	s23 =	sadd.s32 $0x180, s5;
	v16 =	vadd.f32 v12, v18;
	v18 =	vld [tilespmem:s22+$0x2930];
	v12 =	vadd.f32 v27, v14;
	v14 =	vand.u32 $0xFFFF0000, v17  }
0x164: {  	s2 =	smov.u32 s9;
	[dreg:$0xc] =	wrdreg s31;
	s31 =	sor.u32 $0x400, s23;
	v6 =	vadd.f32 v11, v10;
	[tilespmem:s12+$0x60] =	vst v19;
	v17 =	vld [tilespmem:s22+$0x50B0];
	v19 =	vadd.f32 v14, v15  }
0x165: {  	s9 =	smov.u32 s24;
	s24 =	smov.u32 s21;
	s21 =	sor.u32 $0x410, s23;
	v8 =	vadd.f32 v9, v8;
	v14 =	vshll.u32 v2, $0x10;
	v28 =	vshll.u32 v61, $0x10;
	[tilespmem:s31+$0x10300] =	vst v12  }
0x166: {  	v29 =	vld [tilespmem:s22+$0x5130];
	v21 =	vand.u32 $0xFFFF0000, v61;
	v24 =	vand.u32 $0xFFFF0000, v63;
	v12 =	vand.u32 $0xFFFF0000, v2;
	[tilespmem:s21+$0x10300] =	vst v19  }
0x167: {  	[tilespmem:s12+$0x70] =	vst v16;
	v2 =	vshll.u32 v63, $0x10;
	v16 =	vshll.u32 v20, $0x10;
	v19 =	vand.u32 $0xFFFF0000, v20;
	v20 =	vld [tilespmem:s22+$0x1D0]  }
0x168: {  	v21 =	vadd.f32 v24, v21;
	v2 =	vadd.f32 v2, v28;
	v31 =	vld [tilespmem:s22+$0x29D0]  }
0x169: {  	v27 =	vld [tilespmem:s22+$0x2840];
	v30 =	vshll.u32 v18, $0x10;
	v18 =	vand.u32 $0xFFFF0000, v18;
	v26 =	vshll.u32 v17, $0x10  }
0x16a: {  	v33 =	vld [tilespmem:s22+$0x51D0];
	v16 =	vadd.f32 v30, v16;
	v17 =	vand.u32 $0xFFFF0000, v17;
	v26 =	vadd.f32 v26, v2  }
0x16b: {  	v25 =	vld [tilespmem:s22+$0x40];
	v18 =	vadd.f32 v18, v19;
	v19 =	vshll.u32 v29, $0x10;
	v17 =	vadd.f32 v17, v21  }
0x16c: {  	v15 =	vshll.u32 v13, $0x10;
	v32 =	vand.u32 $0xFFFF0000, v29;
	v16 =	vadd.f32 v19, v16;
	[tilespmem:s11+$0x60] =	vst v26  }
0x16d: {  	v34 =	vld [tilespmem:s22+$0x5040];
	v18 =	vadd.f32 v32, v18;
	[tilespmem:s11+$0x70] =	vst v17;
	v19 =	vshll.u32 v20, $0x10;
	v35 =	vshll.u32 v31, $0x10  }
0x16e: {  	v17 =	vand.u32 $0xFFFF0000, v20;
	v36 =	vld [tilespmem:s22+$0xC0];
	v0 =	vadd.f32 v35, v19;
	v19 =	vand.u32 $0xFFFF0000, v31  }
0x16f: {  	v38 =	vand.u32 $0xFFFF0000, v27;
	[tilespmem:s18+$0x60] =	vst v16;
	v16 =	vshll.u32 v33, $0x10;
	v40 =	vld [tilespmem:s22+$0x50C0];
	v17 =	vadd.f32 v19, v17  }
0x170: {  	v20 =	vshll.u32 v25, $0x10;
	v37 =	vld [tilespmem:s22+$0x28C0];
	[tilespmem:s18+$0x70] =	vst v18;
	v0 =	vadd.f32 v16, v0;
	v16 =	vand.u32 $0xFFFF0000, v33  }
0x171: {  	s12 =	sor.u32 $0x420, s23;
	v18 =	vand.u32 $0xFFFF0000, v25;
	v39 =	vld [tilespmem:s22+$0x140];
	v19 =	vshll.u32 v27, $0x10;
	v16 =	vadd.f32 v16, v17  }
0x172: {  	v13 =	vand.u32 $0xFFFF0000, v13;
	s18 =	sor.u32 $0x430, s23;
	v18 =	vadd.f32 v38, v18;
	v17 =	vadd.f32 v19, v20;
	v20 =	vld [tilespmem:s22+$0x2940];
	[tilespmem:s12+$0x10300] =	vst v0  }
0x173: {  	v19 =	vshll.u32 v34, $0x10;
	v0 =	vand.u32 $0xFFFF0000, v34;
	v11 =	vshll.u32 v36, $0x10;
	[tilespmem:s18+$0x10300] =	vst v16  }
0x174: {  	v44 =	vshll.u32 v40, $0x10;
	v21 =	vand.u32 $0xFFFF0000, v40;
	v10 =	vadd.f32 v19, v17;
	v17 =	vld [tilespmem:s22+$0x1E0]  }
0x175: {  	s12 =	rddreg [dreg:$0xa];
	v16 =	vand.u32 $0xFFFF0000, v36;
	v0 =	vadd.f32 v0, v18;
	v18 =	vshll.u32 v37, $0x10;
	v41 =	vld [tilespmem:s22+$0x29E0]  }
0x176: {  	s28 =	smov.u32 s10;
	s3 =	sor.u32 $0x440, s14;
	v19 =	vand.u32 $0xFFFF0000, v37;
	s18 =	rddreg [dreg:$0xb];
	[tilespmem:s12+$0x10300] =	vst v10;
	v10 =	vadd.f32 v18, v11;
	v11 =	vld [tilespmem:s22+$0x5140];
	v18 =	vshll.u32 v39, $0x10  }
0x177: {  	[dreg:$0x6] =	wrdreg s4;
	s4 =	sor.u32 $0x450, s14;
	s14 =	sor.u32 $0x470, s14;
	[tilespmem:s18+$0x10300] =	vst v0;
	v0 =	vadd.f32 v19, v16;
	v16 =	vshll.u32 v20, $0x10;
	v19 =	vand.u32 $0xFFFF0000, v20;
	v20 =	vld [tilespmem:s22+$0x51E0]  }
0x178: {  	s10 =	smov.u32 s14;
	s14 =	smov.u32 s8;
	s8 =	sadd.s32 $0x80, s5;
	v42 =	vand.u32 $0xFFFF0000, v39;
	v16 =	vadd.f32 v16, v18;
	v10 =	vadd.f32 v44, v10  }
0x179: {  	s17 =	smov.u32 s20;
	s20 =	sor.u32 $0x400, s8;
	v2 =	vshll.u32 v3, $0x10;
	v43 =	vld [tilespmem:s22+$0x50];
	v18 =	vadd.f32 v19, v42;
	v0 =	vadd.f32 v21, v0  }
0x17a: {  	[dreg:$0x4] =	wrdreg s7;
	s7 =	smov.u32 s29;
	s29 =	sor.u32 $0x410, s8;
	v19 =	vld [tilespmem:s22+$0x2850];
	v45 =	vshll.u32 v17, $0x10;
	v46 =	vshll.u32 v41, $0x10;
	[tilespmem:s20+$0x10300] =	vst v10;
	v17 =	vand.u32 $0xFFFF0000, v17  }
0x17b: {  	v9 =	vld [tilespmem:s22+$0x5050];
	v47 =	vand.u32 $0xFFFF0000, v41;
	v10 =	vadd.f32 v46, v45;
	[tilespmem:s29+$0x10300] =	vst v0;
	v0 =	vshll.u32 v11, $0x10  }
0x17c: {  	v17 =	vadd.f32 v47, v17;
	v11 =	vand.u32 $0xFFFF0000, v11;
	v48 =	vshll.u32 v20, $0x10;
	v49 =	vld [tilespmem:s22+$0xD0]  }
0x17d: {  	v20 =	vand.u32 $0xFFFF0000, v20;
	v51 =	vld [tilespmem:s22+$0x28D0];
	v0 =	vadd.f32 v0, v16;
	v10 =	vadd.f32 v48, v10  }
0x17e: {  	v3 =	vand.u32 $0xFFFF0000, v3;
	s12 =	sor.u32 $0x440, s23;
	v52 =	vld [tilespmem:s22+$0x50D0];
	v11 =	vadd.f32 v11, v18;
	v16 =	vadd.f32 v20, v17  }
0x17f: {  	s18 =	sor.u32 $0x450, s23;
	v50 =	vshll.u32 v43, $0x10;
	v17 =	vshll.u32 v19, $0x10;
	v20 =	vand.u32 $0xFFFF0000, v43;
	[tilespmem:s12+$0x10300] =	vst v10  }
0x180: {  	v18 =	vand.u32 $0xFFFF0000, v19;
	v10 =	vadd.f32 v17, v50;
	v17 =	vshll.u32 v9, $0x10;
	s12 =	rddreg [dreg:$0x8];
	[tilespmem:s18+$0x10300] =	vst v16  }
0x181: {  	v16 =	vadd.f32 v18, v20;
	v18 =	vand.u32 $0xFFFF0000, v9;
	[tilespmem:s12+$0x10300] =	vst v0;
	v9 =	vadd.f32 v15, v14;
	s18 =	rddreg [dreg:$0x6];
	v0 =	vld [tilespmem:s22+$0x1F0]  }
0x182: {  	v10 =	vadd.f32 v17, v10;
	v14 =	vshll.u32 v49, $0x10;
	v15 =	vand.u32 $0xFFFF0000, v49;
	[tilespmem:s18+$0x10300] =	vst v11;
	v17 =	vld [tilespmem:s22+$0x29F0]  }
0x183: {  	v20 =	vand.u32 $0xFFFF0000, v52;
	v11 =	vadd.f32 v18, v16;
	v16 =	vshll.u32 v51, $0x10;
	v19 =	vld [tilespmem:s22+$0x150]  }
0x184: {  	s12 =	rddreg [dreg:$0x7];
	v18 =	vand.u32 $0xFFFF0000, v51;
	v53 =	vld [tilespmem:s22+$0x2950];
	v14 =	vadd.f32 v16, v14;
	v16 =	vshll.u32 v52, $0x10  }
0x185: {  	s18 =	rddreg [dreg:$0x5];
	[tilespmem:s12+$0x10300] =	vst v10;
	v15 =	vadd.f32 v18, v15;
	v18 =	vld [tilespmem:s22+$0x51F0];
	v10 =	vadd.f32 v13, v12;
	v12 =	vand.u32 $0xFFFF0000, v1  }
0x186: {  	v13 =	vshll.u32 v5, $0x10;
	[tilespmem:s18+$0x10300] =	vst v11;
	v11 =	vshll.u32 v1, $0x10;
	v14 =	vadd.f32 v16, v14;
	v16 =	vld [tilespmem:s22+$0x5150]  }
0x187: {  	s5 =	sor.u32 $0x420, s8;
	v15 =	vadd.f32 v20, v15;
	v20 =	vld [tilespmem:s22+$0x60];
	v1 =	vshll.u32 v0, $0x10;
	v54 =	vshll.u32 v17, $0x10  }
0x188: {  	s31 =	sor.u32 $0x430, s8;
	v55 =	vld [tilespmem:s22+$0x2860];
	v0 =	vand.u32 $0xFFFF0000, v0;
	v17 =	vand.u32 $0xFFFF0000, v17;
	[tilespmem:s5+$0x10300] =	vst v14;
	v14 =	vadd.f32 v54, v1  }
0x189: {  	v1 =	vld [tilespmem:s22+$0x5060];
	v0 =	vadd.f32 v17, v0;
	v57 =	vshll.u32 v53, $0x10;
	v21 =	vand.u32 $0xFFFF0000, v53;
	[tilespmem:s31+$0x10300] =	vst v15  }
0x18a: {  	v15 =	vshll.u32 v19, $0x10;
	v56 =	vshll.u32 v18, $0x10;
	v18 =	vand.u32 $0xFFFF0000, v18;
	v17 =	vld [tilespmem:s22+$0xE0]  }
0x18b: {  	s26 =	sadd.s32 $0x4, s26;
	v19 =	vand.u32 $0xFFFF0000, v19;
	v14 =	vadd.f32 v56, v14;
	v58 =	vld [tilespmem:s22+$0x28E0];
	v18 =	vadd.f32 v18, v0  }
0x18c: {  	p2 =	slt.u32 s26, $0x4C;
	s12 =	sor.u32 $0x460, s23;
	v15 =	vadd.f32 v57, v15;
	v19 =	vadd.f32 v21, v19;
	v59 =	vshll.u32 v16, $0x10  }
.Ltmp5:
0x18d: {  	s18 =	sor.u32 $0x470, s23;
	v60 =	vshll.u32 v20, $0x10;
	v61 =	vshll.u32 v55, $0x10;
	v23 =	vand.u32 $0xFFFF0000, v55;
	[tilespmem:s12+$0x10300] =	vst v14;
	(pc) =	sbr.rel @p2 .LBB2_4-.Ltmp5, $4  }
0x18e: {  	s20 =	rddreg [dreg:$0x9];
	v14 =	vand.u32 $0xFFFF0000, v16;
	v16 =	vand.u32 $0xFFFF0000, v20;
	[tilespmem:s18+$0x10300] =	vst v18;
	v18 =	vadd.f32 v59, v15  }
0x18f: {  	s30 =	sor.u32 $0x440, s8;
	s6 =	sor.u32 $0x450, s8;
	s23 =	rddreg [dreg:$0x4];
	v20 =	vadd.f32 v14, v19;
	v15 =	vadd.f32 v61, v60;
	v19 =	vshll.u32 v1, $0x10  }
0x190: {  	s1 =	smov.u32 s22;
	s21 =	sor.u32 $0x460, s8;
	s31 =	rddreg [dreg:$0x3];
	v62 =	vshll.u32 v17, $0x10;
	v14 =	vand.u32 $0xFFFF0000, v17;
	v63 =	vshll.u32 v58, $0x10;
	[tilespmem:s23+$0x10300] =	vst v18  }
0x191: {  	s8 =	sor.u32 $0x470, s8;
	s29 =	rddreg [dreg:$0xc];
	v0 =	vld [tilespmem:s22+$0x50E0];
	s22 =	sadd.s32 $0x200, s22;
	v17 =	vand.u32 $0xFFFF0000, v58;
	v18 =	vadd.f32 v23, v16;
	v16 =	vadd.f32 v63, v62;
	[tilespmem:s31+$0x10300] =	vst v20  }
0x192: {  	v20 =	vld [tilespmem:s1+$0x160]  }
0x193: {  	v21 =	vld [tilespmem:s1+$0x2960]  }
0x194: {  	v1 =	vand.u32 $0xFFFF0000, v1;
	v15 =	vadd.f32 v19, v15  }
0x195: {  	v22 =	vld [tilespmem:s1+$0x5160];
	v1 =	vadd.f32 v1, v18  }
0x196: {  	[tilespmem:s3+$0x10300] =	vst v15;
	v28 =	vshll.u32 v0, $0x10  }
0x197: {  	v14 =	vadd.f32 v17, v14;
	[tilespmem:s4+$0x10300] =	vst v1;
	v29 =	vand.u32 $0xFFFF0000, v0;
	v16 =	vadd.f32 v28, v16  }
0x198: {  	v36 =	vld [tilespmem:s1+$0x70];
	v30 =	vshll.u32 v20, $0x10;
	v31 =	vshll.u32 v21, $0x10;
	v32 =	vand.u32 $0xFFFF0000, v20  }
0x199: {  	v38 =	vld [tilespmem:s1+$0x2870];
	v33 =	vand.u32 $0xFFFF0000, v21;
	v0 =	vadd.f32 v29, v14;
	v17 =	vadd.f32 v31, v30  }
0x19a: {  	v34 =	vshll.u32 v22, $0x10;
	v35 =	vadd.f32 v33, v32;
	[tilespmem:s30+$0x10300] =	vst v16  }
0x19b: {  	v44 =	vld [tilespmem:s1+$0x5070];
	v37 =	vand.u32 $0xFFFF0000, v22;
	v1 =	vadd.f32 v34, v17;
	[tilespmem:s6+$0x10300] =	vst v0  }
0x19c: {  	v2 =	vadd.f32 v2, v4;
	v14 =	vadd.f32 v37, v35;
	v39 =	vld [tilespmem:s1+$0xF0]  }
0x19d: {  	v3 =	vadd.f32 v3, v7;
	v5 =	vand.u32 $0xFFFF0000, v5;
	v6 =	vadd.f32 v11, v6;
	v40 =	vld [tilespmem:s1+$0x28F0];
	[tilespmem:s17+$0x10300] =	vst v1  }
0x19e: {  	v9 =	vadd.f32 v13, v9;
	v45 =	vshll.u32 v36, $0x10;
	v46 =	vshll.u32 v38, $0x10;
	v50 =	vld [tilespmem:s1+$0x50F0];
	[tilespmem:s25+$0x10300] =	vst v14  }
0x19f: {  	[tilespmem:s2+$0x10300] =	vst v2;
	v47 =	vand.u32 $0xFFFF0000, v36;
	v0 =	vand.u32 $0xFFFF0000, v38;
	v11 =	vadd.f32 v46, v45;
	v41 =	vld [tilespmem:s1+$0x170]  }
0x1a0: {  	v42 =	vadd.f32 v12, v8;
	[tilespmem:s24+$0x10300] =	vst v6;
	v56 =	vshll.u32 v44, $0x10;
	v0 =	vadd.f32 v0, v47;
	v43 =	vld [tilespmem:s1+$0x2970]  }
0x1a1: {  	v5 =	vadd.f32 v5, v10;
	[tilespmem:s20+$0x10300] =	vst v9;
	v57 =	vand.u32 $0xFFFF0000, v44;
	v8 =	vadd.f32 v56, v11  }
0x1a2: {  	[tilespmem:s28+$0x10300] =	vst v3;
	v53 =	vld [tilespmem:s1+$0x5170];
	v0 =	vadd.f32 v57, v0;
	v48 =	vshll.u32 v39, $0x10;
	v49 =	vshll.u32 v40, $0x10  }
0x1a3: {  	[tilespmem:s14+$0x10300] =	vst v42;
	v51 =	vand.u32 $0xFFFF0000, v39;
	v1 =	vand.u32 $0xFFFF0000, v40;
	v2 =	vadd.f32 v49, v48  }
0x1a4: {  	[tilespmem:s7+$0x10300] =	vst v5;
	v58 =	vshll.u32 v50, $0x10;
	v60 =	vand.u32 $0xFFFF0000, v50;
	v1 =	vadd.f32 v1, v51  }
0x1a5: {  	[tilespmem:s9+$0x10300] =	vst v8;
	v52 =	vshll.u32 v41, $0x10;
	v54 =	vshll.u32 v43, $0x10;
	v2 =	vadd.f32 v58, v2  }
0x1a6: {  	[tilespmem:s10+$0x10300] =	vst v0;
	v4 =	vand.u32 $0xFFFF0000, v41;
	v55 =	vand.u32 $0xFFFF0000, v43;
	v59 =	vadd.f32 v54, v52  }
0x1a7: {  	v62 =	vshll.u32 v53, $0x10;
	v1 =	vadd.f32 v60, v1;
	v61 =	vadd.f32 v55, v4;
	[tilespmem:s21+$0x10300] =	vst v2  }
0x1a8: {  	v63 =	vand.u32 $0xFFFF0000, v53;
	v4 =	vadd.f32 v62, v59;
	s21 =	rddreg [dreg:$0xd]  }
0x1a9: {  	s2 =	rddreg [dreg:$0x1a];
	v0 =	vadd.f32 v63, v61;
	[tilespmem:s8+$0x10300] =	vst v1  }
0x1aa: {  	[tilespmem:s13+$0x10300] =	vst v4  }
0x1ab: {  	s20 =	rddreg [dreg:$0x1];
	[tilespmem:s29+$0x10300] =	vst v0  }
0x1ac: {  	s23 =	rddreg [dreg:$0xe]  }
0x1ad: {  	s24 =	rddreg [dreg:$0xf]  }
0x1ae: {  	s25 =	rddreg [dreg:$0x11]  }
0x1af: {  	s0 =	sadd.s32 s21, s2;
	s26 =	rddreg [dreg:$0x14]  }
0x1b0: {  	s0 =	smul.u32 $0xA00, s0;
	s28 =	rddreg [dreg:$0x15]  }
0x1b1: {  	s22 =	simm.s32 $0x0;
	s29 =	rddreg [dreg:$0x18]  }
0x1b2: {  	s31 =	simm.s32 $0x10300;
	s0 =	sadd.s32 s20, s0;
	s30 =	rddreg [dreg:$0x19]  }
0x1b3: {  	[hbm4b:s0+s22] =	stream.linear.scatter [tilespmem:s31], [sflag:$0x3], $0x5000, $0x38;
	[tilespmem:$0x1A300] =	vst v63  }
.LBB2_6:
.Ltmp6:
0x1b4: {  	(pc) =	sbr.rel @p0 .LBB2_10-.Ltmp6, $1  }
0x1b5: {  	_ =	sdelay $0x3  }
0x1b6: {  	s0 =	sadd.s32 $0x2, s2  }
0x1b7: {  	p0 =	sge.u32 s0, s24  }
0x1b8: {  	s0 =	smul.u32 @!p0 $0x50, s0;
	_ =	sdelay $0x1  }
0x1b9: {  	s2 =	simm.s32 @!p0 $0x50;
	s3 =	simm.s32 @!p0 $0x1300;
	s1 =	sadd.s32 @!p0 s0, s25  }
0x1ba: {  	[tilespmem:s3], [sflag:$0x1] =	stream.indirect.gather @!p0 [hbm4b:s23+s2], $0x80, s1, s2, $0xb8;
	[tilespmem:$0x1A300] =	vst v63  }
0x1bb: {  	s1 =	sadd.s32 @!p0 s0, s26;
	s3 =	simm.s32 @!p0 $0x3B00  }
0x1bc: {  	[tilespmem:s3], [sflag:$0x1] =	stream.indirect.gather @!p0 [hbm4b:s23+s2], $0x80, s1, s2, $0xb8;
	[tilespmem:$0x1A300] =	vst v63  }
0x1bd: {  	s12 =	simm.s32 $0x2;
	s0 =	sadd.s32 @!p0 s0, s28;
	s1 =	simm.s32 @!p0 $0x6300  }
0x1be: {  	[tilespmem:s1], [sflag:$0x1] =	stream.indirect.gather @!p0 [hbm4b:s23+s2], $0x80, s0, s2, $0xb8;
	[tilespmem:$0x1A300] =	vst v63  }
0x1bf: {  	_ =	swait.ge [sflag:s12], $0x2800  }
0x1c0: {  	[sflag:s12] =	ssyncset.done $0x0  }
0x1c1: {  	[sflag:s12] =	ssyncadd.s32 $0xFFFFD800  }
0x1c2: {  	_ =	swait.ge [sflag:s12], $0x2800  }
0x1c3: {  	[sflag:s12] =	ssyncset.done $0x0  }
0x1c4: {  	[sflag:s12] =	ssyncadd.s32 $0xFFFFD800  }
0x1c5: {  	_ =	swait.ge [sflag:s12], $0x2800  }
0x1c6: {  	p0 =	seq.s32 s29, $0x0;
	[sflag:s12] =	ssyncset.done $0x0  }
0x1c7: {  	s0 =	simm.s32 @!p0 $0x4;
	[sflag:s12] =	ssyncadd.s32 $0xFFFFD800  }
0x1c8: {  	_ =	swait.ge @!p0 [sflag:s0], $0x5000  }
0x1c9: {  	[sflag:s0] =	ssyncset.done @!p0 $0x0  }
0x1ca: {  	s19 =	simm.s32 $0xDCF0;
	[sflag:s0] =	ssyncadd.s32 @!p0 $0xFFFFB000  }
0x1cb: {  	v0 =	vld [tilespmem:s19+$0xFFFFAF90]  }
0x1cc: {  	v1 =	vld [tilespmem:s19+$0xFFFFD790];
	_ =	sdelay $0x1  }
0x1cd: {  	v2 =	vld [tilespmem:s19+$0xFFFFFF90];
	_ =	sdelay $0x2  }
0x1ce: {  	v3 =	vshll.u32 v0, $0x10;
	v4 =	vshll.u32 v1, $0x10  }
0x1cf: {  	s13 =	simm.s32 $0x0;
	v5 =	vld [tilespmem:s19+$0xFFFFAE10];
	v0 =	vand.u32 $0xFFFF0000, v0;
	v1 =	vand.u32 $0xFFFF0000, v1;
	v3 =	vadd.f32 v4, v3  }
0x1d0: {  	s14 =	simm.s32 $0x180;
	s15 =	sand.u32 $0x7800, s13;
	v6 =	vshll.u32 v2, $0x10;
	v4 =	vld [tilespmem:s19+$0xFFFFD610];
	v0 =	vadd.f32 v1, v0  }
0x1d1: {  	s7 =	sadd.s32 $0x15300, s15;
	s2 =	sand.u32 $0x380, s14;
	v2 =	vand.u32 $0xFFFF0000, v2;
	v1 =	vld [tilespmem:s19+$0xFFFFAE90];
	v3 =	vadd.f32 v6, v3  }
0x1d2: {  	s8 =	sadd.s32 s2, s7;
	v6 =	vld [tilespmem:s19+$0xFFFFD690];
	v0 =	vadd.f32 v2, v0  }
0x1d3: {  	v2 =	vld [tilespmem:s19+$0xFFFFAF10];
	[tilespmem:s8+$0x0] =	vst v3  }
0x1d4: {  	v3 =	vld [tilespmem:s19+$0xFFFFFE10];
	[tilespmem:s8+$0x10] =	vst v0  }
0x1d5: {  	v0 =	vld [tilespmem:s19+$0xFFFFAFA0]  }
0x1d6: {  	v7 =	vshll.u32 v5, $0x10;
	v5 =	vand.u32 $0xFFFF0000, v5;
	v9 =	vld [tilespmem:s19+$0xFFFFD7A0]  }
0x1d7: {  	v8 =	vshll.u32 v4, $0x10;
	v4 =	vand.u32 $0xFFFF0000, v4;
	v10 =	vshll.u32 v1, $0x10  }
0x1d8: {  	v1 =	vand.u32 $0xFFFF0000, v1;
	v7 =	vadd.f32 v8, v7;
	v8 =	vld [tilespmem:s19+$0xFFFFFFA0];
	v4 =	vadd.f32 v4, v5  }
0x1d9: {  	s16 =	simm.s32 $0x0;
	v11 =	vshll.u32 v6, $0x10;
	v6 =	vand.u32 $0xFFFF0000, v6;
	v12 =	vshll.u32 v3, $0x10  }
0x1da: {  	s0 =	sand.u32 $0x200, s16;
	v5 =	vld [tilespmem:s19+$0xFFFFFE90];
	v13 =	vshll.u32 v2, $0x10;
	v3 =	vand.u32 $0xFFFF0000, v3;
	v7 =	vadd.f32 v12, v7  }
0x1db: {  	s5 =	sadd.s32 s0, s7;
	v12 =	vld [tilespmem:s19+$0xFFFFD710];
	v3 =	vadd.f32 v3, v4;
	v4 =	vshll.u32 v0, $0x10;
	v14 =	vshll.u32 v9, $0x10  }
0x1dc: {  	v0 =	vand.u32 $0xFFFF0000, v0;
	v4 =	vadd.f32 v14, v4;
	[tilespmem:s5+$0x0] =	vst v7;
	v7 =	vand.u32 $0xFFFF0000, v9  }
0x1dd: {  	v1 =	vadd.f32 v6, v1;
	v9 =	vld [tilespmem:s19+$0xFFFFFF10];
	[tilespmem:s5+$0x10] =	vst v3;
	v3 =	vshll.u32 v8, $0x10;
	v0 =	vadd.f32 v7, v0  }
0x1de: {  	v7 =	vadd.f32 v11, v10;
	v10 =	vld [tilespmem:s19+$0xFFFFAE20];
	v3 =	vadd.f32 v3, v4;
	v4 =	vand.u32 $0xFFFF0000, v8  }
0x1df: {  	s17 =	simm.s32 $0x80;
	v6 =	vshll.u32 v5, $0x10;
	v5 =	vand.u32 $0xFFFF0000, v5;
	v8 =	vld [tilespmem:s19+$0xFFFFD620];
	v0 =	vadd.f32 v4, v0  }
0x1e0: {  	s3 =	sand.u32 $0x280, s17;
	v2 =	vand.u32 $0xFFFF0000, v2;
	v1 =	vadd.f32 v5, v1;
	v4 =	vshll.u32 v12, $0x10;
	[tilespmem:s8+$0x20] =	vst v3  }
0x1e1: {  	s6 =	sadd.s32 s3, s7;
	v5 =	vld [tilespmem:s19+$0xFFFFFE20];
	v6 =	vadd.f32 v6, v7;
	v3 =	vand.u32 $0xFFFF0000, v12;
	v4 =	vadd.f32 v4, v13;
	[tilespmem:s8+$0x30] =	vst v0  }
0x1e2: {  	[tilespmem:s6+$0x10] =	vst v1;
	v0 =	vadd.f32 v3, v2;
	v2 =	vshll.u32 v9, $0x10;
	v3 =	vld [tilespmem:s19+$0xFFFFAFB0]  }
0x1e3: {  	s4 =	simm.s32 $0x100;
	[tilespmem:s6+$0x0] =	vst v6;
	v6 =	vand.u32 $0xFFFF0000, v9;
	v2 =	vadd.f32 v2, v4;
	v1 =	vld [tilespmem:s19+$0xFFFFD7B0]  }
0x1e4: {  	s4 =	sand.u32 $0x300, s4;
	v4 =	vld [tilespmem:s19+$0xFFFFAEA0];
	v7 =	vshll.u32 v8, $0x10;
	v0 =	vadd.f32 v6, v0;
	v6 =	vshll.u32 v10, $0x10  }
0x1e5: {  	s7 =	sadd.s32 s4, s7;
	v9 =	vand.u32 $0xFFFF0000, v10;
	v8 =	vand.u32 $0xFFFF0000, v8;
	v6 =	vadd.f32 v7, v6;
	v7 =	vld [tilespmem:s19+$0xFFFFFFB0]  }
0x1e6: {  	[tilespmem:s7+$0x0] =	vst v2;
	v2 =	vadd.f32 v8, v9;
	v8 =	vshll.u32 v5, $0x10  }
0x1e7: {  	v9 =	vld [tilespmem:s19+$0xFFFFD6A0];
	v5 =	vand.u32 $0xFFFF0000, v5;
	[tilespmem:s7+$0x10] =	vst v0;
	v0 =	vadd.f32 v8, v6  }
0x1e8: {  	v6 =	vld [tilespmem:s19+$0xFFFFAF20];
	v2 =	vadd.f32 v5, v2;
	v5 =	vshll.u32 v3, $0x10;
	v8 =	vshll.u32 v1, $0x10  }
0x1e9: {  	v10 =	vld [tilespmem:s19+$0xFFFFD720];
	v3 =	vand.u32 $0xFFFF0000, v3;
	v1 =	vand.u32 $0xFFFF0000, v1;
	v5 =	vadd.f32 v8, v5  }
0x1ea: {  	v11 =	vld [tilespmem:s19+$0xFFFFFEA0];
	v8 =	vshll.u32 v4, $0x10;
	[tilespmem:s5+$0x20] =	vst v0;
	v1 =	vadd.f32 v1, v3;
	v0 =	vshll.u32 v7, $0x10  }
0x1eb: {  	v3 =	vand.u32 $0xFFFF0000, v4;
	v4 =	vld [tilespmem:s19+$0xFFFFFF20];
	[tilespmem:s5+$0x30] =	vst v2;
	v2 =	vand.u32 $0xFFFF0000, v7;
	v0 =	vadd.f32 v0, v5  }
0x1ec: {  	v7 =	vand.u32 $0xFFFF0000, v9;
	v5 =	vshll.u32 v9, $0x10;
	v9 =	vld [tilespmem:s19+$0xFFFFAE30];
	v1 =	vadd.f32 v2, v1  }
0x1ed: {  	v3 =	vadd.f32 v7, v3;
	v7 =	vld [tilespmem:s19+$0xFFFFD630];
	v2 =	vadd.f32 v5, v8;
	v5 =	vshll.u32 v6, $0x10;
	[tilespmem:s8+$0x40] =	vst v0  }
0x1ee: {  	v6 =	vand.u32 $0xFFFF0000, v6;
	v8 =	vand.u32 $0xFFFF0000, v10;
	v0 =	vshll.u32 v10, $0x10;
	v10 =	vld [tilespmem:s19+$0xFFFFFE30];
	[tilespmem:s8+$0x50] =	vst v1  }
0x1ef: {  	v1 =	vshll.u32 v11, $0x10;
	v0 =	vadd.f32 v0, v5;
	v5 =	vadd.f32 v8, v6;
	v6 =	vld [tilespmem:s19+$0xFFFFAFC0]  }
0x1f0: {  	v8 =	vand.u32 $0xFFFF0000, v11;
	v11 =	vshll.u32 v4, $0x10;
	v1 =	vadd.f32 v1, v2;
	v2 =	vld [tilespmem:s19+$0xFFFFD7C0]  }
0x1f1: {  	v4 =	vand.u32 $0xFFFF0000, v4;
	v3 =	vadd.f32 v8, v3;
	v8 =	vshll.u32 v9, $0x10  }
0x1f2: {  	v0 =	vadd.f32 v11, v0;
	v4 =	vadd.f32 v4, v5;
	v5 =	vshll.u32 v7, $0x10;
	[tilespmem:s6+$0x20] =	vst v1;
	v1 =	vld [tilespmem:s19+$0xFFFFFFC0]  }
0x1f3: {  	v9 =	vand.u32 $0xFFFF0000, v9;
	v7 =	vand.u32 $0xFFFF0000, v7;
	v5 =	vadd.f32 v5, v8;
	[tilespmem:s6+$0x30] =	vst v3  }
0x1f4: {  	v7 =	vadd.f32 v7, v9;
	v3 =	vshll.u32 v10, $0x10;
	v8 =	vand.u32 $0xFFFF0000, v10;
	v9 =	vld [tilespmem:s19+$0xFFFFAEB0];
	[tilespmem:s7+$0x20] =	vst v0  }
0x1f5: {  	[tilespmem:s7+$0x30] =	vst v4;
	v0 =	vadd.f32 v3, v5;
	v3 =	vld [tilespmem:s19+$0xFFFFD6B0];
	v4 =	vshll.u32 v6, $0x10;
	v5 =	vshll.u32 v2, $0x10  }
0x1f6: {  	v10 =	vld [tilespmem:s19+$0xFFFFAF30];
	v2 =	vand.u32 $0xFFFF0000, v2;
	v4 =	vadd.f32 v5, v4;
	v5 =	vand.u32 $0xFFFF0000, v6  }
0x1f7: {  	v6 =	vadd.f32 v8, v7;
	v7 =	vld [tilespmem:s19+$0xFFFFD730];
	v8 =	vshll.u32 v1, $0x10;
	v2 =	vadd.f32 v2, v5  }
0x1f8: {  	[tilespmem:s5+$0x40] =	vst v0;
	v0 =	vld [tilespmem:s19+$0xFFFFFEB0];
	v1 =	vand.u32 $0xFFFF0000, v1;
	v4 =	vadd.f32 v8, v4  }
0x1f9: {  	v5 =	vld [tilespmem:s19+$0xFFFFFF30];
	[tilespmem:s5+$0x50] =	vst v6;
	v1 =	vadd.f32 v1, v2  }
0x1fa: {  	v2 =	vshll.u32 v9, $0x10;
	v6 =	vld [tilespmem:s19+$0xFFFFAE40];
	[tilespmem:s8+$0x60] =	vst v4  }
0x1fb: {  	v8 =	vand.u32 $0xFFFF0000, v9;
	v9 =	vld [tilespmem:s19+$0xFFFFD640];
	v4 =	vshll.u32 v3, $0x10;
	v3 =	vand.u32 $0xFFFF0000, v3;
	[tilespmem:s8+$0x70] =	vst v1  }
0x1fc: {  	v1 =	vshll.u32 v10, $0x10;
	v10 =	vand.u32 $0xFFFF0000, v10;
	v2 =	vadd.f32 v4, v2;
	v4 =	vld [tilespmem:s19+$0xFFFFAFD0]  }
0x1fd: {  	v11 =	vshll.u32 v7, $0x10;
	v7 =	vand.u32 $0xFFFF0000, v7;
	v3 =	vadd.f32 v3, v8;
	v13 =	vld [tilespmem:s19+$0xFFFFD7D0]  }
0x1fe: {  	v12 =	vshll.u32 v0, $0x10;
	v1 =	vadd.f32 v11, v1;
	v0 =	vand.u32 $0xFFFF0000, v0  }
0x1ff: {  	v8 =	vshll.u32 v5, $0x10;
	v7 =	vadd.f32 v7, v10;
	v10 =	vld [tilespmem:s19+$0xFFFFFFD0];
	v2 =	vadd.f32 v12, v2  }
0x200: {  	v0 =	vadd.f32 v0, v3;
	v3 =	vand.u32 $0xFFFF0000, v5;
	v5 =	vshll.u32 v6, $0x10  }
0x201: {  	v1 =	vadd.f32 v8, v1;
	v3 =	vadd.f32 v3, v7;
	v7 =	vshll.u32 v9, $0x10;
	[tilespmem:s6+$0x40] =	vst v2  }
0x202: {  	v6 =	vand.u32 $0xFFFF0000, v6;
	v2 =	vld [tilespmem:s19+$0xFFFFFE40];
	[tilespmem:s6+$0x50] =	vst v0;
	v0 =	vshll.u32 v4, $0x10;
	v8 =	vshll.u32 v13, $0x10  }
0x203: {  	v11 =	vld [tilespmem:s19+$0xFFFFAEC0];
	[tilespmem:s7+$0x40] =	vst v1;
	v1 =	vand.u32 $0xFFFF0000, v4;
	v4 =	vand.u32 $0xFFFF0000, v13;
	v0 =	vadd.f32 v8, v0  }
0x204: {  	[tilespmem:s7+$0x50] =	vst v3;
	v3 =	vshll.u32 v10, $0x10;
	v8 =	vand.u32 $0xFFFF0000, v9;
	v9 =	vld [tilespmem:s19+$0xFFFFD6C0];
	v1 =	vadd.f32 v4, v1  }
0x205: {  	s18 =	sadd.s32 $0x15700, s15;
	v4 =	vadd.f32 v7, v5;
	v5 =	vld [tilespmem:s19+$0xFFFFAF40];
	v0 =	vadd.f32 v3, v0;
	v3 =	vand.u32 $0xFFFF0000, v10  }
0x206: {  	s2 =	sadd.s32 s2, s18;
	v7 =	vld [tilespmem:s19+$0xFFFFD740];
	v6 =	vadd.f32 v8, v6;
	v1 =	vadd.f32 v3, v1  }
0x207: {  	v8 =	vld [tilespmem:s19+$0xFFFFFEC0];
	v3 =	vshll.u32 v2, $0x10;
	v2 =	vand.u32 $0xFFFF0000, v2;
	[tilespmem:s2+$0x0] =	vst v0  }
0x208: {  	v0 =	vadd.f32 v3, v4;
	v2 =	vadd.f32 v2, v6;
	v3 =	vshll.u32 v11, $0x10;
	v4 =	vld [tilespmem:s19+$0xFFFFFF40];
	[tilespmem:s2+$0x10] =	vst v1  }
0x209: {  	v1 =	vand.u32 $0xFFFF0000, v11;
	v6 =	vshll.u32 v9, $0x10;
	v9 =	vand.u32 $0xFFFF0000, v9;
	v10 =	vld [tilespmem:s19+$0xFFFFAFE0]  }
0x20a: {  	v3 =	vadd.f32 v6, v3;
	v6 =	vshll.u32 v5, $0x10;
	v5 =	vand.u32 $0xFFFF0000, v5;
	v11 =	vld [tilespmem:s19+$0xFFFFD7E0]  }
0x20b: {  	v1 =	vadd.f32 v9, v1;
	v9 =	vshll.u32 v7, $0x10;
	v7 =	vand.u32 $0xFFFF0000, v7  }
0x20c: {  	[tilespmem:s5+$0x60] =	vst v0;
	v0 =	vshll.u32 v8, $0x10;
	v6 =	vadd.f32 v9, v6;
	v5 =	vadd.f32 v7, v5;
	v7 =	vld [tilespmem:s19+$0xFFFFFFE0]  }
0x20d: {  	[tilespmem:s5+$0x70] =	vst v2;
	v2 =	vand.u32 $0xFFFF0000, v8;
	v0 =	vadd.f32 v0, v3;
	v8 =	vshll.u32 v4, $0x10  }
0x20e: {  	v3 =	vld [tilespmem:s19+$0xFFFFAE50];
	v1 =	vadd.f32 v2, v1;
	v4 =	vand.u32 $0xFFFF0000, v4;
	v2 =	vadd.f32 v8, v6  }
0x20f: {  	v6 =	vld [tilespmem:s19+$0xFFFFD650];
	v4 =	vadd.f32 v4, v5;
	[tilespmem:s6+$0x60] =	vst v0;
	v0 =	vshll.u32 v10, $0x10;
	v5 =	vshll.u32 v11, $0x10  }
0x210: {  	v8 =	vld [tilespmem:s19+$0xFFFFFE50];
	[tilespmem:s6+$0x70] =	vst v1;
	v1 =	vand.u32 $0xFFFF0000, v10;
	v0 =	vadd.f32 v5, v0;
	v5 =	vand.u32 $0xFFFF0000, v11  }
0x211: {  	v9 =	vld [tilespmem:s19+$0xFFFFAED0];
	[tilespmem:s7+$0x60] =	vst v2;
	v2 =	vshll.u32 v7, $0x10;
	v1 =	vadd.f32 v5, v1  }
0x212: {  	[tilespmem:s7+$0x70] =	vst v4;
	v5 =	vld [tilespmem:s19+$0xFFFFD6D0];
	v0 =	vadd.f32 v2, v0;
	v2 =	vand.u32 $0xFFFF0000, v7  }
0x213: {  	v10 =	vld [tilespmem:s19+$0xFFFFD750];
	v1 =	vadd.f32 v2, v1  }
0x214: {  	v4 =	vld [tilespmem:s19+$0xFFFFAF50];
	v2 =	vshll.u32 v3, $0x10;
	v7 =	vshll.u32 v6, $0x10;
	[tilespmem:s2+$0x20] =	vst v0  }
0x215: {  	v0 =	vand.u32 $0xFFFF0000, v3;
	v3 =	vand.u32 $0xFFFF0000, v6;
	v2 =	vadd.f32 v7, v2;
	v6 =	vld [tilespmem:s19+$0xFFFFFED0];
	[tilespmem:s2+$0x30] =	vst v1  }
0x216: {  	v1 =	vshll.u32 v8, $0x10;
	v0 =	vadd.f32 v3, v0;
	v3 =	vld [tilespmem:s19+$0xFFFFAFF0]  }
0x217: {  	v7 =	vand.u32 $0xFFFF0000, v8;
	v1 =	vadd.f32 v1, v2;
	v2 =	vshll.u32 v9, $0x10;
	v8 =	vld [tilespmem:s19+$0xFFFFD7F0]  }
0x218: {  	v9 =	vand.u32 $0xFFFF0000, v9;
	v12 =	vshll.u32 v10, $0x10;
	v10 =	vand.u32 $0xFFFF0000, v10  }
0x219: {  	s1 =	sadd.s32 s0, s18;
	v11 =	vld [tilespmem:s19+$0xFFFFFFF0];
	v0 =	vadd.f32 v7, v0;
	v7 =	vshll.u32 v5, $0x10;
	v5 =	vand.u32 $0xFFFF0000, v5  }
0x21a: {  	v2 =	vadd.f32 v7, v2;
	v7 =	vshll.u32 v4, $0x10;
	v5 =	vadd.f32 v5, v9;
	[tilespmem:s1+$0x0] =	vst v1;
	v1 =	vld [tilespmem:s19+$0xFFFFFF50]  }
0x21b: {  	v9 =	vshll.u32 v6, $0x10;
	[tilespmem:s1+$0x10] =	vst v0;
	v0 =	vand.u32 $0xFFFF0000, v6;
	v7 =	vadd.f32 v12, v7  }
0x21c: {  	v2 =	vadd.f32 v9, v2;
	v6 =	vshll.u32 v3, $0x10;
	v9 =	vshll.u32 v8, $0x10  }
0x21d: {  	s0 =	sadd.s32 s3, s18;
	v4 =	vand.u32 $0xFFFF0000, v4;
	v13 =	vld [tilespmem:s19+$0xFFFFAE60];
	v0 =	vadd.f32 v0, v5;
	v6 =	vadd.f32 v9, v6  }
0x21e: {  	v3 =	vand.u32 $0xFFFF0000, v3;
	v8 =	vand.u32 $0xFFFF0000, v8;
	v5 =	vshll.u32 v11, $0x10;
	v9 =	vld [tilespmem:s19+$0xFFFFD660];
	[tilespmem:s0+$0x0] =	vst v2  }
0x21f: {  	v3 =	vadd.f32 v8, v3;
	[tilespmem:s0+$0x10] =	vst v0;
	v0 =	vshll.u32 v1, $0x10;
	v2 =	vadd.f32 v5, v6  }
0x220: {  	v4 =	vadd.f32 v10, v4;
	v5 =	vand.u32 $0xFFFF0000, v11;
	v6 =	vld [tilespmem:s19+$0xFFFFFE60];
	v0 =	vadd.f32 v0, v7  }
0x221: {  	s31 =	sadd.s32 s4, s18;
	v1 =	vand.u32 $0xFFFF0000, v1;
	v3 =	vadd.f32 v5, v3;
	v5 =	vld [tilespmem:s19+$0xFFFFAEE0];
	[tilespmem:s2+$0x40] =	vst v2  }
0x222: {  	v1 =	vadd.f32 v1, v4;
	v2 =	vld [tilespmem:s19+$0xFFFFD6E0];
	[tilespmem:s31+$0x0] =	vst v0  }
0x223: {  	v7 =	vld [tilespmem:s19+$0xFFFFFEE0];
	[tilespmem:s2+$0x50] =	vst v3;
	v3 =	vshll.u32 v13, $0x10;
	v4 =	vshll.u32 v9, $0x10  }
0x224: {  	v0 =	vand.u32 $0xFFFF0000, v13;
	[tilespmem:s31+$0x10] =	vst v1;
	v3 =	vadd.f32 v4, v3;
	v4 =	vand.u32 $0xFFFF0000, v9;
	v8 =	vld [tilespmem:s19+$0xFFFFB000]  }
0x225: {  	v9 =	vld [tilespmem:s19+$0xFFFFD760];
	v1 =	vshll.u32 v6, $0x10;
	v0 =	vadd.f32 v4, v0;
	v4 =	vand.u32 $0xFFFF0000, v6  }
0x226: {  	v6 =	vld [tilespmem:s19+$0xFFFFAF60];
	v1 =	vadd.f32 v1, v3;
	v3 =	vshll.u32 v5, $0x10;
	v5 =	vand.u32 $0xFFFF0000, v5  }
0x227: {  	v10 =	vld [tilespmem:s19+$0xFFFFD800];
	v0 =	vadd.f32 v4, v0;
	v4 =	vshll.u32 v2, $0x10;
	v2 =	vand.u32 $0xFFFF0000, v2  }
0x228: {  	v3 =	vadd.f32 v4, v3;
	v2 =	vadd.f32 v2, v5;
	v4 =	vld [tilespmem:s19+$0xFFFFFF60]  }
0x229: {  	[tilespmem:s1+$0x20] =	vst v1;
	v1 =	vshll.u32 v7, $0x10;
	v5 =	vand.u32 $0xFFFF0000, v7;
	v7 =	vld [tilespmem:s19+$0x0]  }
0x22a: {  	[tilespmem:s1+$0x30] =	vst v0;
	v11 =	vshll.u32 v9, $0x10;
	v0 =	vadd.f32 v1, v3;
	v1 =	vadd.f32 v5, v2  }
0x22b: {  	v2 =	vshll.u32 v8, $0x10;
	v3 =	vld [tilespmem:s19+$0xFFFFAE70];
	v5 =	vand.u32 $0xFFFF0000, v8;
	v8 =	vshll.u32 v6, $0x10  }
0x22c: {  	v12 =	vld [tilespmem:s19+$0xFFFFD670];
	v8 =	vadd.f32 v11, v8;
	[tilespmem:s0+$0x20] =	vst v0;
	v0 =	vand.u32 $0xFFFF0000, v6;
	v6 =	vand.u32 $0xFFFF0000, v9  }
0x22d: {  	v11 =	vld [tilespmem:s19+$0xFFFFFE70];
	v9 =	vand.u32 $0xFFFF0000, v10;
	[tilespmem:s0+$0x30] =	vst v1;
	v1 =	vshll.u32 v4, $0x10;
	v0 =	vadd.f32 v6, v0  }
0x22e: {  	v5 =	vadd.f32 v9, v5;
	v6 =	vld [tilespmem:s19+$0xFFFFAEF0];
	v4 =	vand.u32 $0xFFFF0000, v4;
	v9 =	vand.u32 $0xFFFF0000, v7  }
0x22f: {  	v1 =	vadd.f32 v1, v8;
	v8 =	vshll.u32 v10, $0x10;
	v10 =	vld [tilespmem:s19+$0xFFFFD6F0];
	v4 =	vadd.f32 v4, v0  }
0x230: {  	v2 =	vadd.f32 v8, v2;
	v0 =	vadd.f32 v9, v5  }
0x231: {  	s15 =	simm.s32 $0xDEF0;
	v5 =	vld [tilespmem:s19+$0xFFFFFEF0];
	v8 =	vshll.u32 v12, $0x10;
	[tilespmem:s31+$0x20] =	vst v1;
	v1 =	vshll.u32 v3, $0x10;
	v3 =	vand.u32 $0xFFFF0000, v3  }
0x232: {  	v14 =	vld [tilespmem:s15+$0xFFFFD790];
	[tilespmem:s31+$0x30] =	vst v4;
	v1 =	vadd.f32 v8, v1;
	v4 =	vshll.u32 v11, $0x10;
	v8 =	vand.u32 $0xFFFF0000, v12  }
0x233: {  	v12 =	vld [tilespmem:s15+$0xFFFFAF90];
	v3 =	vadd.f32 v8, v3;
	v8 =	vshll.u32 v6, $0x10;
	v6 =	vand.u32 $0xFFFF0000, v6  }
0x234: {  	v9 =	vld [tilespmem:s19+$0xFFFFAF70];
	v13 =	vshll.u32 v10, $0x10;
	v10 =	vand.u32 $0xFFFF0000, v10;
	v1 =	vadd.f32 v4, v1  }
0x235: {  	v11 =	vand.u32 $0xFFFF0000, v11;
	v8 =	vadd.f32 v13, v8;
	v6 =	vadd.f32 v10, v6;
	v10 =	vld [tilespmem:s15+$0xFFFFAE10]  }
0x236: {  	v13 =	vshll.u32 v5, $0x10;
	v4 =	vadd.f32 v11, v3;
	v3 =	vand.u32 $0xFFFF0000, v5;
	v5 =	vld [tilespmem:s15+$0xFFFFFF90]  }
0x237: {  	v11 =	vld [tilespmem:s15+$0xFFFFD610]  }
0x238: {  	v16 =	vshll.u32 v14, $0x10;
	v14 =	vand.u32 $0xFFFF0000, v14;
	v8 =	vadd.f32 v13, v8  }
0x239: {  	v18 =	vld [tilespmem:s15+$0xFFFFD710];
	v6 =	vadd.f32 v3, v6;
	v3 =	vshll.u32 v7, $0x10;
	v15 =	vshll.u32 v12, $0x10  }
0x23a: {  	v13 =	vld [tilespmem:s15+$0xFFFFAE90];
	v12 =	vand.u32 $0xFFFF0000, v12;
	v7 =	vshll.u32 v9, $0x10;
	v3 =	vadd.f32 v3, v2  }
0x23b: {  	s16 =	simm.s32 $0x400;
	v9 =	vand.u32 $0xFFFF0000, v9;
	v2 =	vld [tilespmem:s15+$0xFFFFD690];
	v15 =	vadd.f32 v16, v15;
	v12 =	vadd.f32 v14, v12  }
0x23c: {  	v17 =	vld [tilespmem:s15+$0xFFFFAF10];
	s18 =	simm.s32 $0x380;
	s7 =	sand.u32 $0x7800, s16;
	v16 =	vshll.u32 v10, $0x10;
	v19 =	vshll.u32 v5, $0x10;
	v20 =	vshll.u32 v11, $0x10  }
0x23d: {  	s8 =	sand.u32 $0x380, s18;
	s10 =	sadd.s32 $0x15300, s7;
	v14 =	vld [tilespmem:s15+$0xFFFFFE10];
	v5 =	vand.u32 $0xFFFF0000, v5;
	v10 =	vand.u32 $0xFFFF0000, v10;
	v15 =	vadd.f32 v19, v15  }
0x23e: {  	v22 =	vld [tilespmem:s15+$0xFFFFFF10];
	s11 =	sadd.s32 s8, s10;
	v11 =	vand.u32 $0xFFFF0000, v11;
	v5 =	vadd.f32 v5, v12;
	v16 =	vadd.f32 v20, v16  }
0x23f: {  	v19 =	vld [tilespmem:s15+$0xFFFFFE90];
	v20 =	vshll.u32 v18, $0x10;
	v18 =	vand.u32 $0xFFFF0000, v18;
	v10 =	vadd.f32 v11, v10;
	[tilespmem:s11+$0x0] =	vst v15  }
0x240: {  	v12 =	vshll.u32 v13, $0x10;
	v13 =	vand.u32 $0xFFFF0000, v13;
	v21 =	vshll.u32 v2, $0x10;
	[tilespmem:s11+$0x10] =	vst v5;
	v5 =	vld [tilespmem:s19+$0xFFFFD770]  }
0x241: {  	v2 =	vand.u32 $0xFFFF0000, v2;
	v15 =	vshll.u32 v17, $0x10;
	v17 =	vand.u32 $0xFFFF0000, v17;
	v23 =	vld [tilespmem:s15+$0xFFFFAFA0]  }
0x242: {  	v24 =	vshll.u32 v14, $0x10;
	v11 =	vadd.f32 v21, v12;
	v12 =	vld [tilespmem:s15+$0xFFFFD7A0];
	v2 =	vadd.f32 v2, v13  }
0x243: {  	s9 =	simm.s32 $0x200;
	v14 =	vand.u32 $0xFFFF0000, v14;
	v13 =	vadd.f32 v20, v15;
	v17 =	vadd.f32 v18, v17  }
0x244: {  	s12 =	sand.u32 $0x200, s9;
	[tilespmem:s1+$0x40] =	vst v1;
	v18 =	vld [tilespmem:s15+$0xFFFFFFA0];
	v1 =	vadd.f32 v24, v16;
	v16 =	vshll.u32 v22, $0x10;
	v15 =	vshll.u32 v19, $0x10  }
0x245: {  	s9 =	sadd.s32 s12, s10;
	[tilespmem:s1+$0x50] =	vst v4;
	v4 =	vld [tilespmem:s19+$0xFFFFFF70];
	v10 =	vadd.f32 v14, v10;
	v19 =	vand.u32 $0xFFFF0000, v19;
	v11 =	vadd.f32 v15, v11  }
0x246: {  	s13 =	simm.s32 $0x280;
	v21 =	vld [tilespmem:s19+$0xFFFFD680];
	[tilespmem:s9+$0x0] =	vst v1;
	v1 =	vadd.f32 v19, v2;
	v14 =	vshll.u32 v5, $0x10;
	v5 =	vand.u32 $0xFFFF0000, v5  }
0x247: {  	s3 =	sand.u32 $0x280, s13;
	[tilespmem:s9+$0x10] =	vst v10;
	v15 =	vld [tilespmem:s19+$0xFFFFAE80];
	v2 =	vshll.u32 v23, $0x10;
	v19 =	vshll.u32 v12, $0x10;
	v10 =	vand.u32 $0xFFFF0000, v23  }
0x248: {  	s14 =	sadd.s32 s3, s10;
	v12 =	vand.u32 $0xFFFF0000, v12;
	v5 =	vadd.f32 v5, v9;
	v9 =	vld [tilespmem:s15+$0xFFFFFE20];
	v2 =	vadd.f32 v19, v2  }
0x249: {  	[tilespmem:s14+$0x0] =	vst v11;
	v11 =	vadd.f32 v16, v13;
	v13 =	vshll.u32 v18, $0x10;
	v19 =	vld [tilespmem:s15+$0xFFFFAE20];
	v10 =	vadd.f32 v12, v10  }
0x24a: {  	[tilespmem:s14+$0x10] =	vst v1;
	v12 =	vld [tilespmem:s15+$0xFFFFD620];
	v1 =	vadd.f32 v13, v2;
	v2 =	vand.u32 $0xFFFF0000, v18  }
0x24b: {  	s17 =	simm.s32 $0x300;
	[tilespmem:s0+$0x50] =	vst v6;
	v20 =	vand.u32 $0xFFFF0000, v22;
	v7 =	vadd.f32 v14, v7;
	v2 =	vadd.f32 v2, v10  }
0x24c: {  	s4 =	sand.u32 $0x300, s17;
	v16 =	vadd.f32 v20, v17;
	v14 =	vshll.u32 v4, $0x10;
	v4 =	vand.u32 $0xFFFF0000, v4;
	v13 =	vld [tilespmem:s15+$0xFFFFAEA0];
	[tilespmem:s11+$0x20] =	vst v1  }
0x24d: {  	s10 =	sadd.s32 s4, s10;
	v7 =	vadd.f32 v14, v7;
	v18 =	vadd.f32 v4, v5;
	v4 =	vand.u32 $0xFFFF0000, v15;
	v10 =	vld [tilespmem:s15+$0xFFFFD6A0];
	[tilespmem:s11+$0x30] =	vst v2  }
0x24e: {  	[tilespmem:s10+$0x0] =	vst v11;
	v1 =	vshll.u32 v15, $0x10;
	v6 =	vshll.u32 v9, $0x10;
	v9 =	vand.u32 $0xFFFF0000, v9;
	v17 =	vld [tilespmem:s15+$0xFFFFAFB0]  }
0x24f: {  	[tilespmem:s10+$0x10] =	vst v16;
	v2 =	vshll.u32 v21, $0x10;
	v11 =	vshll.u32 v19, $0x10;
	v5 =	vshll.u32 v12, $0x10;
	v16 =	vld [tilespmem:s15+$0xFFFFD7B0]  }
0x250: {  	v14 =	vand.u32 $0xFFFF0000, v19;
	v12 =	vand.u32 $0xFFFF0000, v12;
	v5 =	vadd.f32 v5, v11  }
0x251: {  	[tilespmem:s0+$0x40] =	vst v8;
	v8 =	vadd.f32 v12, v14;
	v14 =	vld [tilespmem:s15+$0xFFFFFFB0];
	v1 =	vadd.f32 v2, v1;
	v11 =	vshll.u32 v13, $0x10  }
0x252: {  	v15 =	vld [tilespmem:s15+$0xFFFFAF20];
	v13 =	vand.u32 $0xFFFF0000, v13;
	v12 =	vshll.u32 v10, $0x10;
	v10 =	vand.u32 $0xFFFF0000, v10  }
0x253: {  	v6 =	vadd.f32 v6, v5;
	v5 =	vand.u32 $0xFFFF0000, v21;
	v11 =	vadd.f32 v12, v11;
	v12 =	vld [tilespmem:s15+$0xFFFFD720]  }
0x254: {  	v19 =	vld [tilespmem:s15+$0xFFFFFEA0];
	v8 =	vadd.f32 v9, v8;
	v9 =	vshll.u32 v17, $0x10;
	v20 =	vshll.u32 v16, $0x10  }
0x255: {  	v21 =	vld [tilespmem:s15+$0xFFFFFF20];
	[tilespmem:s9+$0x20] =	vst v6;
	v16 =	vand.u32 $0xFFFF0000, v16;
	v6 =	vadd.f32 v20, v9;
	v9 =	vand.u32 $0xFFFF0000, v17  }
0x256: {  	v10 =	vadd.f32 v10, v13;
	v13 =	vld [tilespmem:s19+$0xFFFFAF00];
	[tilespmem:s9+$0x30] =	vst v8;
	v20 =	vshll.u32 v14, $0x10;
	v9 =	vadd.f32 v16, v9  }
0x257: {  	[tilespmem:s31+$0x50] =	vst v18;
	v8 =	vshll.u32 v15, $0x10;
	v18 =	vld [tilespmem:s15+$0xFFFFD630];
	v14 =	vand.u32 $0xFFFF0000, v14;
	v6 =	vadd.f32 v20, v6  }
0x258: {  	[tilespmem:s31+$0x40] =	vst v7;
	v15 =	vand.u32 $0xFFFF0000, v15;
	v7 =	vld [tilespmem:s15+$0xFFFFAE30];
	v16 =	vshll.u32 v12, $0x10;
	v9 =	vadd.f32 v14, v9  }
0x259: {  	v17 =	vld [tilespmem:s19+$0xFFFFD700];
	v12 =	vand.u32 $0xFFFF0000, v12;
	v20 =	vshll.u32 v19, $0x10;
	v8 =	vadd.f32 v16, v8;
	[tilespmem:s11+$0x40] =	vst v6  }
0x25a: {  	v14 =	vld [tilespmem:s15+$0xFFFFFE30];
	v12 =	vadd.f32 v12, v15;
	v6 =	vand.u32 $0xFFFF0000, v19;
	[tilespmem:s11+$0x50] =	vst v9;
	v9 =	vadd.f32 v20, v11  }
0x25b: {  	v16 =	vshll.u32 v21, $0x10;
	v19 =	vand.u32 $0xFFFF0000, v21;
	v10 =	vadd.f32 v6, v10;
	v11 =	vld [tilespmem:s15+$0xFFFFAFC0]  }
0x25c: {  	v21 =	vshll.u32 v18, $0x10;
	v18 =	vand.u32 $0xFFFF0000, v18;
	v8 =	vadd.f32 v16, v8;
	v16 =	vld [tilespmem:s15+$0xFFFFD7C0];
	[tilespmem:s14+$0x20] =	vst v9  }
0x25d: {  	v6 =	vshll.u32 v13, $0x10;
	v20 =	vshll.u32 v7, $0x10;
	v12 =	vadd.f32 v19, v12;
	[tilespmem:s14+$0x30] =	vst v10  }
0x25e: {  	v7 =	vand.u32 $0xFFFF0000, v7;
	v22 =	vshll.u32 v17, $0x10;
	v9 =	vadd.f32 v21, v20;
	v21 =	vld [tilespmem:s15+$0xFFFFFFC0];
	[tilespmem:s10+$0x20] =	vst v8  }
0x25f: {  	v18 =	vadd.f32 v18, v7;
	[tilespmem:s10+$0x30] =	vst v12;
	v20 =	vshll.u32 v14, $0x10;
	v10 =	vand.u32 $0xFFFF0000, v14;
	v14 =	vld [tilespmem:s15+$0xFFFFAEB0]  }
0x260: {  	v7 =	vand.u32 $0xFFFF0000, v13;
	v8 =	vand.u32 $0xFFFF0000, v17;
	v12 =	vld [tilespmem:s15+$0xFFFFAF30];
	v13 =	vadd.f32 v20, v9  }
0x261: {  	v23 =	vld [tilespmem:s15+$0xFFFFD730];
	v18 =	vadd.f32 v10, v18;
	v10 =	vshll.u32 v11, $0x10;
	v17 =	vshll.u32 v16, $0x10  }
0x262: {  	v20 =	vld [tilespmem:s15+$0xFFFFD6B0];
	v17 =	vadd.f32 v17, v10;
	v10 =	vand.u32 $0xFFFF0000, v11;
	v11 =	vand.u32 $0xFFFF0000, v16  }
0x263: {  	v2 =	vadd.f32 v5, v4;
	v49 =	vld [tilespmem:s15+$0xFFFFFF30];
	[tilespmem:s9+$0x40] =	vst v13;
	v16 =	vshll.u32 v21, $0x10;
	v11 =	vadd.f32 v11, v10  }
0x264: {  	v13 =	vld [tilespmem:s15+$0xFFFFFEB0];
	[tilespmem:s9+$0x50] =	vst v18;
	v18 =	vshll.u32 v14, $0x10;
	v16 =	vadd.f32 v16, v17;
	v17 =	vand.u32 $0xFFFF0000, v21  }
0x265: {  	v14 =	vand.u32 $0xFFFF0000, v14;
	v26 =	vshll.u32 v12, $0x10;
	v21 =	vld [tilespmem:s15+$0xFFFFAE40];
	v11 =	vadd.f32 v17, v11  }
0x266: {  	v12 =	vand.u32 $0xFFFF0000, v12;
	v50 =	vshll.u32 v23, $0x10;
	v23 =	vand.u32 $0xFFFF0000, v23;
	v17 =	vld [tilespmem:s15+$0xFFFFD640];
	[tilespmem:s11+$0x60] =	vst v16  }
0x267: {  	v25 =	vshll.u32 v20, $0x10;
	v20 =	vand.u32 $0xFFFF0000, v20;
	v12 =	vadd.f32 v23, v12;
	v16 =	vld [tilespmem:s15+$0xFFFFFE40];
	[tilespmem:s11+$0x70] =	vst v11  }
0x268: {  	v52 =	vshll.u32 v49, $0x10;
	v18 =	vadd.f32 v25, v18;
	v14 =	vadd.f32 v20, v14;
	v51 =	vld [tilespmem:s15+$0xFFFFAFD0]  }
0x269: {  	v20 =	vadd.f32 v50, v26;
	v11 =	vshll.u32 v13, $0x10;
	v13 =	vand.u32 $0xFFFF0000, v13;
	v23 =	vld [tilespmem:s15+$0xFFFFD7D0]  }
0x26a: {  	v11 =	vadd.f32 v11, v18;
	v13 =	vadd.f32 v13, v14;
	v14 =	vand.u32 $0xFFFF0000, v49  }
0x26b: {  	v20 =	vadd.f32 v52, v20;
	v18 =	vshll.u32 v21, $0x10;
	v12 =	vadd.f32 v14, v12;
	v14 =	vld [tilespmem:s15+$0xFFFFFFD0]  }
0x26c: {  	v21 =	vand.u32 $0xFFFF0000, v21;
	v53 =	vshll.u32 v17, $0x10;
	v17 =	vand.u32 $0xFFFF0000, v17;
	[tilespmem:s14+$0x40] =	vst v11  }
0x26d: {  	v15 =	vld [tilespmem:s19+$0xFFFFAF80];
	[tilespmem:s14+$0x50] =	vst v13;
	v11 =	vadd.f32 v53, v18;
	v18 =	vshll.u32 v16, $0x10;
	v17 =	vadd.f32 v17, v21  }
0x26e: {  	[tilespmem:s10+$0x40] =	vst v20;
	v13 =	vand.u32 $0xFFFF0000, v16;
	v54 =	vld [tilespmem:s15+$0xFFFFD6C0];
	v20 =	vshll.u32 v51, $0x10;
	v21 =	vshll.u32 v23, $0x10  }
0x26f: {  	v16 =	vld [tilespmem:s15+$0xFFFFAEC0];
	[tilespmem:s10+$0x50] =	vst v12;
	v12 =	vadd.f32 v21, v20;
	v20 =	vand.u32 $0xFFFF0000, v51;
	v21 =	vand.u32 $0xFFFF0000, v23  }
0x270: {  	v11 =	vadd.f32 v18, v11;
	v18 =	vld [tilespmem:s15+$0xFFFFAF40];
	v23 =	vshll.u32 v14, $0x10;
	v20 =	vadd.f32 v21, v20  }
0x271: {  	s6 =	sadd.s32 $0x15700, s7;
	v13 =	vadd.f32 v13, v17;
	v17 =	vld [tilespmem:s15+$0xFFFFD740];
	v14 =	vand.u32 $0xFFFF0000, v14;
	v12 =	vadd.f32 v23, v12  }
0x272: {  	s7 =	sadd.s32 s8, s6;
	v6 =	vadd.f32 v22, v6;
	v21 =	vld [tilespmem:s15+$0xFFFFFEC0];
	v14 =	vadd.f32 v14, v20  }
0x273: {  	v8 =	vadd.f32 v8, v7;
	v9 =	vshll.u32 v15, $0x10;
	v23 =	vld [tilespmem:s15+$0xFFFFFF40];
	v55 =	vshll.u32 v54, $0x10;
	[tilespmem:s7+$0x0] =	vst v12  }
0x274: {  	v24 =	vand.u32 $0xFFFF0000, v54;
	v20 =	vshll.u32 v16, $0x10;
	v16 =	vand.u32 $0xFFFF0000, v16;
	v12 =	vld [tilespmem:s19+$0xFFFFFE80];
	[tilespmem:s7+$0x10] =	vst v14  }
0x275: {  	[tilespmem:s9+$0x60] =	vst v11;
	v4 =	vadd.f32 v55, v20;
	v5 =	vshll.u32 v18, $0x10;
	v11 =	vand.u32 $0xFFFF0000, v18;
	v14 =	vld [tilespmem:s15+$0xFFFFAFE0]  }
0x276: {  	[tilespmem:s9+$0x70] =	vst v13;
	v13 =	vadd.f32 v24, v16;
	v16 =	vshll.u32 v17, $0x10;
	v17 =	vand.u32 $0xFFFF0000, v17;
	v18 =	vld [tilespmem:s15+$0xFFFFD7E0]  }
0x277: {  	v19 =	vld [tilespmem:s19+$0xFFFFD780];
	v5 =	vadd.f32 v16, v5;
	v11 =	vadd.f32 v17, v11;
	v56 =	vshll.u32 v21, $0x10  }
0x278: {  	v16 =	vand.u32 $0xFFFF0000, v21;
	v17 =	vshll.u32 v23, $0x10;
	v21 =	vand.u32 $0xFFFF0000, v23;
	v23 =	vld [tilespmem:s15+$0xFFFFFFE0]  }
0x279: {  	v15 =	vand.u32 $0xFFFF0000, v15;
	v57 =	vld [tilespmem:s15+$0xFFFFD650];
	v24 =	vadd.f32 v56, v4;
	v13 =	vadd.f32 v16, v13  }
0x27a: {  	v20 =	vld [tilespmem:s15+$0xFFFFAE50];
	v16 =	vadd.f32 v17, v5;
	v11 =	vadd.f32 v21, v11;
	v4 =	vshll.u32 v12, $0x10  }
0x27b: {  	v5 =	vand.u32 $0xFFFF0000, v12;
	[tilespmem:s14+$0x60] =	vst v24;
	v17 =	vshll.u32 v14, $0x10;
	v21 =	vshll.u32 v18, $0x10  }
0x27c: {  	v12 =	vld [tilespmem:s15+$0xFFFFFE50];
	[tilespmem:s14+$0x70] =	vst v13;
	v14 =	vand.u32 $0xFFFF0000, v14;
	v13 =	vadd.f32 v21, v17;
	v17 =	vand.u32 $0xFFFF0000, v18  }
0x27d: {  	v10 =	vshll.u32 v19, $0x10;
	[tilespmem:s10+$0x60] =	vst v16;
	v21 =	vld [tilespmem:s15+$0xFFFFAED0];
	v16 =	vshll.u32 v23, $0x10;
	v14 =	vadd.f32 v17, v14  }
0x27e: {  	v7 =	vadd.f32 v10, v9;
	v22 =	vld [tilespmem:s15+$0xFFFFD6D0];
	[tilespmem:s10+$0x70] =	vst v11;
	v11 =	vadd.f32 v16, v13;
	v13 =	vand.u32 $0xFFFF0000, v23  }
0x27f: {  	v18 =	vshll.u32 v20, $0x10;
	v17 =	vshll.u32 v57, $0x10;
	v23 =	vld [tilespmem:s15+$0xFFFFAF50];
	v13 =	vadd.f32 v13, v14  }
0x280: {  	v16 =	vand.u32 $0xFFFF0000, v20;
	v20 =	vand.u32 $0xFFFF0000, v57;
	v14 =	vadd.f32 v17, v18;
	v18 =	vld [tilespmem:s15+$0xFFFFD750];
	[tilespmem:s7+$0x20] =	vst v11  }
0x281: {  	v17 =	vshll.u32 v12, $0x10;
	v16 =	vadd.f32 v20, v16;
	v11 =	vand.u32 $0xFFFF0000, v12;
	v12 =	vld [tilespmem:s15+$0xFFFFFED0];
	[tilespmem:s7+$0x30] =	vst v13  }
0x282: {  	v9 =	vadd.f32 v17, v14;
	v10 =	vshll.u32 v21, $0x10;
	v13 =	vand.u32 $0xFFFF0000, v21;
	v14 =	vld [tilespmem:s15+$0xFFFFAFF0]  }
0x283: {  	v11 =	vadd.f32 v11, v16;
	v16 =	vshll.u32 v22, $0x10;
	v17 =	vand.u32 $0xFFFF0000, v22;
	v20 =	vld [tilespmem:s15+$0xFFFFD7F0]  }
0x284: {  	s8 =	sadd.s32 s12, s6;
	v19 =	vand.u32 $0xFFFF0000, v19;
	v10 =	vadd.f32 v16, v10;
	v13 =	vadd.f32 v17, v13  }
0x285: {  	v21 =	vshll.u32 v23, $0x10;
	[tilespmem:s8+$0x0] =	vst v9;
	v9 =	vshll.u32 v18, $0x10;
	v17 =	vand.u32 $0xFFFF0000, v18;
	v18 =	vld [tilespmem:s15+$0xFFFFFFF0]  }
0x286: {  	v16 =	vld [tilespmem:s15+$0xFFFFFF50];
	v22 =	vand.u32 $0xFFFF0000, v23;
	[tilespmem:s8+$0x10] =	vst v11;
	v11 =	vshll.u32 v12, $0x10;
	v21 =	vadd.f32 v9, v21  }
0x287: {  	v9 =	vadd.f32 v19, v15;
	v10 =	vadd.f32 v11, v10;
	v11 =	vand.u32 $0xFFFF0000, v12  }
0x288: {  	s3 =	sadd.s32 s3, s6;
	v11 =	vadd.f32 v11, v13;
	v13 =	vshll.u32 v14, $0x10;
	v15 =	vshll.u32 v20, $0x10  }
0x289: {  	v17 =	vadd.f32 v17, v22;
	v22 =	vld [tilespmem:s15+$0xFFFFAE60];
	[tilespmem:s3+$0x0] =	vst v10;
	v10 =	vadd.f32 v15, v13  }
0x28a: {  	v12 =	vld [tilespmem:s15+$0xFFFFD660];
	v13 =	vand.u32 $0xFFFF0000, v14;
	v14 =	vand.u32 $0xFFFF0000, v20;
	v20 =	vshll.u32 v18, $0x10  }
0x28b: {  	v19 =	vld [tilespmem:s15+$0xFFFFFE60];
	[tilespmem:s3+$0x10] =	vst v11;
	v11 =	vshll.u32 v16, $0x10;
	v10 =	vadd.f32 v20, v10  }
0x28c: {  	v15 =	vld [tilespmem:s19+$0xFFFFFF00];
	v16 =	vand.u32 $0xFFFF0000, v16;
	v11 =	vadd.f32 v11, v21  }
0x28d: {  	s4 =	sadd.s32 s4, s6;
	v13 =	vadd.f32 v14, v13;
	v14 =	vld [tilespmem:s15+$0xFFFFAEE0];
	v16 =	vadd.f32 v16, v17;
	[tilespmem:s7+$0x40] =	vst v10  }
0x28e: {  	v18 =	vand.u32 $0xFFFF0000, v18;
	v20 =	vshll.u32 v22, $0x10;
	v23 =	vld [tilespmem:s15+$0xFFFFD6E0];
	v21 =	vand.u32 $0xFFFF0000, v22;
	[tilespmem:s4+$0x0] =	vst v11  }
0x28f: {  	v22 =	vld [tilespmem:s15+$0xFFFFFEE0];
	v13 =	vadd.f32 v18, v13;
	v18 =	vshll.u32 v12, $0x10;
	v10 =	vand.u32 $0xFFFF0000, v12;
	[tilespmem:s4+$0x10] =	vst v16  }
0x290: {  	v18 =	vadd.f32 v18, v20;
	v12 =	vadd.f32 v10, v21;
	v21 =	vld [tilespmem:s15+$0xFFFFAF60]  }
0x291: {  	v20 =	vshll.u32 v19, $0x10;
	[tilespmem:s7+$0x50] =	vst v13;
	v58 =	vld [tilespmem:s15+$0xFFFFD760]  }
0x292: {  	v13 =	vand.u32 $0xFFFF0000, v19;
	v19 =	vld [tilespmem:s15+$0xFFFFB000];
	v11 =	vadd.f32 v20, v18  }
0x293: {  	v16 =	vld [tilespmem:s15+$0xFFFFD800];
	v18 =	vshll.u32 v14, $0x10;
	v20 =	vadd.f32 v13, v12;
	v12 =	vshll.u32 v23, $0x10  }
0x294: {  	v14 =	vand.u32 $0xFFFF0000, v14;
	v13 =	vand.u32 $0xFFFF0000, v23;
	v18 =	vadd.f32 v12, v18  }
0x295: {  	v17 =	vld [tilespmem:s19+$0xFFFFFF80];
	v10 =	vshll.u32 v15, $0x10;
	v23 =	vshll.u32 v22, $0x10;
	v14 =	vadd.f32 v13, v14  }
0x296: {  	v22 =	vand.u32 $0xFFFF0000, v22;
	v13 =	vld [tilespmem:s15+$0x0];
	[tilespmem:s8+$0x20] =	vst v11;
	v12 =	vand.u32 $0xFFFF0000, v15;
	v15 =	vadd.f32 v23, v18  }
0x297: {  	[tilespmem:s8+$0x30] =	vst v20;
	v14 =	vadd.f32 v22, v14;
	v18 =	vld [tilespmem:s15+$0xFFFFFF60];
	v60 =	vshll.u32 v21, $0x10;
	v21 =	vand.u32 $0xFFFF0000, v21  }
0x298: {  	v22 =	vld [tilespmem:s15+$0xFFFFAE70];
	v24 =	vand.u32 $0xFFFF0000, v58;
	v20 =	vshll.u32 v19, $0x10;
	v23 =	vshll.u32 v16, $0x10  }
0x299: {  	v59 =	vld [tilespmem:s15+$0xFFFFD670];
	v19 =	vand.u32 $0xFFFF0000, v19;
	v16 =	vand.u32 $0xFFFF0000, v16;
	v21 =	vadd.f32 v24, v21;
	[tilespmem:s3+$0x20] =	vst v15  }
0x29a: {  	v11 =	vshll.u32 v17, $0x10;
	v16 =	vadd.f32 v16, v19;
	v19 =	vld [tilespmem:s15+$0xFFFFFE70];
	[tilespmem:s3+$0x30] =	vst v14;
	v14 =	vadd.f32 v23, v20  }
0x29b: {  	v15 =	vand.u32 $0xFFFF0000, v17;
	v23 =	vshll.u32 v58, $0x10;
	v20 =	vand.u32 $0xFFFF0000, v13;
	v17 =	vld [tilespmem:s15+$0xFFFFAEF0]  }
0x29c: {  	v27 =	vld [tilespmem:s15+$0xFFFFD6F0];
	v23 =	vadd.f32 v23, v60;
	v20 =	vadd.f32 v20, v16;
	v61 =	vshll.u32 v18, $0x10  }
0x29d: {  	v16 =	vld [tilespmem:s15+$0xFFFFFEF0];
	v62 =	vshll.u32 v22, $0x10;
	v22 =	vand.u32 $0xFFFF0000, v22;
	v18 =	vand.u32 $0xFFFF0000, v18  }
0x29e: {  	[tilespmem:s2+$0x70] =	vst v0;
	v0 =	vshll.u32 v59, $0x10;
	v23 =	vadd.f32 v61, v23;
	v21 =	vadd.f32 v18, v21  }
0x29f: {  	[tilespmem:s2+$0x60] =	vst v3;
	v0 =	vadd.f32 v0, v62;
	v18 =	vand.u32 $0xFFFF0000, v59;
	v3 =	vshll.u32 v19, $0x10  }
0x2a0: {  	v18 =	vadd.f32 v18, v22;
	v19 =	vand.u32 $0xFFFF0000, v19;
	v22 =	vshll.u32 v17, $0x10;
	[tilespmem:s4+$0x20] =	vst v23  }
0x2a1: {  	v17 =	vand.u32 $0xFFFF0000, v17;
	v23 =	vshll.u32 v27, $0x10;
	v63 =	vand.u32 $0xFFFF0000, v27;
	[tilespmem:s4+$0x30] =	vst v21  }
0x2a2: {  	s2 =	simm.s32 $0x4;
	s9 =	simm.s32 $0xE0F0;
	[tilespmem:s7+$0x70] =	vst v20;
	v21 =	vadd.f32 v23, v22;
	v22 =	vshll.u32 v16, $0x10;
	v20 =	vadd.f32 v63, v17;
	v17 =	vld [tilespmem:s15+$0xFFFFAF70]  }
.LBB2_8:
0x2a3: {  	v23 =	vld [tilespmem:s9+$0xFFFFAF90];
	v0 =	vadd.f32 v3, v0;
	v3 =	vadd.f32 v19, v18;
	v16 =	vand.u32 $0xFFFF0000, v16  }
0x2a4: {  	v13 =	vshll.u32 v13, $0x10;
	v18 =	vld [tilespmem:s9+$0xFFFFD790];
	v19 =	vadd.f32 v22, v21;
	v16 =	vadd.f32 v16, v20  }
0x2a5: {  	v4 =	vadd.f32 v4, v1;
	v2 =	vadd.f32 v5, v2;
	v20 =	vld [tilespmem:s9+$0xFFFFAE10];
	[tilespmem:s8+$0x40] =	vst v0  }
0x2a6: {  	v5 =	vld [tilespmem:s9+$0xFFFFFF90];
	[tilespmem:s8+$0x50] =	vst v3;
	v3 =	vadd.f32 v10, v6;
	v6 =	vadd.f32 v12, v8  }
0x2a7: {  	v7 =	vadd.f32 v11, v7;
	v8 =	vld [tilespmem:s9+$0xFFFFD610];
	[tilespmem:s3+$0x40] =	vst v19;
	v1 =	vshll.u32 v17, $0x10;
	v0 =	vand.u32 $0xFFFF0000, v17  }
0x2a8: {  	v9 =	vadd.f32 v15, v9;
	v11 =	vadd.f32 v13, v14;
	v10 =	vld [tilespmem:s9+$0xFFFFAE90];
	[tilespmem:s3+$0x50] =	vst v16  }
0x2a9: {  	v13 =	vshll.u32 v23, $0x10;
	v12 =	vld [tilespmem:s9+$0xFFFFD690];
	v14 =	vshll.u32 v18, $0x10;
	[tilespmem:s1+$0x60] =	vst v4  }
0x2aa: {  	s16 =	sadd.s32 $0x400, s16;
	v15 =	vand.u32 $0xFFFF0000, v18;
	v4 =	vld [tilespmem:s9+$0xFFFFAF10];
	v13 =	vadd.f32 v14, v13;
	v14 =	vand.u32 $0xFFFF0000, v23;
	[tilespmem:s1+$0x70] =	vst v2;
	s1 =	smov.u32 s8  }
0x2ab: {  	s18 =	sadd.s32 $0x200, s18;
	v2 =	vshll.u32 v20, $0x10;
	s8 =	sand.u32 $0x7800, s16;
	v16 =	vld [tilespmem:s9+$0xFFFFD710];
	v17 =	vshll.u32 v5, $0x10;
	v14 =	vadd.f32 v15, v14;
	[tilespmem:s0+$0x60] =	vst v3  }
0x2ac: {  	s6 =	sadd.s32 $0xFFFFFF00, s18;
	s10 =	sand.u32 $0x380, s18;
	s5 =	sadd.s32 $0x15300, s8;
	v5 =	vand.u32 $0xFFFF0000, v5;
	v3 =	vld [tilespmem:s9+$0xFFFFFE10];
	v15 =	vshll.u32 v8, $0x10;
	v13 =	vadd.f32 v17, v13  }
0x2ad: {  	s11 =	sadd.s32 $0xFFFFFE80, s18;
	s12 =	sadd.s32 $0xFFFFFF80, s18;
	v17 =	vand.u32 $0xFFFF0000, v20;
	v8 =	vand.u32 $0xFFFF0000, v8;
	s17 =	sadd.s32 s10, s5;
	v18 =	vld [tilespmem:s9+$0xFFFFFE90];
	v5 =	vadd.f32 v5, v14;
	[tilespmem:s0+$0x70] =	vst v6  }
0x2ae: {  	s13 =	sand.u32 $0x200, s11;
	s14 =	sand.u32 $0x280, s6;
	s12 =	sand.u32 $0x300, s12;
	v6 =	vshll.u32 v10, $0x10;
	v10 =	vand.u32 $0xFFFF0000, v10;
	v14 =	vshll.u32 v12, $0x10;
	v19 =	vld [tilespmem:s9+$0xFFFFFF10];
	[tilespmem:s17+$0x0] =	vst v13  }
0x2af: {  	s11 =	sadd.s32 s13, s5;
	s6 =	sadd.s32 s14, s5;
	s5 =	sadd.s32 s12, s5;
	v12 =	vand.u32 $0xFFFF0000, v12;
	v13 =	vshll.u32 v4, $0x10;
	v4 =	vand.u32 $0xFFFF0000, v4;
	[tilespmem:s17+$0x10] =	vst v5;
	v5 =	vld [tilespmem:s15+$0xFFFFD770]  }
0x2b0: {  	v2 =	vadd.f32 v15, v2;
	s0 =	smov.u32 s3;
	v15 =	vshll.u32 v16, $0x10;
	v16 =	vand.u32 $0xFFFF0000, v16;
	v20 =	vld [tilespmem:s9+$0xFFFFAFA0];
	[tilespmem:s31+$0x60] =	vst v7  }
0x2b1: {  	v8 =	vadd.f32 v8, v17;
	v6 =	vadd.f32 v14, v6;
	v7 =	vshll.u32 v3, $0x10;
	v14 =	vld [tilespmem:s9+$0xFFFFD7A0];
	[tilespmem:s31+$0x70] =	vst v9;
	s31 =	smov.u32 s4  }
0x2b2: {  	s2 =	sadd.s32 $0x4, s2;
	v3 =	vand.u32 $0xFFFF0000, v3;
	v9 =	vadd.f32 v12, v10;
	v10 =	vadd.f32 v15, v13;
	v12 =	vld [tilespmem:s15+$0xFFFFFF70];
	[tilespmem:s7+$0x60] =	vst v11  }
0x2b3: {  	p0 =	slt.u32 s2, $0x4C;
	v4 =	vadd.f32 v16, v4;
	v11 =	vshll.u32 v18, $0x10;
	v13 =	vand.u32 $0xFFFF0000, v18;
	v15 =	vld [tilespmem:s9+$0xFFFFFFA0]  }
0x2b4: {  	v2 =	vadd.f32 v7, v2;
	v7 =	vshll.u32 v19, $0x10;
	v16 =	vand.u32 $0xFFFF0000, v19;
	v17 =	vld [tilespmem:s15+$0xFFFFAE80]  }
0x2b5: {  	v8 =	vadd.f32 v3, v8;
	v6 =	vadd.f32 v11, v6;
	v18 =	vshll.u32 v5, $0x10;
	v11 =	vld [tilespmem:s15+$0xFFFFD680]  }
0x2b6: {  	[tilespmem:s11+$0x0] =	vst v2;
	v2 =	vadd.f32 v13, v9;
	v9 =	vshll.u32 v20, $0x10;
	v13 =	vshll.u32 v14, $0x10;
	v3 =	vld [tilespmem:s15+$0xFFFFAF00]  }
0x2b7: {  	v14 =	vand.u32 $0xFFFF0000, v14;
	[tilespmem:s11+$0x10] =	vst v8;
	v9 =	vadd.f32 v13, v9;
	v13 =	vand.u32 $0xFFFF0000, v20;
	v8 =	vld [tilespmem:s15+$0xFFFFD700]  }
0x2b8: {  	v19 =	vld [tilespmem:s9+$0xFFFFAE20];
	[tilespmem:s6+$0x0] =	vst v6;
	v6 =	vadd.f32 v7, v10;
	v7 =	vshll.u32 v15, $0x10;
	v10 =	vadd.f32 v14, v13  }
0x2b9: {  	v4 =	vadd.f32 v16, v4;
	v13 =	vld [tilespmem:s9+$0xFFFFD620];
	[tilespmem:s6+$0x10] =	vst v2;
	v2 =	vadd.f32 v7, v9;
	v7 =	vand.u32 $0xFFFF0000, v15  }
0x2ba: {  	v9 =	vld [tilespmem:s9+$0xFFFFAEA0];
	[tilespmem:s5+$0x0] =	vst v6;
	v6 =	vadd.f32 v7, v10;
	v7 =	vadd.f32 v18, v1;
	v1 =	vand.u32 $0xFFFF0000, v5  }
0x2bb: {  	v10 =	vshll.u32 v12, $0x10;
	v12 =	vand.u32 $0xFFFF0000, v12;
	v5 =	vld [tilespmem:s9+$0xFFFFD6A0];
	[tilespmem:s17+$0x20] =	vst v2;
	v0 =	vadd.f32 v1, v0  }
0x2bc: {  	v1 =	vshll.u32 v17, $0x10;
	v2 =	vshll.u32 v11, $0x10;
	v14 =	vld [tilespmem:s9+$0xFFFFFE20];
	[tilespmem:s17+$0x30] =	vst v6;
	v6 =	vadd.f32 v10, v7  }
0x2bd: {  	v7 =	vshll.u32 v19, $0x10;
	v10 =	vand.u32 $0xFFFF0000, v19;
	[tilespmem:s5+$0x10] =	vst v4;
	v15 =	vld [tilespmem:s9+$0xFFFFAFB0];
	v0 =	vadd.f32 v12, v0  }
0x2be: {  	v4 =	vand.u32 $0xFFFF0000, v17;
	v12 =	vshll.u32 v13, $0x10;
	v13 =	vand.u32 $0xFFFF0000, v13;
	v16 =	vld [tilespmem:s9+$0xFFFFD7B0];
	[tilespmem:s31+$0x40] =	vst v6  }
0x2bf: {  	v6 =	vadd.f32 v12, v7;
	v7 =	vshll.u32 v9, $0x10;
	v9 =	vand.u32 $0xFFFF0000, v9;
	v17 =	vld [tilespmem:s9+$0xFFFFAF20];
	[tilespmem:s31+$0x50] =	vst v0  }
0x2c0: {  	v0 =	vadd.f32 v13, v10;
	v10 =	vshll.u32 v5, $0x10;
	v5 =	vand.u32 $0xFFFF0000, v5;
	v18 =	vld [tilespmem:s9+$0xFFFFFFB0]  }
0x2c1: {  	v12 =	vshll.u32 v14, $0x10;
	v7 =	vadd.f32 v10, v7;
	v9 =	vadd.f32 v5, v9;
	v10 =	vld [tilespmem:s9+$0xFFFFD720]  }
0x2c2: {  	v5 =	vand.u32 $0xFFFF0000, v11;
	v6 =	vadd.f32 v12, v6;
	v12 =	vand.u32 $0xFFFF0000, v14;
	v14 =	vld [tilespmem:s9+$0xFFFFFEA0]  }
0x2c3: {  	v0 =	vadd.f32 v12, v0;
	v11 =	vld [tilespmem:s9+$0xFFFFFF20];
	v12 =	vshll.u32 v15, $0x10;
	v13 =	vshll.u32 v16, $0x10  }
0x2c4: {  	[tilespmem:s11+$0x20] =	vst v6;
	v6 =	vadd.f32 v13, v12;
	v13 =	vand.u32 $0xFFFF0000, v15;
	v15 =	vand.u32 $0xFFFF0000, v16;
	v12 =	vld [tilespmem:s15+$0xFFFFAF80]  }
0x2c5: {  	[tilespmem:s11+$0x30] =	vst v0;
	v0 =	vshll.u32 v17, $0x10;
	v16 =	vshll.u32 v18, $0x10;
	v15 =	vadd.f32 v15, v13;
	v13 =	vld [tilespmem:s15+$0xFFFFD780]  }
0x2c6: {  	v19 =	vld [tilespmem:s9+$0xFFFFAE30];
	v20 =	vshll.u32 v10, $0x10;
	v6 =	vadd.f32 v16, v6;
	v16 =	vand.u32 $0xFFFF0000, v18  }
0x2c7: {  	v17 =	vand.u32 $0xFFFF0000, v17;
	v10 =	vand.u32 $0xFFFF0000, v10;
	v18 =	vld [tilespmem:s9+$0xFFFFD630];
	v15 =	vadd.f32 v16, v15  }
0x2c8: {  	v21 =	vshll.u32 v14, $0x10;
	v0 =	vadd.f32 v20, v0;
	v10 =	vadd.f32 v10, v17;
	v16 =	vld [tilespmem:s9+$0xFFFFFE30];
	[tilespmem:s17+$0x40] =	vst v6  }
0x2c9: {  	v14 =	vand.u32 $0xFFFF0000, v14;
	v17 =	vshll.u32 v11, $0x10;
	v11 =	vand.u32 $0xFFFF0000, v11;
	[tilespmem:s17+$0x50] =	vst v15;
	v6 =	vld [tilespmem:s15+$0xFFFFFE80]  }
0x2ca: {  	v7 =	vadd.f32 v21, v7;
	v14 =	vadd.f32 v14, v9;
	v9 =	vshll.u32 v3, $0x10;
	v15 =	vld [tilespmem:s9+$0xFFFFAFC0]  }
0x2cb: {  	v17 =	vadd.f32 v17, v0;
	v10 =	vadd.f32 v11, v10;
	v20 =	vshll.u32 v19, $0x10;
	v11 =	vld [tilespmem:s9+$0xFFFFD7C0]  }
0x2cc: {  	v19 =	vand.u32 $0xFFFF0000, v19;
	v21 =	vshll.u32 v18, $0x10;
	v18 =	vand.u32 $0xFFFF0000, v18;
	[tilespmem:s6+$0x20] =	vst v7;
	v0 =	vld [tilespmem:s15+$0xFFFFFF00]  }
0x2cd: {  	v20 =	vadd.f32 v21, v20;
	v21 =	vshll.u32 v16, $0x10;
	v18 =	vadd.f32 v18, v19;
	[tilespmem:s6+$0x30] =	vst v14;
	v19 =	vld [tilespmem:s9+$0xFFFFFFC0]  }
0x2ce: {  	v7 =	vand.u32 $0xFFFF0000, v3;
	v16 =	vand.u32 $0xFFFF0000, v16;
	v14 =	vshll.u32 v8, $0x10;
	v22 =	vld [tilespmem:s9+$0xFFFFAEB0];
	[tilespmem:s5+$0x20] =	vst v17  }
0x2cf: {  	v8 =	vand.u32 $0xFFFF0000, v8;
	v3 =	vadd.f32 v21, v20;
	v16 =	vadd.f32 v16, v18;
	v17 =	vld [tilespmem:s9+$0xFFFFD6B0];
	[tilespmem:s5+$0x30] =	vst v10  }
0x2d0: {  	v20 =	vshll.u32 v15, $0x10;
	v10 =	vshll.u32 v12, $0x10;
	v18 =	vld [tilespmem:s9+$0xFFFFAF30];
	v21 =	vshll.u32 v11, $0x10  }
0x2d1: {  	v15 =	vand.u32 $0xFFFF0000, v15;
	v11 =	vand.u32 $0xFFFF0000, v11;
	[tilespmem:s11+$0x40] =	vst v3;
	v3 =	vld [tilespmem:s9+$0xFFFFD730];
	v20 =	vadd.f32 v21, v20  }
0x2d2: {  	v15 =	vadd.f32 v11, v15;
	v11 =	vshll.u32 v13, $0x10;
	[tilespmem:s11+$0x50] =	vst v16;
	v16 =	vld [tilespmem:s9+$0xFFFFFEB0];
	v21 =	vshll.u32 v19, $0x10  }
0x2d3: {  	v19 =	vand.u32 $0xFFFF0000, v19;
	v23 =	vshll.u32 v22, $0x10;
	v24 =	vld [tilespmem:s9+$0xFFFFFF30];
	v20 =	vadd.f32 v21, v20  }
0x2d4: {  	v22 =	vand.u32 $0xFFFF0000, v22;
	v15 =	vadd.f32 v19, v15;
	v21 =	vld [tilespmem:s9+$0xFFFFAE40];
	v25 =	vshll.u32 v17, $0x10  }
0x2d5: {  	v17 =	vand.u32 $0xFFFF0000, v17;
	v19 =	vld [tilespmem:s9+$0xFFFFD640];
	v26 =	vshll.u32 v18, $0x10;
	v18 =	vand.u32 $0xFFFF0000, v18;
	[tilespmem:s17+$0x60] =	vst v20  }
0x2d6: {  	v23 =	vadd.f32 v25, v23;
	v20 =	vld [tilespmem:s9+$0xFFFFFE40];
	v25 =	vshll.u32 v3, $0x10;
	v3 =	vand.u32 $0xFFFF0000, v3;
	[tilespmem:s17+$0x70] =	vst v15  }
0x2d7: {  	v17 =	vadd.f32 v17, v22;
	v15 =	vshll.u32 v16, $0x10;
	v22 =	vadd.f32 v25, v26;
	v25 =	vld [tilespmem:s9+$0xFFFFAFD0]  }
0x2d8: {  	v16 =	vand.u32 $0xFFFF0000, v16;
	v18 =	vadd.f32 v3, v18;
	v26 =	vshll.u32 v24, $0x10;
	v27 =	vld [tilespmem:s9+$0xFFFFD7D0]  }
0x2d9: {  	v15 =	vadd.f32 v15, v23;
	v16 =	vadd.f32 v16, v17;
	v17 =	vand.u32 $0xFFFF0000, v24;
	v3 =	vld [tilespmem:s15+$0xFFFFFF80];
	s15 =	smov.u32 s9  }
0x2da: {  	v23 =	vshll.u32 v21, $0x10;
	v22 =	vadd.f32 v26, v22;
	v17 =	vadd.f32 v17, v18;
	v18 =	vld [tilespmem:s9+$0xFFFFFFD0]  }
0x2db: {  	v21 =	vand.u32 $0xFFFF0000, v21;
	v24 =	vshll.u32 v19, $0x10;
	v19 =	vand.u32 $0xFFFF0000, v19;
	[tilespmem:s6+$0x40] =	vst v15  }
0x2dc: {  	v15 =	vadd.f32 v24, v23;
	v23 =	vshll.u32 v20, $0x10;
	v19 =	vadd.f32 v19, v21;
	[tilespmem:s6+$0x50] =	vst v16  }
0x2dd: {  	v16 =	vand.u32 $0xFFFF0000, v20;
	v21 =	vshll.u32 v25, $0x10;
	v20 =	vld [tilespmem:s9+$0xFFFFAEC0];
	[tilespmem:s5+$0x40] =	vst v22;
	v22 =	vshll.u32 v27, $0x10  }
0x2de: {  	v24 =	vld [tilespmem:s9+$0xFFFFD6C0];
	[tilespmem:s5+$0x50] =	vst v17;
	v17 =	vadd.f32 v22, v21;
	v21 =	vand.u32 $0xFFFF0000, v25;
	v22 =	vand.u32 $0xFFFF0000, v27  }
0x2df: {  	v15 =	vadd.f32 v23, v15;
	v23 =	vld [tilespmem:s9+$0xFFFFAF40];
	v25 =	vshll.u32 v18, $0x10;
	v21 =	vadd.f32 v22, v21  }
0x2e0: {  	s4 =	sadd.s32 $0x15700, s8;
	v16 =	vadd.f32 v16, v19;
	v18 =	vand.u32 $0xFFFF0000, v18;
	v19 =	vld [tilespmem:s9+$0xFFFFD740];
	v17 =	vadd.f32 v25, v17  }
0x2e1: {  	s8 =	sadd.s32 s13, s4;
	s3 =	sadd.s32 s14, s4;
	s7 =	sadd.s32 s10, s4;
	v12 =	vand.u32 $0xFFFF0000, v12;
	v13 =	vand.u32 $0xFFFF0000, v13;
	[tilespmem:s11+$0x60] =	vst v15;
	v15 =	vld [tilespmem:s9+$0xFFFFFEC0];
	v18 =	vadd.f32 v18, v21  }
0x2e2: {  	s4 =	sadd.s32 s12, s4;
	v1 =	vadd.f32 v2, v1;
	v21 =	vshll.u32 v20, $0x10;
	v20 =	vand.u32 $0xFFFF0000, v20;
	v22 =	vld [tilespmem:s9+$0xFFFFFF40];
	[tilespmem:s7+$0x0] =	vst v17  }
0x2e3: {  	v2 =	vadd.f32 v5, v4;
	v17 =	vshll.u32 v24, $0x10;
	v24 =	vand.u32 $0xFFFF0000, v24;
	[tilespmem:s7+$0x10] =	vst v18  }
0x2e4: {  	[tilespmem:s11+$0x70] =	vst v16;
	v4 =	vadd.f32 v17, v21;
	v5 =	vshll.u32 v23, $0x10;
	v16 =	vand.u32 $0xFFFF0000, v23;
	v17 =	vld [tilespmem:s9+$0xFFFFAFE0]  }
0x2e5: {  	v18 =	vadd.f32 v24, v20;
	v20 =	vshll.u32 v19, $0x10;
	v19 =	vand.u32 $0xFFFF0000, v19;
	v21 =	vld [tilespmem:s9+$0xFFFFD7E0]  }
0x2e6: {  	v23 =	vld [tilespmem:s9+$0xFFFFAE50];
	v24 =	vshll.u32 v15, $0x10;
	v5 =	vadd.f32 v20, v5;
	v16 =	vadd.f32 v19, v16  }
0x2e7: {  	v15 =	vand.u32 $0xFFFF0000, v15;
	v19 =	vshll.u32 v22, $0x10;
	v20 =	vand.u32 $0xFFFF0000, v22;
	v22 =	vld [tilespmem:s9+$0xFFFFFFE0]  }
0x2e8: {  	v24 =	vadd.f32 v24, v4;
	v15 =	vadd.f32 v15, v18;
	v4 =	vshll.u32 v6, $0x10;
	v25 =	vld [tilespmem:s9+$0xFFFFD650]  }
0x2e9: {  	v19 =	vadd.f32 v19, v5;
	v16 =	vadd.f32 v20, v16;
	v5 =	vand.u32 $0xFFFF0000, v6;
	v18 =	vld [tilespmem:s9+$0xFFFFFE50]  }
0x2ea: {  	v6 =	vadd.f32 v14, v9;
	v20 =	vshll.u32 v17, $0x10;
	[tilespmem:s6+$0x60] =	vst v24;
	v24 =	vshll.u32 v21, $0x10  }
0x2eb: {  	v14 =	vand.u32 $0xFFFF0000, v17;
	[tilespmem:s6+$0x70] =	vst v15;
	v9 =	vadd.f32 v24, v20;
	v15 =	vand.u32 $0xFFFF0000, v21  }
0x2ec: {  	v17 =	vshll.u32 v23, $0x10;
	v20 =	vld [tilespmem:s9+$0xFFFFAED0];
	[tilespmem:s5+$0x60] =	vst v19;
	v19 =	vshll.u32 v22, $0x10;
	v14 =	vadd.f32 v15, v14  }
0x2ed: {  	v15 =	vshll.u32 v25, $0x10;
	v21 =	vld [tilespmem:s9+$0xFFFFD6D0];
	[tilespmem:s5+$0x70] =	vst v16;
	v9 =	vadd.f32 v19, v9;
	v16 =	vand.u32 $0xFFFF0000, v22  }
0x2ee: {  	v19 =	vand.u32 $0xFFFF0000, v23;
	v22 =	vand.u32 $0xFFFF0000, v25;
	v23 =	vld [tilespmem:s9+$0xFFFFAF50];
	v14 =	vadd.f32 v16, v14  }
0x2ef: {  	v15 =	vadd.f32 v15, v17;
	v16 =	vshll.u32 v18, $0x10;
	v17 =	vadd.f32 v22, v19;
	v19 =	vld [tilespmem:s9+$0xFFFFD750];
	[tilespmem:s7+$0x20] =	vst v9  }
0x2f0: {  	v8 =	vadd.f32 v8, v7;
	v7 =	vadd.f32 v11, v10;
	v9 =	vand.u32 $0xFFFF0000, v18;
	v18 =	vld [tilespmem:s9+$0xFFFFFED0];
	[tilespmem:s7+$0x30] =	vst v14  }
0x2f1: {  	v10 =	vadd.f32 v16, v15;
	v11 =	vshll.u32 v20, $0x10;
	v14 =	vand.u32 $0xFFFF0000, v20;
	v15 =	vld [tilespmem:s9+$0xFFFFAFF0]  }
0x2f2: {  	v9 =	vadd.f32 v9, v17;
	v16 =	vshll.u32 v21, $0x10;
	v17 =	vand.u32 $0xFFFF0000, v21;
	v20 =	vld [tilespmem:s9+$0xFFFFD7F0]  }
0x2f3: {  	[tilespmem:s8+$0x0] =	vst v10;
	v10 =	vadd.f32 v16, v11;
	v11 =	vld [tilespmem:s9+$0xFFFFFF50];
	v16 =	vshll.u32 v23, $0x10;
	v21 =	vand.u32 $0xFFFF0000, v23  }
0x2f4: {  	v14 =	vadd.f32 v17, v14;
	[tilespmem:s8+$0x10] =	vst v9;
	v9 =	vshll.u32 v19, $0x10;
	v17 =	vand.u32 $0xFFFF0000, v19;
	v19 =	vld [tilespmem:s9+$0xFFFFFFF0]  }
0x2f5: {  	v22 =	vld [tilespmem:s9+$0xFFFFAE60];
	v23 =	vshll.u32 v18, $0x10;
	v16 =	vadd.f32 v9, v16;
	v17 =	vadd.f32 v17, v21  }
0x2f6: {  	v18 =	vand.u32 $0xFFFF0000, v18;
	v9 =	vadd.f32 v13, v12;
	v21 =	vld [tilespmem:s9+$0xFFFFD660];
	v10 =	vadd.f32 v23, v10  }
0x2f7: {  	v13 =	vadd.f32 v18, v14;
	v14 =	vshll.u32 v15, $0x10;
	v12 =	vld [tilespmem:s9+$0xFFFFFE60];
	v18 =	vshll.u32 v20, $0x10  }
0x2f8: {  	[tilespmem:s3+$0x0] =	vst v10;
	v10 =	vadd.f32 v18, v14;
	v14 =	vand.u32 $0xFFFF0000, v15;
	v15 =	vand.u32 $0xFFFF0000, v20  }
0x2f9: {  	[tilespmem:s3+$0x10] =	vst v13;
	v13 =	vshll.u32 v11, $0x10;
	v18 =	vshll.u32 v19, $0x10;
	v14 =	vadd.f32 v15, v14  }
0x2fa: {  	v11 =	vand.u32 $0xFFFF0000, v11;
	v15 =	vld [tilespmem:s9+$0xFFFFAEE0];
	v10 =	vadd.f32 v18, v10;
	v18 =	vand.u32 $0xFFFF0000, v19  }
0x2fb: {  	v19 =	vshll.u32 v22, $0x10;
	v13 =	vadd.f32 v13, v16;
	v20 =	vld [tilespmem:s9+$0xFFFFD6E0];
	v14 =	vadd.f32 v18, v14  }
0x2fc: {  	v11 =	vadd.f32 v11, v17;
	v16 =	vshll.u32 v21, $0x10;
	v18 =	vand.u32 $0xFFFF0000, v22;
	v22 =	vld [tilespmem:s9+$0xFFFFFEE0];
	[tilespmem:s7+$0x40] =	vst v10  }
0x2fd: {  	v16 =	vadd.f32 v16, v19;
	v17 =	vshll.u32 v12, $0x10;
	v10 =	vand.u32 $0xFFFF0000, v21;
	[tilespmem:s7+$0x50] =	vst v14  }
0x2fe: {  	v12 =	vand.u32 $0xFFFF0000, v12;
	v14 =	vadd.f32 v10, v18;
	v10 =	vshll.u32 v0, $0x10;
	[tilespmem:s4+$0x0] =	vst v13;
	v18 =	vld [tilespmem:s9+$0xFFFFB000]  }
0x2ff: {  	v13 =	vadd.f32 v17, v16;
	v16 =	vshll.u32 v15, $0x10;
	v15 =	vand.u32 $0xFFFF0000, v15;
	[tilespmem:s4+$0x10] =	vst v11;
	v17 =	vld [tilespmem:s9+$0xFFFFD800]  }
0x300: {  	v11 =	vadd.f32 v12, v14;
	v12 =	vshll.u32 v20, $0x10;
	v14 =	vand.u32 $0xFFFF0000, v20;
	v19 =	vld [tilespmem:s9+$0xFFFFAF60]  }
0x301: {  	[tilespmem:s8+$0x20] =	vst v13;
	v16 =	vadd.f32 v12, v16;
	v20 =	vshll.u32 v22, $0x10;
	v14 =	vadd.f32 v14, v15;
	v13 =	vld [tilespmem:s9+$0x0]  }
0x302: {  	v15 =	vand.u32 $0xFFFF0000, v22;
	v12 =	vand.u32 $0xFFFF0000, v0;
	[tilespmem:s8+$0x30] =	vst v11;
	v21 =	vld [tilespmem:s9+$0xFFFFD760];
	v11 =	vshll.u32 v3, $0x10  }
0x303: {  	v0 =	vadd.f32 v20, v16;
	v14 =	vadd.f32 v15, v14;
	v20 =	vld [tilespmem:s9+$0xFFFFFF60];
	v15 =	vshll.u32 v18, $0x10  }
0x304: {  	v18 =	vand.u32 $0xFFFF0000, v18;
	v16 =	vld [tilespmem:s9+$0xFFFFAE70];
	v22 =	vshll.u32 v17, $0x10;
	v17 =	vand.u32 $0xFFFF0000, v17  }
0x305: {  	v23 =	vld [tilespmem:s9+$0xFFFFD670];
	[tilespmem:s3+$0x20] =	vst v0;
	v0 =	vshll.u32 v19, $0x10;
	v19 =	vand.u32 $0xFFFF0000, v19;
	v17 =	vadd.f32 v17, v18  }
0x306: {  	v24 =	vld [tilespmem:s9+$0xFFFFFE70];
	[tilespmem:s3+$0x30] =	vst v14;
	v14 =	vadd.f32 v22, v15;
	v18 =	vand.u32 $0xFFFF0000, v13;
	v15 =	vand.u32 $0xFFFF0000, v3  }
0x307: {  	v22 =	vld [tilespmem:s9+$0xFFFFAEF0];
	v3 =	vshll.u32 v21, $0x10;
	v21 =	vand.u32 $0xFFFF0000, v21;
	v17 =	vadd.f32 v18, v17  }
0x308: {  	v25 =	vld [tilespmem:s9+$0xFFFFD6F0];
	v0 =	vadd.f32 v3, v0;
	v3 =	vshll.u32 v20, $0x10;
	v18 =	vadd.f32 v21, v19  }
0x309: {  	v20 =	vand.u32 $0xFFFF0000, v20;
	v19 =	vshll.u32 v16, $0x10;
	v21 =	vand.u32 $0xFFFF0000, v16;
	v16 =	vld [tilespmem:s9+$0xFFFFFEF0];
	[tilespmem:s7+$0x70] =	vst v17  }
.Ltmp7:
0x30a: {  	v17 =	vshll.u32 v23, $0x10;
	v26 =	vadd.f32 v3, v0;
	v20 =	vadd.f32 v20, v18;
	(pc) =	sbr.rel @p0 .LBB2_8-.Ltmp7, $4  }
0x30b: {  	v0 =	vadd.f32 v17, v19;
	v3 =	vshll.u32 v24, $0x10;
	v17 =	vand.u32 $0xFFFF0000, v23  }
0x30c: {  	v18 =	vadd.f32 v17, v21;
	v17 =	vshll.u32 v22, $0x10;
	v23 =	vand.u32 $0xFFFF0000, v22;
	[tilespmem:s4+$0x20] =	vst v26  }
0x30d: {  	v19 =	vand.u32 $0xFFFF0000, v24;
	v21 =	vshll.u32 v25, $0x10;
	v24 =	vand.u32 $0xFFFF0000, v25;
	[tilespmem:s4+$0x30] =	vst v20  }
0x30e: {  	s9 =	sadd.s32 $0x200, s9;
	v21 =	vadd.f32 v21, v17;
	v22 =	vshll.u32 v16, $0x10;
	v20 =	vadd.f32 v24, v23;
	v17 =	vld [tilespmem:s15+$0xFFFFAF70]  }
0x30f: {  	v23 =	vld [tilespmem:s15+$0xFFFFD770]  }
0x310: {  	v0 =	vadd.f32 v3, v0  }
0x311: {  	v24 =	vld [tilespmem:s15+$0xFFFFFF70];
	v62 =	vadd.f32 v19, v18  }
0x312: {  	[tilespmem:s8+$0x40] =	vst v0  }
0x313: {  	v16 =	vand.u32 $0xFFFF0000, v16;
	v63 =	vadd.f32 v22, v21;
	[tilespmem:s8+$0x50] =	vst v62  }
0x314: {  	v16 =	vadd.f32 v16, v20;
	v31 =	vld [tilespmem:s15+$0xFFFFAE80];
	v25 =	vshll.u32 v17, $0x10;
	v26 =	vshll.u32 v23, $0x10  }
0x315: {  	[tilespmem:s3+$0x40] =	vst v63;
	v33 =	vld [tilespmem:s15+$0xFFFFD680];
	v27 =	vand.u32 $0xFFFF0000, v17;
	v29 =	vand.u32 $0xFFFF0000, v23;
	v28 =	vadd.f32 v26, v25  }
0x316: {  	v1 =	vadd.f32 v4, v1;
	[tilespmem:s3+$0x50] =	vst v16;
	v42 =	vld [tilespmem:s15+$0xFFFFFE80];
	v30 =	vshll.u32 v24, $0x10;
	v0 =	vadd.f32 v29, v27  }
0x317: {  	v36 =	vadd.f32 v5, v2;
	v34 =	vld [tilespmem:s15+$0xFFFFAF00];
	v32 =	vand.u32 $0xFFFF0000, v24;
	v3 =	vadd.f32 v30, v28  }
0x318: {  	v37 =	vadd.f32 v10, v6;
	v35 =	vld [tilespmem:s15+$0xFFFFD700];
	v0 =	vadd.f32 v32, v0  }
0x319: {  	v39 =	vshll.u32 v13, $0x10;
	v40 =	vadd.f32 v12, v8;
	v7 =	vadd.f32 v11, v7;
	v48 =	vld [tilespmem:s15+$0xFFFFFF00];
	[tilespmem:s4+$0x40] =	vst v3  }
0x31a: {  	v9 =	vadd.f32 v15, v9;
	v5 =	vadd.f32 v39, v14;
	[tilespmem:s4+$0x50] =	vst v0  }
0x31b: {  	[tilespmem:s1+$0x60] =	vst v1;
	v43 =	vshll.u32 v31, $0x10;
	v44 =	vshll.u32 v33, $0x10;
	v45 =	vand.u32 $0xFFFF0000, v31;
	v38 =	vld [tilespmem:s15+$0xFFFFAF80]  }
0x31c: {  	[tilespmem:s1+$0x70] =	vst v36;
	v46 =	vand.u32 $0xFFFF0000, v33;
	v55 =	vshll.u32 v42, $0x10;
	v56 =	vand.u32 $0xFFFF0000, v42;
	v41 =	vld [tilespmem:s15+$0xFFFFD780]  }
0x31d: {  	[tilespmem:s0+$0x60] =	vst v37;
	v47 =	vshll.u32 v34, $0x10;
	v49 =	vshll.u32 v35, $0x10;
	v1 =	vadd.f32 v44, v43  }
0x31e: {  	[tilespmem:s0+$0x70] =	vst v40;
	v50 =	vand.u32 $0xFFFF0000, v34;
	v58 =	vshll.u32 v48, $0x10;
	v0 =	vadd.f32 v46, v45;
	v53 =	vld [tilespmem:s15+$0xFFFFFF80]  }
0x31f: {  	[tilespmem:s31+$0x60] =	vst v7;
	v3 =	vand.u32 $0xFFFF0000, v35;
	v57 =	vadd.f32 v49, v47;
	v1 =	vadd.f32 v55, v1  }
0x320: {  	[tilespmem:s31+$0x70] =	vst v9;
	v60 =	vand.u32 $0xFFFF0000, v48;
	v2 =	vadd.f32 v3, v50;
	v0 =	vadd.f32 v56, v0  }
0x321: {  	[tilespmem:s7+$0x60] =	vst v5;
	v3 =	vadd.f32 v58, v57;
	v51 =	vshll.u32 v38, $0x10;
	v52 =	vshll.u32 v41, $0x10  }
0x322: {  	[tilespmem:s8+$0x60] =	vst v1;
	v4 =	vand.u32 $0xFFFF0000, v38;
	v54 =	vand.u32 $0xFFFF0000, v41;
	v59 =	vadd.f32 v52, v51  }
0x323: {  	v2 =	vadd.f32 v60, v2;
	[tilespmem:s8+$0x70] =	vst v0;
	v62 =	vshll.u32 v53, $0x10;
	v61 =	vadd.f32 v54, v4  }
.Ltmp8:
0x324: {  	s30 =	sadd.s32 s21, s30;
	[tilespmem:s3+$0x60] =	vst v3;
	v63 =	vand.u32 $0xFFFF0000, v53;
	v4 =	vadd.f32 v62, v59;
	(pc) =	sbr.rel .LBB2_10-.Ltmp8, $4  }
0x325: {  	s0 =	smul.u32 $0xA00, s30;
	[tilespmem:s3+$0x70] =	vst v2;
	v0 =	vadd.f32 v63, v61  }
0x326: {  	[tilespmem:s4+$0x60] =	vst v4  }
0x327: {  	s31 =	simm.s32 $0x15300;
	s0 =	sadd.s32 s20, s0;
	[tilespmem:s4+$0x70] =	vst v0  }
0x328: {  	[hbm4b:s0+s22] =	stream.linear.scatter [tilespmem:s31], [sflag:$0x4], $0x5000, $0x38;
	[tilespmem:$0x1A300] =	vst v63  }
.LBB2_12:
0x329: {  	_ =	sfence.sel $0x180000  }
0x32a: {  	[bflag:$0x0] =	sbarrier.arrive $0xFFFF  }
0x32b: {  	_ =	strace $0x90000047  }
0x32c: {  	s0 =	stileid.u32;
	[bflag:$0x2] =	sbarrier.arrive $0xFFFF  }
0x32d: {  	p0 =	sne.s32 s0, $0x0;
	s0 =	rddreg [dreg:$0x2]  }
0x32e: {  	s0 =	sadd.s32 @!p0 $0x100000, s0  }
0x32f: {  	[sflag:s0] =	ssyncadd.tile.s32 @!p0 $0x1;
	_ =	shalt  }
.Lfunc_end2:
_tile_overlayer_lowered:
.L_overlay_start_2:
0x330: {  	(tag) =	ssettag $0x2  }
0x331: {  	s0 =	rddreg [dreg:$0x0];
	s2 =	stileid.u32  }
0x332: {  	s1 =	rddreg [dreg:$0x1];
	p0 =	sne.s32 s2, $0x0  }
0x333: {  	s3 =	rddreg [dreg:$0x2];
	[bflag:$0x3] =	sbarrier.arrive $0xFFFF;
	s2 =	simm.s32 @!p0 $0x1C05  }
0x334: {  	[timem:s3], [sflag:s2] =	dma.local @!p0 [hbm:s0], s1  }
0x335: {  	s0 =	simm.s32 @!p0 $0x5  }
0x336: {  	_ =	swait.ge @!p0 [sflag:s0], s1  }
0x337: {  	s1 =	ssub.s32 @!p0 $0x0, s1;
	[sflag:s0] =	ssyncset.done @!p0 $0x0  }
0x338: {  	[sflag:s0] =	ssyncadd.s32 @!p0 s1  }
0x339: {  	[bflag:$0x3] =	sbarrier.arrive $0xFFFF  }
0x33a: {  	_ =	shalt  }

</sc_bundles>
